<compile_context>
chip_gen: v7x
topology: tpu7x:2x2x1
jax: 0.10.2.dev20260603
libtpu: 0.0.44.dev20260713+nightly
codegen_flags: <defaults>
</compile_context>

<pallas_src>
import jax
import jax.numpy as jnp
from jax import lax
from jax.experimental import pallas as pl
from jax.experimental.pallas import tpu as pltpu
from jax.experimental.pallas import tpu_sc as plsc

N, E, DIN, DOUT, S = 10000, 320000, 128, 16, 3
NEG_SLOPE = 0.2
NC, NS, L = 2, 16, 16
NW = NC * NS
C = 80
NCHUNK = E // C
NPAD = 10240
ROWS_PER_TILE = NPAD // NS
RW = 128


def _splat(v, k):
    idx = jnp.full((L,), k, jnp.int32)
    return lax.gather(
        v, idx[:, None],
        lax.GatherDimensionNumbers(offset_dims=(), collapsed_slice_dims=(0,),
                                   start_index_map=(0,)),
        slice_sizes=(1,), mode=lax.GatherScatterMode.PROMISE_IN_BOUNDS)


def _prep_body(x_ref, m1_ref, mr_ref, m3_ref, featx_ref, er4_ref, res3_ref):
    x = x_ref[...]
    featx_ref[...] = jnp.dot(x, m1_ref[...], preferred_element_type=jnp.float32)
    er4_ref[...] = jnp.dot(x, mr_ref[...], preferred_element_type=jnp.float32)
    res3_ref[...] = jnp.dot(x, m3_ref[...], preferred_element_type=jnp.float32)


def _edge_body(src_hbm, dst_hbm, featx_hbm, er0_hbm, er1_hbm, er2_hbm,
               acc_hbm,
               src_a, dst_a, rows_a, e0_a, e1_a, e2_a,
               src_b, dst_b, rows_b, e0_b, e1_b, e2_b,
               src_c, dst_c, rows_c, e0_c, e1_c, e2_c,
               er_sh0, er_sh1, er_sh2, acc_sh,
               gsem_a, ssem_a, esem_a, gsem_b, ssem_b, esem_b,
               gsem_c, ssem_c, esem_c):
    cid = lax.axis_index("c")
    sid = lax.axis_index("s")
    wid = cid * NS + sid
    tsl = pl.ds(sid * ROWS_PER_TILE, ROWS_PER_TILE)

    pltpu.sync_copy(er0_hbm.at[tsl], er_sh0.at[tsl])
    pltpu.sync_copy(er1_hbm.at[tsl], er_sh1.at[tsl])
    pltpu.sync_copy(er2_hbm.at[tsl], er_sh2.at[tsl])

    def zrow_body(r, _):
        for cc in range(RW // L):
            rows_a[r, pl.ds(cc * L, L)] = jnp.zeros((L,), jnp.float32)
        return 0

    lax.fori_loop(0, C, zrow_body, 0)
    for t in range(ROWS_PER_TILE // C):
        pltpu.sync_copy(rows_a, acc_sh.at[pl.ds(sid * ROWS_PER_TILE + t * C, C)])
    plsc.subcore_barrier()

    iota = lax.iota(jnp.int32, L)
    bufs = ((src_a, dst_a, rows_a, (e0_a, e1_a, e2_a), gsem_a, ssem_a, esem_a),
            (src_b, dst_b, rows_b, (e0_b, e1_b, e2_b), gsem_b, ssem_b, esem_b),
            (src_c, dst_c, rows_c, (e0_c, e1_c, e2_c), gsem_c, ssem_c, esem_c))
    er_planes = (er_sh0, er_sh1, er_sh2)

    def load_issue(i, b):
        sv, dv, rv, ev, gs, _, es = bufs[b]
        base = (i * NW + wid) * C
        pltpu.async_copy(src_hbm.at[pl.ds(base, C)], sv, es)
        pltpu.async_copy(dst_hbm.at[pl.ds(base, C)], dv, es)
        pltpu.make_async_copy(src_hbm.at[pl.ds(base, C)], sv, es).wait()
        pltpu.make_async_copy(dst_hbm.at[pl.ds(base, C)], dv, es).wait()
        pltpu.async_copy(featx_hbm.at[sv], rv, gs)
        for k in range(S):
            pltpu.async_copy(er_planes[k].at[dv], ev[k], es)

    def wait_scatter(b):
        sv, dv, rv, ev, gs, ss, es = bufs[b]
        pltpu.make_async_copy(rv, acc_sh.at[dv], ss).wait()

    def compute(b):
        sv, dv, rv, ev, gs, ss, es = bufs[b]
        pltpu.make_async_copy(featx_hbm.at[sv], rv, gs).wait()
        for k in range(S):
            pltpu.make_async_copy(er_planes[k].at[dv], ev[k], es).wait()

        def group_body(g, _):
            rowi = g * L + iota
            esl = pl.ds(g * L, L)
            for k in range(S):
                colel = jnp.full((L,), 48 + k, jnp.int32)
                el = plsc.load_gather(rv, [rowi, colel])
                s = el + ev[k][esl]
                p = jnp.exp(jnp.maximum(s, NEG_SLOPE * s))
                plsc.store_scatter(rv, [rowi, colel], p)
            return 0

        lax.fori_loop(0, C // L, group_body, 0)

        def edge_body(e, _):
            pv = rv[e, pl.ds(48, L)]
            for k in range(S):
                pk = _splat(pv, k)
                v = rv[e, pl.ds(k * DOUT, DOUT)]
                rv[e, pl.ds(k * DOUT, DOUT)] = v * pk
            return 0

        lax.fori_loop(0, C, edge_body, 0)
        pltpu.async_copy(rv, acc_sh.at[dv], ss, add=True)

    NCH = NCHUNK // NW
    load_issue(0, 0)
    load_issue(1, 1)
    compute(0)
    load_issue(2, 2)

    def triple_body(t, _):
        compute(1)
        wait_scatter(0)
        load_issue(3 * t + 3, 0)
        compute(2)
        wait_scatter(1)
        load_issue(3 * t + 4, 1)
        compute(0)
        wait_scatter(2)
        load_issue(3 * t + 5, 2)
        return 0

    lax.fori_loop(0, (NCH - 5) // 3, triple_body, 0)
    compute(1)
    wait_scatter(0)
    load_issue(NCH - 2, 0)
    compute(2)
    wait_scatter(1)
    load_issue(NCH - 1, 1)
    compute(0)
    compute(1)
    wait_scatter(2)
    wait_scatter(0)
    wait_scatter(1)
    plsc.subcore_barrier()
    pltpu.sync_copy(acc_sh.at[tsl], acc_hbm.at[cid, tsl])


def _combine_body(acc0_ref, acc1_ref, res3_ref, bias_ref, o0_ref, o1_ref, o2_ref):
    a = acc0_ref[0] + acc1_ref[0]
    outs = (o0_ref, o1_ref, o2_ref)
    for k in range(S):
        num = a[:, k * DOUT:(k + 1) * DOUT]
        den = a[:, 48 + k:49 + k]
        val = jnp.where(den > 0.0, num / den, 0.0)
        outs[k][...] = val + res3_ref[:, k * DOUT:(k + 1) * DOUT] + bias_ref[:, k * DOUT:(k + 1) * DOUT]


@jax.jit
def kernel(h_list, g_list, W, attn_l, attn_r, res_W, bias):
    x = h_list.reshape(N, DIN).astype(jnp.float32)
    xpad = jnp.zeros((NPAD, DIN), jnp.float32).at[:N].set(x)
    src = g_list[0].astype(jnp.int32)
    dst = g_list[1].astype(jnp.int32)

    wl = jnp.einsum("kdf,kf->dk", W.reshape(S, DIN, DOUT), attn_l.reshape(S, DOUT))
    wr = jnp.einsum("kdf,kf->dk", W.reshape(S, DIN, DOUT), attn_r.reshape(S, DOUT))
    wcat = jnp.concatenate([W[k] for k in range(S)], axis=1)
    m1 = jnp.concatenate([wcat, wl, jnp.zeros((DIN, RW - 51), jnp.float32)], axis=1)
    mr = jnp.concatenate([wr, jnp.zeros((DIN, 1), jnp.float32)], axis=1)
    m3 = jnp.concatenate([res_W[k] for k in range(S)], axis=1)

    blk = 1024
    grid = NPAD // blk
    featx, er4, res3 = pl.pallas_call(
        _prep_body,
        grid=(grid,),
        in_specs=[
            pl.BlockSpec((blk, DIN), lambda i: (i, 0)),
            pl.BlockSpec((DIN, RW), lambda i: (0, 0)),
            pl.BlockSpec((DIN, 4), lambda i: (0, 0)),
            pl.BlockSpec((DIN, 48), lambda i: (0, 0)),
        ],
        out_specs=[
            pl.BlockSpec((blk, RW), lambda i: (i, 0)),
            pl.BlockSpec((blk, 4), lambda i: (i, 0)),
            pl.BlockSpec((blk, 48), lambda i: (i, 0)),
        ],
        out_shape=[
            jax.ShapeDtypeStruct((NPAD, RW), jnp.float32),
            jax.ShapeDtypeStruct((NPAD, 4), jnp.float32),
            jax.ShapeDtypeStruct((NPAD, 48), jnp.float32),
        ],
    )(xpad, m1, mr, m3)

    er_p = [er4[:, k].reshape(NPAD) for k in range(S)]

    edge_kernel = pl.kernel(
        _edge_body,
        out_type=jax.ShapeDtypeStruct((NC, NPAD, RW), jnp.float32),
        mesh=plsc.VectorSubcoreMesh(core_axis_name="c", subcore_axis_name="s"),
        compiler_params=pltpu.CompilerParams(needs_layout_passes=False),
        scratch_types=[
            pltpu.VMEM((C,), jnp.int32),
            pltpu.VMEM((C,), jnp.int32),
            pltpu.VMEM((C, RW), jnp.float32),
            pltpu.VMEM((C,), jnp.float32),
            pltpu.VMEM((C,), jnp.float32),
            pltpu.VMEM((C,), jnp.float32),
            pltpu.VMEM((C,), jnp.int32),
            pltpu.VMEM((C,), jnp.int32),
            pltpu.VMEM((C, RW), jnp.float32),
            pltpu.VMEM((C,), jnp.float32),
            pltpu.VMEM((C,), jnp.float32),
            pltpu.VMEM((C,), jnp.float32),
            pltpu.VMEM((C,), jnp.int32),
            pltpu.VMEM((C,), jnp.int32),
            pltpu.VMEM((C, RW), jnp.float32),
            pltpu.VMEM((C,), jnp.float32),
            pltpu.VMEM((C,), jnp.float32),
            pltpu.VMEM((C,), jnp.float32),
            pltpu.VMEM_SHARED((NPAD,), jnp.float32),
            pltpu.VMEM_SHARED((NPAD,), jnp.float32),
            pltpu.VMEM_SHARED((NPAD,), jnp.float32),
            pltpu.VMEM_SHARED((NPAD, RW), jnp.float32),
            pltpu.SemaphoreType.DMA,
            pltpu.SemaphoreType.DMA,
            pltpu.SemaphoreType.DMA,
            pltpu.SemaphoreType.DMA,
            pltpu.SemaphoreType.DMA,
            pltpu.SemaphoreType.DMA,
            pltpu.SemaphoreType.DMA,
            pltpu.SemaphoreType.DMA,
            pltpu.SemaphoreType.DMA,
        ],
    )
    acc = edge_kernel(src, dst, featx, er_p[0], er_p[1], er_p[2])

    bias_flat = bias.reshape(1, S * DOUT).astype(jnp.float32)
    o0, o1, o2 = pl.pallas_call(
        _combine_body,
        grid=(grid,),
        in_specs=[
            pl.BlockSpec((1, blk, RW), lambda i: (0, i, 0)),
            pl.BlockSpec((1, blk, RW), lambda i: (1, i, 0)),
            pl.BlockSpec((blk, 48), lambda i: (i, 0)),
            pl.BlockSpec((1, 48), lambda i: (0, 0)),
        ],
        out_specs=[
            pl.BlockSpec((blk, DOUT), lambda i: (i, 0)),
            pl.BlockSpec((blk, DOUT), lambda i: (i, 0)),
            pl.BlockSpec((blk, DOUT), lambda i: (i, 0)),
        ],
        out_shape=[
            jax.ShapeDtypeStruct((NPAD, DOUT), jnp.float32),
            jax.ShapeDtypeStruct((NPAD, DOUT), jnp.float32),
            jax.ShapeDtypeStruct((NPAD, DOUT), jnp.float32),
        ],
    )(acc, acc, res3, bias_flat)

    return (o0[:N], o1[:N], o2[:N])

# --- scband reference (transcript-rebuilt; emitter-appended) ---
"""Pipeline reference for scband-node-classifier-56727928045714 (READ-ONLY COPY).

The authoritative reference and input builder live on the scoring server;
editing this copy changes nothing except your own understanding.
"""

import jax, jax.numpy as jnp
import numpy as np

N, E, DIN, DOUT, H, S = 10000, 320000, 128, 16, 1, 3
NEG_SLOPE = 0.2


def setup_inputs(seed: int = 0) -> dict:
    key = jax.random.key(seed)
    ks = jax.random.split(key, 8)
    h_list = jax.random.normal(ks[0], (N, 1, DIN), dtype=jnp.float32)
    g_list = jax.random.randint(ks[1], (2, E), 0, N).astype(jnp.int64)
    # Learned params for num_source=3 unshared GATConv(128 -> 16, heads=1, residual=True)
    W = jax.random.normal(ks[2], (S, DIN, H * DOUT), dtype=jnp.float32) * 0.05
    attn_l = jax.random.normal(ks[3], (S, H, DOUT), dtype=jnp.float32) * 0.05
    attn_r = jax.random.normal(ks[4], (S, H, DOUT), dtype=jnp.float32) * 0.05
    res_W = jax.random.normal(ks[5], (S, DIN, H * DOUT), dtype=jnp.float32) * 0.05
    bias = jnp.zeros((S, H * DOUT), dtype=jnp.float32)
    return {"h_list": h_list, "g_list": g_list, "W": W, "attn_l": attn_l,
            "attn_r": attn_r, "res_W": res_W, "bias": bias}


def _gat_conv(x_flat, src, dst, W, attn_l, attn_r, res_W, bias):
    # DGL-style GATConv: fc -> per-head attention logits -> edge softmax -> aggregate -> residual + bias
    feat = (x_flat @ W).reshape(N, H, DOUT)                       # [N, H, D]
    el = jnp.sum(feat * attn_l[None, :, :], axis=-1)              # [N, H]
    er = jnp.sum(feat * attn_r[None, :, :], axis=-1)              # [N, H]
    e = jax.nn.leaky_relu(el[src] + er[dst], NEG_SLOPE)           # [E, H]
    e_max = jax.ops.segment_max(e, dst, num_segments=N)           # [N, H]
    e_exp = jnp.exp(e - e_max[dst])                               # [E, H]
    denom = jax.ops.segment_sum(e_exp, dst, num_segments=N)       # [N, H]
    alpha = e_exp / denom[dst]                                    # [E, H]
    msg = feat[src] * alpha[:, :, None]                           # [E, H, D]
    rst = jax.ops.segment_sum(msg, dst, num_segments=N)           # [N, H, D]
    res = (x_flat @ res_W).reshape(N, H, DOUT)                    # residual (in != out*heads -> linear)
    return rst + res + bias.reshape(1, H, DOUT)


def reference(h_list, g_list, W, attn_l, attn_r, res_W, bias):
    # is_target=True path: single graph + single feature tensor through all num_source classifiers
    x_flat = h_list.reshape(h_list.shape[0], -1)                  # flatten(1)
    src, dst = g_list[0], g_list[1]
    logits_list = []
    for k in range(S):
        rst = _gat_conv(x_flat, src, dst, W[k], attn_l[k], attn_r[k], res_W[k], bias[k])
        logits_list.append(rst.mean(axis=1))                      # mean over heads -> [N, num_classes]
    return tuple(logits_list)

if __name__ == "__main__":
    import jax
    _d = setup_inputs()
    print(jax.jit(kernel)(*tuple(_d.values())))

</pallas_src>

<mosaic_0001>
#map = affine_map<(d0, d1) -> (0)>
#map1 = affine_map<(d0, d1) -> (0, 0)>
#map2 = affine_map<(d0, d1) -> (0, 0, 0)>
module attributes {stable_mosaic.version = 14 : i64} {
  func.func @_edge_body(%arg0: i32, %arg1: i32, %arg2: memref<320000xi32, #tpu.memory_space<hbm>>, %arg3: memref<320000xi32, #tpu.memory_space<hbm>>, %arg4: memref<10240x128xf32, #tpu.memory_space<hbm>>, %arg5: memref<10240xf32, #tpu.memory_space<hbm>>, %arg6: memref<10240xf32, #tpu.memory_space<hbm>>, %arg7: memref<10240xf32, #tpu.memory_space<hbm>>, %arg8: memref<2x10240x128xf32, #tpu.memory_space<hbm>>, %arg9: memref<80xi32, #tpu.memory_space<vmem>>, %arg10: memref<80xi32, #tpu.memory_space<vmem>>, %arg11: memref<80x128xf32, #tpu.memory_space<vmem>>, %arg12: memref<80xf32, #tpu.memory_space<vmem>>, %arg13: memref<80xf32, #tpu.memory_space<vmem>>, %arg14: memref<80xf32, #tpu.memory_space<vmem>>, %arg15: memref<80xi32, #tpu.memory_space<vmem>>, %arg16: memref<80xi32, #tpu.memory_space<vmem>>, %arg17: memref<80x128xf32, #tpu.memory_space<vmem>>, %arg18: memref<80xf32, #tpu.memory_space<vmem>>, %arg19: memref<80xf32, #tpu.memory_space<vmem>>, %arg20: memref<80xf32, #tpu.memory_space<vmem>>, %arg21: memref<80xi32, #tpu.memory_space<vmem>>, %arg22: memref<80xi32, #tpu.memory_space<vmem>>, %arg23: memref<80x128xf32, #tpu.memory_space<vmem>>, %arg24: memref<80xf32, #tpu.memory_space<vmem>>, %arg25: memref<80xf32, #tpu.memory_space<vmem>>, %arg26: memref<80xf32, #tpu.memory_space<vmem>>, %arg27: memref<10240xf32, #tpu.memory_space<vmem_shared>>, %arg28: memref<10240xf32, #tpu.memory_space<vmem_shared>>, %arg29: memref<10240xf32, #tpu.memory_space<vmem_shared>>, %arg30: memref<10240x128xf32, #tpu.memory_space<vmem_shared>>, %arg31: memref<!tpu.dma_semaphore, #tpu.memory_space<semaphore_mem>>, %arg32: memref<!tpu.dma_semaphore, #tpu.memory_space<semaphore_mem>>, %arg33: memref<!tpu.dma_semaphore, #tpu.memory_space<semaphore_mem>>, %arg34: memref<!tpu.dma_semaphore, #tpu.memory_space<semaphore_mem>>, %arg35: memref<!tpu.dma_semaphore, #tpu.memory_space<semaphore_mem>>, %arg36: memref<!tpu.dma_semaphore, #tpu.memory_space<semaphore_mem>>, %arg37: memref<!tpu.dma_semaphore, #tpu.memory_space<semaphore_mem>>, %arg38: memref<!tpu.dma_semaphore, #tpu.memory_space<semaphore_mem>>, %arg39: memref<!tpu.dma_semaphore, #tpu.memory_space<semaphore_mem>>) attributes {dimension_semantics = [#tpu.dimension_semantics<core_parallel>, #tpu.dimension_semantics<subcore_parallel>], iteration_bounds = array<i64: 2, 16>, scalar_prefetch = 0 : i64, scratch_operands = 31 : i64, tpu.core_type = #tpu.core_type<sc_vector_subcore>, window_params = [{transform_indices = #map}, {transform_indices = #map}, {transform_indices = #map1}, {transform_indices = #map}, {transform_indices = #map}, {transform_indices = #map}, {transform_indices = #map2}]} {
    %mul3A = arith.constant 16 : i32
    %mul3A_0 = arith.muli %arg0, %mul3A : i32
    %add3A = arith.addi %mul3A_0, %arg1 : i32
    %mul3A_1 = arith.constant 640 : i32
    %mul3A_2 = arith.muli %arg1, %mul3A_1 : i32
    "tpu.region"() ({
      %run_scoped3A = tpu.sem_alloc : memref<!tpu.dma_semaphore, #tpu.memory_space<semaphore_mem>>
      %dma_start3A_297 = tpu.memref_slice %arg27[%mul3A_2] : memref<10240xf32, #tpu.memory_space<vmem_shared>> -> memref<640xf32, #tpu.memory_space<vmem_shared>>
      %dma_start3A_298 = tpu.memref_slice %arg5[%mul3A_2] : memref<10240xf32, #tpu.memory_space<hbm>> -> memref<640xf32, #tpu.memory_space<hbm>>
      tpu.enqueue_dma source(%dma_start3A_298 : memref<640xf32, #tpu.memory_space<hbm>>) target(%dma_start3A_297 : memref<640xf32, #tpu.memory_space<vmem_shared>>) target_semaphore(%run_scoped3A : memref<!tpu.dma_semaphore, #tpu.memory_space<semaphore_mem>>)
      %dma_wait3A_299 = tpu.memref_slice %arg27[%mul3A_2] : memref<10240xf32, #tpu.memory_space<vmem_shared>> -> memref<640xf32, #tpu.memory_space<vmem_shared>>
      %dma_wait3A_300 = tpu.memref_slice %arg5[%mul3A_2] : memref<10240xf32, #tpu.memory_space<hbm>> -> memref<640xf32, #tpu.memory_space<hbm>>
      tpu.wait_dma2 semaphore(%run_scoped3A : memref<!tpu.dma_semaphore, #tpu.memory_space<semaphore_mem>>) src(%dma_wait3A_300 : memref<640xf32, #tpu.memory_space<hbm>>) dst(%dma_wait3A_299 : memref<640xf32, #tpu.memory_space<vmem_shared>>)
      tpu.yield
    }) : () -> ()
    "tpu.region"() ({
      %run_scoped3A = tpu.sem_alloc : memref<!tpu.dma_semaphore, #tpu.memory_space<semaphore_mem>>
      %dma_start3A_297 = tpu.memref_slice %arg28[%mul3A_2] : memref<10240xf32, #tpu.memory_space<vmem_shared>> -> memref<640xf32, #tpu.memory_space<vmem_shared>>
      %dma_start3A_298 = tpu.memref_slice %arg6[%mul3A_2] : memref<10240xf32, #tpu.memory_space<hbm>> -> memref<640xf32, #tpu.memory_space<hbm>>
      tpu.enqueue_dma source(%dma_start3A_298 : memref<640xf32, #tpu.memory_space<hbm>>) target(%dma_start3A_297 : memref<640xf32, #tpu.memory_space<vmem_shared>>) target_semaphore(%run_scoped3A : memref<!tpu.dma_semaphore, #tpu.memory_space<semaphore_mem>>)
      %dma_wait3A_299 = tpu.memref_slice %arg28[%mul3A_2] : memref<10240xf32, #tpu.memory_space<vmem_shared>> -> memref<640xf32, #tpu.memory_space<vmem_shared>>
      %dma_wait3A_300 = tpu.memref_slice %arg6[%mul3A_2] : memref<10240xf32, #tpu.memory_space<hbm>> -> memref<640xf32, #tpu.memory_space<hbm>>
      tpu.wait_dma2 semaphore(%run_scoped3A : memref<!tpu.dma_semaphore, #tpu.memory_space<semaphore_mem>>) src(%dma_wait3A_300 : memref<640xf32, #tpu.memory_space<hbm>>) dst(%dma_wait3A_299 : memref<640xf32, #tpu.memory_space<vmem_shared>>)
      tpu.yield
    }) : () -> ()
    "tpu.region"() ({
      %run_scoped3A = tpu.sem_alloc : memref<!tpu.dma_semaphore, #tpu.memory_space<semaphore_mem>>
      %dma_start3A_297 = tpu.memref_slice %arg29[%mul3A_2] : memref<10240xf32, #tpu.memory_space<vmem_shared>> -> memref<640xf32, #tpu.memory_space<vmem_shared>>
      %dma_start3A_298 = tpu.memref_slice %arg7[%mul3A_2] : memref<10240xf32, #tpu.memory_space<hbm>> -> memref<640xf32, #tpu.memory_space<hbm>>
      tpu.enqueue_dma source(%dma_start3A_298 : memref<640xf32, #tpu.memory_space<hbm>>) target(%dma_start3A_297 : memref<640xf32, #tpu.memory_space<vmem_shared>>) target_semaphore(%run_scoped3A : memref<!tpu.dma_semaphore, #tpu.memory_space<semaphore_mem>>)
      %dma_wait3A_299 = tpu.memref_slice %arg29[%mul3A_2] : memref<10240xf32, #tpu.memory_space<vmem_shared>> -> memref<640xf32, #tpu.memory_space<vmem_shared>>
      %dma_wait3A_300 = tpu.memref_slice %arg7[%mul3A_2] : memref<10240xf32, #tpu.memory_space<hbm>> -> memref<640xf32, #tpu.memory_space<hbm>>
      tpu.wait_dma2 semaphore(%run_scoped3A : memref<!tpu.dma_semaphore, #tpu.memory_space<semaphore_mem>>) src(%dma_wait3A_300 : memref<640xf32, #tpu.memory_space<hbm>>) dst(%dma_wait3A_299 : memref<640xf32, #tpu.memory_space<vmem_shared>>)
      tpu.yield
    }) : () -> ()
    %scan3A = arith.constant 0 : i32
    %scan3A_3 = arith.constant 0 : i32
    %scan3A_4 = arith.constant 80 : i32
    %scan3A_5 = arith.addi %scan3A_3, %scan3A_4 : i32
    %scan3A_6 = arith.constant 1 : i32
    %scan3A_7 = scf.for %scan3A_297 = %scan3A_3 to %scan3A_5 step %scan3A_6 iter_args(%scan3A_298 = %scan3A) -> (i32)  : i32 {
      %broadcast_in_dim3A = arith.constant 0.000000e+00 : f32
      %broadcast_in_dim3A_299 = vector.broadcast %broadcast_in_dim3A : f32 to vector<16xf32>
      %swap3A = arith.index_cast %scan3A_297 : i32 to index
      %swap3A_300 = arith.constant 0 : index
      %swap3A_301 = tpu.vector_load %arg11[%swap3A, %swap3A_300] {strides = array<i32>} : memref<80x128xf32, #tpu.memory_space<vmem>>, vector<16xf32>,
      tpu.vector_store %arg11[%swap3A, %swap3A_300], %broadcast_in_dim3A_299 {strides = array<i32>} : memref<80x128xf32, #tpu.memory_space<vmem>>, vector<16xf32>,
      %broadcast_in_dim3A_302 = arith.constant 0.000000e+00 : f32
      %broadcast_in_dim3A_303 = vector.broadcast %broadcast_in_dim3A_302 : f32 to vector<16xf32>
      %swap3A_304 = arith.index_cast %scan3A_297 : i32 to index
      %swap3A_305 = arith.constant 16 : index
      %swap3A_306 = tpu.vector_load %arg11[%swap3A_304, %swap3A_305] {strides = array<i32>} : memref<80x128xf32, #tpu.memory_space<vmem>>, vector<16xf32>,
      tpu.vector_store %arg11[%swap3A_304, %swap3A_305], %broadcast_in_dim3A_303 {strides = array<i32>} : memref<80x128xf32, #tpu.memory_space<vmem>>, vector<16xf32>,
      %broadcast_in_dim3A_307 = arith.constant 0.000000e+00 : f32
      %broadcast_in_dim3A_308 = vector.broadcast %broadcast_in_dim3A_307 : f32 to vector<16xf32>
      %swap3A_309 = arith.index_cast %scan3A_297 : i32 to index
      %swap3A_310 = arith.constant 32 : index
      %swap3A_311 = tpu.vector_load %arg11[%swap3A_309, %swap3A_310] {strides = array<i32>} : memref<80x128xf32, #tpu.memory_space<vmem>>, vector<16xf32>,
      tpu.vector_store %arg11[%swap3A_309, %swap3A_310], %broadcast_in_dim3A_308 {strides = array<i32>} : memref<80x128xf32, #tpu.memory_space<vmem>>, vector<16xf32>,
      %broadcast_in_dim3A_312 = arith.constant 0.000000e+00 : f32
      %broadcast_in_dim3A_313 = vector.broadcast %broadcast_in_dim3A_312 : f32 to vector<16xf32>
      %swap3A_314 = arith.index_cast %scan3A_297 : i32 to index
      %swap3A_315 = arith.constant 48 : index
      %swap3A_316 = tpu.vector_load %arg11[%swap3A_314, %swap3A_315] {strides = array<i32>} : memref<80x128xf32, #tpu.memory_space<vmem>>, vector<16xf32>,
      tpu.vector_store %arg11[%swap3A_314, %swap3A_315], %broadcast_in_dim3A_313 {strides = array<i32>} : memref<80x128xf32, #tpu.memory_space<vmem>>, vector<16xf32>,
      %broadcast_in_dim3A_317 = arith.constant 0.000000e+00 : f32
      %broadcast_in_dim3A_318 = vector.broadcast %broadcast_in_dim3A_317 : f32 to vector<16xf32>
      %swap3A_319 = arith.index_cast %scan3A_297 : i32 to index
      %swap3A_320 = arith.constant 64 : index
      %swap3A_321 = tpu.vector_load %arg11[%swap3A_319, %swap3A_320] {strides = array<i32>} : memref<80x128xf32, #tpu.memory_space<vmem>>, vector<16xf32>,
      tpu.vector_store %arg11[%swap3A_319, %swap3A_320], %broadcast_in_dim3A_318 {strides = array<i32>} : memref<80x128xf32, #tpu.memory_space<vmem>>, vector<16xf32>,
      %broadcast_in_dim3A_322 = arith.constant 0.000000e+00 : f32
      %broadcast_in_dim3A_323 = vector.broadcast %broadcast_in_dim3A_322 : f32 to vector<16xf32>
      %swap3A_324 = arith.index_cast %scan3A_297 : i32 to index
      %swap3A_325 = arith.constant 80 : index
      %swap3A_326 = tpu.vector_load %arg11[%swap3A_324, %swap3A_325] {strides = array<i32>} : memref<80x128xf32, #tpu.memory_space<vmem>>, vector<16xf32>,
      tpu.vector_store %arg11[%swap3A_324, %swap3A_325], %broadcast_in_dim3A_323 {strides = array<i32>} : memref<80x128xf32, #tpu.memory_space<vmem>>, vector<16xf32>,
      %broadcast_in_dim3A_327 = arith.constant 0.000000e+00 : f32
      %broadcast_in_dim3A_328 = vector.broadcast %broadcast_in_dim3A_327 : f32 to vector<16xf32>
      %swap3A_329 = arith.index_cast %scan3A_297 : i32 to index
      %swap3A_330 = arith.constant 96 : index
      %swap3A_331 = tpu.vector_load %arg11[%swap3A_329, %swap3A_330] {strides = array<i32>} : memref<80x128xf32, #tpu.memory_space<vmem>>, vector<16xf32>,
      tpu.vector_store %arg11[%swap3A_329, %swap3A_330], %broadcast_in_dim3A_328 {strides = array<i32>} : memref<80x128xf32, #tpu.memory_space<vmem>>, vector<16xf32>,
      %broadcast_in_dim3A_332 = arith.constant 0.000000e+00 : f32
      %broadcast_in_dim3A_333 = vector.broadcast %broadcast_in_dim3A_332 : f32 to vector<16xf32>
      %swap3A_334 = arith.index_cast %scan3A_297 : i32 to index
      %swap3A_335 = arith.constant 112 : index
      %swap3A_336 = tpu.vector_load %arg11[%swap3A_334, %swap3A_335] {strides = array<i32>} : memref<80x128xf32, #tpu.memory_space<vmem>>, vector<16xf32>,
      tpu.vector_store %arg11[%swap3A_334, %swap3A_335], %broadcast_in_dim3A_333 {strides = array<i32>} : memref<80x128xf32, #tpu.memory_space<vmem>>, vector<16xf32>,
      %scan3A_337 = arith.constant 0 : i32
      scf.yield %scan3A_337 : i32
    }
    %scan3A_8 = arith.constant 80 : i32
    %mul3A_9 = arith.constant 640 : i32
    %mul3A_10 = arith.muli %arg1, %mul3A_9 : i32
    %add3A_11 = arith.constant 0 : i32
    %add3A_12 = arith.addi %mul3A_10, %add3A_11 : i32
    "tpu.region"() ({
      %run_scoped3A = tpu.sem_alloc : memref<!tpu.dma_semaphore, #tpu.memory_space<semaphore_mem>>
      %dma_start3A_297 = arith.constant 0 : i32
      %dma_start3A_298 = tpu.memref_slice %arg30[%add3A_12, %dma_start3A_297] : memref<10240x128xf32, #tpu.memory_space<vmem_shared>> -> memref<80x128xf32, #tpu.memory_space<vmem_shared>>
      %dma_start3A_299 = arith.constant 0 : i32
      %dma_start3A_300 = tpu.memref_slice %arg30[%add3A_12, %dma_start3A_299] : memref<10240x128xf32, #tpu.memory_space<vmem_shared>> -> memref<80x128xf32, #tpu.memory_space<vmem_shared>>
      tpu.enqueue_dma source(%arg11 : memref<80x128xf32, #tpu.memory_space<vmem>>) target(%dma_start3A_300 : memref<80x128xf32, #tpu.memory_space<vmem_shared>>) target_semaphore(%run_scoped3A : memref<!tpu.dma_semaphore, #tpu.memory_space<semaphore_mem>>)
      %dma_wait3A_301 = arith.constant 0 : i32
      %dma_wait3A_302 = tpu.memref_slice %arg30[%add3A_12, %dma_wait3A_301] : memref<10240x128xf32, #tpu.memory_space<vmem_shared>> -> memref<80x128xf32, #tpu.memory_space<vmem_shared>>
      %dma_wait3A_303 = arith.constant 0 : i32
      %dma_wait3A_304 = tpu.memref_slice %arg30[%add3A_12, %dma_wait3A_303] : memref<10240x128xf32, #tpu.memory_space<vmem_shared>> -> memref<80x128xf32, #tpu.memory_space<vmem_shared>>
      tpu.wait_dma2 semaphore(%run_scoped3A : memref<!tpu.dma_semaphore, #tpu.memory_space<semaphore_mem>>) src(%arg11 : memref<80x128xf32, #tpu.memory_space<vmem>>) dst(%dma_wait3A_304 : memref<80x128xf32, #tpu.memory_space<vmem_shared>>)
      tpu.yield
    }) : () -> ()
    %mul3A_13 = arith.constant 640 : i32
    %mul3A_14 = arith.muli %arg1, %mul3A_13 : i32
    %add3A_15 = arith.constant 80 : i32
    %add3A_16 = arith.addi %mul3A_14, %add3A_15 : i32
    "tpu.region"() ({
      %run_scoped3A = tpu.sem_alloc : memref<!tpu.dma_semaphore, #tpu.memory_space<semaphore_mem>>
      %dma_start3A_297 = arith.constant 0 : i32
      %dma_start3A_298 = tpu.memref_slice %arg30[%add3A_16, %dma_start3A_297] : memref<10240x128xf32, #tpu.memory_space<vmem_shared>> -> memref<80x128xf32, #tpu.memory_space<vmem_shared>>
      %dma_start3A_299 = arith.constant 0 : i32
      %dma_start3A_300 = tpu.memref_slice %arg30[%add3A_16, %dma_start3A_299] : memref<10240x128xf32, #tpu.memory_space<vmem_shared>> -> memref<80x128xf32, #tpu.memory_space<vmem_shared>>
      tpu.enqueue_dma source(%arg11 : memref<80x128xf32, #tpu.memory_space<vmem>>) target(%dma_start3A_300 : memref<80x128xf32, #tpu.memory_space<vmem_shared>>) target_semaphore(%run_scoped3A : memref<!tpu.dma_semaphore, #tpu.memory_space<semaphore_mem>>)
      %dma_wait3A_301 = arith.constant 0 : i32
      %dma_wait3A_302 = tpu.memref_slice %arg30[%add3A_16, %dma_wait3A_301] : memref<10240x128xf32, #tpu.memory_space<vmem_shared>> -> memref<80x128xf32, #tpu.memory_space<vmem_shared>>
      %dma_wait3A_303 = arith.constant 0 : i32
      %dma_wait3A_304 = tpu.memref_slice %arg30[%add3A_16, %dma_wait3A_303] : memref<10240x128xf32, #tpu.memory_space<vmem_shared>> -> memref<80x128xf32, #tpu.memory_space<vmem_shared>>
      tpu.wait_dma2 semaphore(%run_scoped3A : memref<!tpu.dma_semaphore, #tpu.memory_space<semaphore_mem>>) src(%arg11 : memref<80x128xf32, #tpu.memory_space<vmem>>) dst(%dma_wait3A_304 : memref<80x128xf32, #tpu.memory_space<vmem_shared>>)
      tpu.yield
    }) : () -> ()
    %mul3A_17 = arith.constant 640 : i32
    %mul3A_18 = arith.muli %arg1, %mul3A_17 : i32
    %add3A_19 = arith.constant 160 : i32
    %add3A_20 = arith.addi %mul3A_18, %add3A_19 : i32
    "tpu.region"() ({
      %run_scoped3A = tpu.sem_alloc : memref<!tpu.dma_semaphore, #tpu.memory_space<semaphore_mem>>
      %dma_start3A_297 = arith.constant 0 : i32
      %dma_start3A_298 = tpu.memref_slice %arg30[%add3A_20, %dma_start3A_297] : memref<10240x128xf32, #tpu.memory_space<vmem_shared>> -> memref<80x128xf32, #tpu.memory_space<vmem_shared>>
      %dma_start3A_299 = arith.constant 0 : i32
      %dma_start3A_300 = tpu.memref_slice %arg30[%add3A_20, %dma_start3A_299] : memref<10240x128xf32, #tpu.memory_space<vmem_shared>> -> memref<80x128xf32, #tpu.memory_space<vmem_shared>>
      tpu.enqueue_dma source(%arg11 : memref<80x128xf32, #tpu.memory_space<vmem>>) target(%dma_start3A_300 : memref<80x128xf32, #tpu.memory_space<vmem_shared>>) target_semaphore(%run_scoped3A : memref<!tpu.dma_semaphore, #tpu.memory_space<semaphore_mem>>)
      %dma_wait3A_301 = arith.constant 0 : i32
      %dma_wait3A_302 = tpu.memref_slice %arg30[%add3A_20, %dma_wait3A_301] : memref<10240x128xf32, #tpu.memory_space<vmem_shared>> -> memref<80x128xf32, #tpu.memory_space<vmem_shared>>
      %dma_wait3A_303 = arith.constant 0 : i32
      %dma_wait3A_304 = tpu.memref_slice %arg30[%add3A_20, %dma_wait3A_303] : memref<10240x128xf32, #tpu.memory_space<vmem_shared>> -> memref<80x128xf32, #tpu.memory_space<vmem_shared>>
      tpu.wait_dma2 semaphore(%run_scoped3A : memref<!tpu.dma_semaphore, #tpu.memory_space<semaphore_mem>>) src(%arg11 : memref<80x128xf32, #tpu.memory_space<vmem>>) dst(%dma_wait3A_304 : memref<80x128xf32, #tpu.memory_space<vmem_shared>>)
      tpu.yield
    }) : () -> ()
    %mul3A_21 = arith.constant 640 : i32
    %mul3A_22 = arith.muli %arg1, %mul3A_21 : i32
    %add3A_23 = arith.constant 240 : i32
    %add3A_24 = arith.addi %mul3A_22, %add3A_23 : i32
    "tpu.region"() ({
      %run_scoped3A = tpu.sem_alloc : memref<!tpu.dma_semaphore, #tpu.memory_space<semaphore_mem>>
      %dma_start3A_297 = arith.constant 0 : i32
      %dma_start3A_298 = tpu.memref_slice %arg30[%add3A_24, %dma_start3A_297] : memref<10240x128xf32, #tpu.memory_space<vmem_shared>> -> memref<80x128xf32, #tpu.memory_space<vmem_shared>>
      %dma_start3A_299 = arith.constant 0 : i32
      %dma_start3A_300 = tpu.memref_slice %arg30[%add3A_24, %dma_start3A_299] : memref<10240x128xf32, #tpu.memory_space<vmem_shared>> -> memref<80x128xf32, #tpu.memory_space<vmem_shared>>
      tpu.enqueue_dma source(%arg11 : memref<80x128xf32, #tpu.memory_space<vmem>>) target(%dma_start3A_300 : memref<80x128xf32, #tpu.memory_space<vmem_shared>>) target_semaphore(%run_scoped3A : memref<!tpu.dma_semaphore, #tpu.memory_space<semaphore_mem>>)
      %dma_wait3A_301 = arith.constant 0 : i32
      %dma_wait3A_302 = tpu.memref_slice %arg30[%add3A_24, %dma_wait3A_301] : memref<10240x128xf32, #tpu.memory_space<vmem_shared>> -> memref<80x128xf32, #tpu.memory_space<vmem_shared>>
      %dma_wait3A_303 = arith.constant 0 : i32
      %dma_wait3A_304 = tpu.memref_slice %arg30[%add3A_24, %dma_wait3A_303] : memref<10240x128xf32, #tpu.memory_space<vmem_shared>> -> memref<80x128xf32, #tpu.memory_space<vmem_shared>>
      tpu.wait_dma2 semaphore(%run_scoped3A : memref<!tpu.dma_semaphore, #tpu.memory_space<semaphore_mem>>) src(%arg11 : memref<80x128xf32, #tpu.memory_space<vmem>>) dst(%dma_wait3A_304 : memref<80x128xf32, #tpu.memory_space<vmem_shared>>)
      tpu.yield
    }) : () -> ()
    %mul3A_25 = arith.constant 640 : i32
    %mul3A_26 = arith.muli %arg1, %mul3A_25 : i32
    %add3A_27 = arith.constant 320 : i32
    %add3A_28 = arith.addi %mul3A_26, %add3A_27 : i32
    "tpu.region"() ({
      %run_scoped3A = tpu.sem_alloc : memref<!tpu.dma_semaphore, #tpu.memory_space<semaphore_mem>>
      %dma_start3A_297 = arith.constant 0 : i32
      %dma_start3A_298 = tpu.memref_slice %arg30[%add3A_28, %dma_start3A_297] : memref<10240x128xf32, #tpu.memory_space<vmem_shared>> -> memref<80x128xf32, #tpu.memory_space<vmem_shared>>
      %dma_start3A_299 = arith.constant 0 : i32
      %dma_start3A_300 = tpu.memref_slice %arg30[%add3A_28, %dma_start3A_299] : memref<10240x128xf32, #tpu.memory_space<vmem_shared>> -> memref<80x128xf32, #tpu.memory_space<vmem_shared>>
      tpu.enqueue_dma source(%arg11 : memref<80x128xf32, #tpu.memory_space<vmem>>) target(%dma_start3A_300 : memref<80x128xf32, #tpu.memory_space<vmem_shared>>) target_semaphore(%run_scoped3A : memref<!tpu.dma_semaphore, #tpu.memory_space<semaphore_mem>>)
      %dma_wait3A_301 = arith.constant 0 : i32
      %dma_wait3A_302 = tpu.memref_slice %arg30[%add3A_28, %dma_wait3A_301] : memref<10240x128xf32, #tpu.memory_space<vmem_shared>> -> memref<80x128xf32, #tpu.memory_space<vmem_shared>>
      %dma_wait3A_303 = arith.constant 0 : i32
      %dma_wait3A_304 = tpu.memref_slice %arg30[%add3A_28, %dma_wait3A_303] : memref<10240x128xf32, #tpu.memory_space<vmem_shared>> -> memref<80x128xf32, #tpu.memory_space<vmem_shared>>
      tpu.wait_dma2 semaphore(%run_scoped3A : memref<!tpu.dma_semaphore, #tpu.memory_space<semaphore_mem>>) src(%arg11 : memref<80x128xf32, #tpu.memory_space<vmem>>) dst(%dma_wait3A_304 : memref<80x128xf32, #tpu.memory_space<vmem_shared>>)
      tpu.yield
    }) : () -> ()
    %mul3A_29 = arith.constant 640 : i32
    %mul3A_30 = arith.muli %arg1, %mul3A_29 : i32
    %add3A_31 = arith.constant 400 : i32
    %add3A_32 = arith.addi %mul3A_30, %add3A_31 : i32
    "tpu.region"() ({
      %run_scoped3A = tpu.sem_alloc : memref<!tpu.dma_semaphore, #tpu.memory_space<semaphore_mem>>
      %dma_start3A_297 = arith.constant 0 : i32
      %dma_start3A_298 = tpu.memref_slice %arg30[%add3A_32, %dma_start3A_297] : memref<10240x128xf32, #tpu.memory_space<vmem_shared>> -> memref<80x128xf32, #tpu.memory_space<vmem_shared>>
      %dma_start3A_299 = arith.constant 0 : i32
      %dma_start3A_300 = tpu.memref_slice %arg30[%add3A_32, %dma_start3A_299] : memref<10240x128xf32, #tpu.memory_space<vmem_shared>> -> memref<80x128xf32, #tpu.memory_space<vmem_shared>>
      tpu.enqueue_dma source(%arg11 : memref<80x128xf32, #tpu.memory_space<vmem>>) target(%dma_start3A_300 : memref<80x128xf32, #tpu.memory_space<vmem_shared>>) target_semaphore(%run_scoped3A : memref<!tpu.dma_semaphore, #tpu.memory_space<semaphore_mem>>)
      %dma_wait3A_301 = arith.constant 0 : i32
      %dma_wait3A_302 = tpu.memref_slice %arg30[%add3A_32, %dma_wait3A_301] : memref<10240x128xf32, #tpu.memory_space<vmem_shared>> -> memref<80x128xf32, #tpu.memory_space<vmem_shared>>
      %dma_wait3A_303 = arith.constant 0 : i32
      %dma_wait3A_304 = tpu.memref_slice %arg30[%add3A_32, %dma_wait3A_303] : memref<10240x128xf32, #tpu.memory_space<vmem_shared>> -> memref<80x128xf32, #tpu.memory_space<vmem_shared>>
      tpu.wait_dma2 semaphore(%run_scoped3A : memref<!tpu.dma_semaphore, #tpu.memory_space<semaphore_mem>>) src(%arg11 : memref<80x128xf32, #tpu.memory_space<vmem>>) dst(%dma_wait3A_304 : memref<80x128xf32, #tpu.memory_space<vmem_shared>>)
      tpu.yield
    }) : () -> ()
    %mul3A_33 = arith.constant 640 : i32
    %mul3A_34 = arith.muli %arg1, %mul3A_33 : i32
    %add3A_35 = arith.constant 480 : i32
    %add3A_36 = arith.addi %mul3A_34, %add3A_35 : i32
    "tpu.region"() ({
      %run_scoped3A = tpu.sem_alloc : memref<!tpu.dma_semaphore, #tpu.memory_space<semaphore_mem>>
      %dma_start3A_297 = arith.constant 0 : i32
      %dma_start3A_298 = tpu.memref_slice %arg30[%add3A_36, %dma_start3A_297] : memref<10240x128xf32, #tpu.memory_space<vmem_shared>> -> memref<80x128xf32, #tpu.memory_space<vmem_shared>>
      %dma_start3A_299 = arith.constant 0 : i32
      %dma_start3A_300 = tpu.memref_slice %arg30[%add3A_36, %dma_start3A_299] : memref<10240x128xf32, #tpu.memory_space<vmem_shared>> -> memref<80x128xf32, #tpu.memory_space<vmem_shared>>
      tpu.enqueue_dma source(%arg11 : memref<80x128xf32, #tpu.memory_space<vmem>>) target(%dma_start3A_300 : memref<80x128xf32, #tpu.memory_space<vmem_shared>>) target_semaphore(%run_scoped3A : memref<!tpu.dma_semaphore, #tpu.memory_space<semaphore_mem>>)
      %dma_wait3A_301 = arith.constant 0 : i32
      %dma_wait3A_302 = tpu.memref_slice %arg30[%add3A_36, %dma_wait3A_301] : memref<10240x128xf32, #tpu.memory_space<vmem_shared>> -> memref<80x128xf32, #tpu.memory_space<vmem_shared>>
      %dma_wait3A_303 = arith.constant 0 : i32
      %dma_wait3A_304 = tpu.memref_slice %arg30[%add3A_36, %dma_wait3A_303] : memref<10240x128xf32, #tpu.memory_space<vmem_shared>> -> memref<80x128xf32, #tpu.memory_space<vmem_shared>>
      tpu.wait_dma2 semaphore(%run_scoped3A : memref<!tpu.dma_semaphore, #tpu.memory_space<semaphore_mem>>) src(%arg11 : memref<80x128xf32, #tpu.memory_space<vmem>>) dst(%dma_wait3A_304 : memref<80x128xf32, #tpu.memory_space<vmem_shared>>)
      tpu.yield
    }) : () -> ()
    %mul3A_37 = arith.constant 640 : i32
    %mul3A_38 = arith.muli %arg1, %mul3A_37 : i32
    %add3A_39 = arith.constant 560 : i32
    %add3A_40 = arith.addi %mul3A_38, %add3A_39 : i32
    "tpu.region"() ({
      %run_scoped3A = tpu.sem_alloc : memref<!tpu.dma_semaphore, #tpu.memory_space<semaphore_mem>>
      %dma_start3A_297 = arith.constant 0 : i32
      %dma_start3A_298 = tpu.memref_slice %arg30[%add3A_40, %dma_start3A_297] : memref<10240x128xf32, #tpu.memory_space<vmem_shared>> -> memref<80x128xf32, #tpu.memory_space<vmem_shared>>
      %dma_start3A_299 = arith.constant 0 : i32
      %dma_start3A_300 = tpu.memref_slice %arg30[%add3A_40, %dma_start3A_299] : memref<10240x128xf32, #tpu.memory_space<vmem_shared>> -> memref<80x128xf32, #tpu.memory_space<vmem_shared>>
      tpu.enqueue_dma source(%arg11 : memref<80x128xf32, #tpu.memory_space<vmem>>) target(%dma_start3A_300 : memref<80x128xf32, #tpu.memory_space<vmem_shared>>) target_semaphore(%run_scoped3A : memref<!tpu.dma_semaphore, #tpu.memory_space<semaphore_mem>>)
      %dma_wait3A_301 = arith.constant 0 : i32
      %dma_wait3A_302 = tpu.memref_slice %arg30[%add3A_40, %dma_wait3A_301] : memref<10240x128xf32, #tpu.memory_space<vmem_shared>> -> memref<80x128xf32, #tpu.memory_space<vmem_shared>>
      %dma_wait3A_303 = arith.constant 0 : i32
      %dma_wait3A_304 = tpu.memref_slice %arg30[%add3A_40, %dma_wait3A_303] : memref<10240x128xf32, #tpu.memory_space<vmem_shared>> -> memref<80x128xf32, #tpu.memory_space<vmem_shared>>
      tpu.wait_dma2 semaphore(%run_scoped3A : memref<!tpu.dma_semaphore, #tpu.memory_space<semaphore_mem>>) src(%arg11 : memref<80x128xf32, #tpu.memory_space<vmem>>) dst(%dma_wait3A_304 : memref<80x128xf32, #tpu.memory_space<vmem_shared>>)
      tpu.yield
    }) : () -> ()
    %barrier3A = arith.constant 0 : index
    tpu.barrier barrier_id(%barrier3A)
    %iota3A = tpu.iota {dimensions = array<i32: 0>} : vector<16xi32>
    %add3A_41 = arith.constant 0 : i32
    %add3A_42 = arith.addi %add3A_41, %add3A : i32
    %mul3A_43 = arith.constant 80 : i32
    %mul3A_44 = arith.muli %add3A_42, %mul3A_43 : i32
    %dma_start3A = tpu.memref_slice %arg2[%mul3A_44] : memref<320000xi32, #tpu.memory_space<hbm>> -> memref<80xi32, #tpu.memory_space<hbm>>
    %dma_start3A_45 = tpu.memref_slice %arg2[%mul3A_44] : memref<320000xi32, #tpu.memory_space<hbm>> -> memref<80xi32, #tpu.memory_space<hbm>>
    tpu.enqueue_dma source(%dma_start3A_45 : memref<80xi32, #tpu.memory_space<hbm>>) target(%arg9 : memref<80xi32, #tpu.memory_space<vmem>>) target_semaphore(%arg33 : memref<!tpu.dma_semaphore, #tpu.memory_space<semaphore_mem>>)
    %dma_start3A_46 = tpu.memref_slice %arg3[%mul3A_44] : memref<320000xi32, #tpu.memory_space<hbm>> -> memref<80xi32, #tpu.memory_space<hbm>>
    %dma_start3A_47 = tpu.memref_slice %arg3[%mul3A_44] : memref<320000xi32, #tpu.memory_space<hbm>> -> memref<80xi32, #tpu.memory_space<hbm>>
    tpu.enqueue_dma source(%dma_start3A_47 : memref<80xi32, #tpu.memory_space<hbm>>) target(%arg10 : memref<80xi32, #tpu.memory_space<vmem>>) target_semaphore(%arg33 : memref<!tpu.dma_semaphore, #tpu.memory_space<semaphore_mem>>)
    %dma_wait3A = tpu.memref_slice %arg2[%mul3A_44] : memref<320000xi32, #tpu.memory_space<hbm>> -> memref<80xi32, #tpu.memory_space<hbm>>
    %dma_wait3A_48 = tpu.memref_slice %arg2[%mul3A_44] : memref<320000xi32, #tpu.memory_space<hbm>> -> memref<80xi32, #tpu.memory_space<hbm>>
    tpu.wait_dma2 semaphore(%arg33 : memref<!tpu.dma_semaphore, #tpu.memory_space<semaphore_mem>>) src(%dma_wait3A_48 : memref<80xi32, #tpu.memory_space<hbm>>) dst(%arg9 : memref<80xi32, #tpu.memory_space<vmem>>)
    %dma_wait3A_49 = tpu.memref_slice %arg3[%mul3A_44] : memref<320000xi32, #tpu.memory_space<hbm>> -> memref<80xi32, #tpu.memory_space<hbm>>
    %dma_wait3A_50 = tpu.memref_slice %arg3[%mul3A_44] : memref<320000xi32, #tpu.memory_space<hbm>> -> memref<80xi32, #tpu.memory_space<hbm>>
    tpu.wait_dma2 semaphore(%arg33 : memref<!tpu.dma_semaphore, #tpu.memory_space<semaphore_mem>>) src(%dma_wait3A_50 : memref<80xi32, #tpu.memory_space<hbm>>) dst(%arg10 : memref<80xi32, #tpu.memory_space<vmem>>)
    %dma_start3A_51 = arith.constant 0 : i32
    %dma_start3A_52 = arith.constant 0 : i32
    %dma_start3A_53 = tpu.memref_slice %arg4[%dma_start3A_51, %dma_start3A_52] : memref<10240x128xf32, #tpu.memory_space<hbm>> -> memref<10240x128xf32, #tpu.memory_space<hbm>>
    tpu.enqueue_indirect_dma source(%dma_start3A_53 : memref<10240x128xf32, #tpu.memory_space<hbm>>) target(%arg11 : memref<80x128xf32, #tpu.memory_space<vmem>>) offsets(%arg9 : memref<80xi32, #tpu.memory_space<vmem>>) semaphore(%arg31 : memref<!tpu.dma_semaphore, #tpu.memory_space<semaphore_mem>>)
    %dma_start3A_54 = arith.constant 0 : i32
    %dma_start3A_55 = tpu.memref_slice %arg27[%dma_start3A_54] : memref<10240xf32, #tpu.memory_space<vmem_shared>> -> memref<10240xf32, #tpu.memory_space<vmem_shared>>
    tpu.enqueue_indirect_dma source(%dma_start3A_55 : memref<10240xf32, #tpu.memory_space<vmem_shared>>) target(%arg12 : memref<80xf32, #tpu.memory_space<vmem>>) offsets(%arg10 : memref<80xi32, #tpu.memory_space<vmem>>) semaphore(%arg33 : memref<!tpu.dma_semaphore, #tpu.memory_space<semaphore_mem>>)
    %dma_start3A_56 = arith.constant 0 : i32
    %dma_start3A_57 = tpu.memref_slice %arg28[%dma_start3A_56] : memref<10240xf32, #tpu.memory_space<vmem_shared>> -> memref<10240xf32, #tpu.memory_space<vmem_shared>>
    tpu.enqueue_indirect_dma source(%dma_start3A_57 : memref<10240xf32, #tpu.memory_space<vmem_shared>>) target(%arg13 : memref<80xf32, #tpu.memory_space<vmem>>) offsets(%arg10 : memref<80xi32, #tpu.memory_space<vmem>>) semaphore(%arg33 : memref<!tpu.dma_semaphore, #tpu.memory_space<semaphore_mem>>)
    %dma_start3A_58 = arith.constant 0 : i32
    %dma_start3A_59 = tpu.memref_slice %arg29[%dma_start3A_58] : memref<10240xf32, #tpu.memory_space<vmem_shared>> -> memref<10240xf32, #tpu.memory_space<vmem_shared>>
    tpu.enqueue_indirect_dma source(%dma_start3A_59 : memref<10240xf32, #tpu.memory_space<vmem_shared>>) target(%arg14 : memref<80xf32, #tpu.memory_space<vmem>>) offsets(%arg10 : memref<80xi32, #tpu.memory_space<vmem>>) semaphore(%arg33 : memref<!tpu.dma_semaphore, #tpu.memory_space<semaphore_mem>>)
    %add3A_60 = arith.constant 32 : i32
    %add3A_61 = arith.addi %add3A_60, %add3A : i32
    %mul3A_62 = arith.constant 80 : i32
    %mul3A_63 = arith.muli %add3A_61, %mul3A_62 : i32
    %dma_start3A_64 = tpu.memref_slice %arg2[%mul3A_63] : memref<320000xi32, #tpu.memory_space<hbm>> -> memref<80xi32, #tpu.memory_space<hbm>>
    %dma_start3A_65 = tpu.memref_slice %arg2[%mul3A_63] : memref<320000xi32, #tpu.memory_space<hbm>> -> memref<80xi32, #tpu.memory_space<hbm>>
    tpu.enqueue_dma source(%dma_start3A_65 : memref<80xi32, #tpu.memory_space<hbm>>) target(%arg15 : memref<80xi32, #tpu.memory_space<vmem>>) target_semaphore(%arg36 : memref<!tpu.dma_semaphore, #tpu.memory_space<semaphore_mem>>)
    %dma_start3A_66 = tpu.memref_slice %arg3[%mul3A_63] : memref<320000xi32, #tpu.memory_space<hbm>> -> memref<80xi32, #tpu.memory_space<hbm>>
    %dma_start3A_67 = tpu.memref_slice %arg3[%mul3A_63] : memref<320000xi32, #tpu.memory_space<hbm>> -> memref<80xi32, #tpu.memory_space<hbm>>
    tpu.enqueue_dma source(%dma_start3A_67 : memref<80xi32, #tpu.memory_space<hbm>>) target(%arg16 : memref<80xi32, #tpu.memory_space<vmem>>) target_semaphore(%arg36 : memref<!tpu.dma_semaphore, #tpu.memory_space<semaphore_mem>>)
    %dma_wait3A_68 = tpu.memref_slice %arg2[%mul3A_63] : memref<320000xi32, #tpu.memory_space<hbm>> -> memref<80xi32, #tpu.memory_space<hbm>>
    %dma_wait3A_69 = tpu.memref_slice %arg2[%mul3A_63] : memref<320000xi32, #tpu.memory_space<hbm>> -> memref<80xi32, #tpu.memory_space<hbm>>
    tpu.wait_dma2 semaphore(%arg36 : memref<!tpu.dma_semaphore, #tpu.memory_space<semaphore_mem>>) src(%dma_wait3A_69 : memref<80xi32, #tpu.memory_space<hbm>>) dst(%arg15 : memref<80xi32, #tpu.memory_space<vmem>>)
    %dma_wait3A_70 = tpu.memref_slice %arg3[%mul3A_63] : memref<320000xi32, #tpu.memory_space<hbm>> -> memref<80xi32, #tpu.memory_space<hbm>>
    %dma_wait3A_71 = tpu.memref_slice %arg3[%mul3A_63] : memref<320000xi32, #tpu.memory_space<hbm>> -> memref<80xi32, #tpu.memory_space<hbm>>
    tpu.wait_dma2 semaphore(%arg36 : memref<!tpu.dma_semaphore, #tpu.memory_space<semaphore_mem>>) src(%dma_wait3A_71 : memref<80xi32, #tpu.memory_space<hbm>>) dst(%arg16 : memref<80xi32, #tpu.memory_space<vmem>>)
    %dma_start3A_72 = arith.constant 0 : i32
    %dma_start3A_73 = arith.constant 0 : i32
    %dma_start3A_74 = tpu.memref_slice %arg4[%dma_start3A_72, %dma_start3A_73] : memref<10240x128xf32, #tpu.memory_space<hbm>> -> memref<10240x128xf32, #tpu.memory_space<hbm>>
    tpu.enqueue_indirect_dma source(%dma_start3A_74 : memref<10240x128xf32, #tpu.memory_space<hbm>>) target(%arg17 : memref<80x128xf32, #tpu.memory_space<vmem>>) offsets(%arg15 : memref<80xi32, #tpu.memory_space<vmem>>) semaphore(%arg34 : memref<!tpu.dma_semaphore, #tpu.memory_space<semaphore_mem>>)
    %dma_start3A_75 = arith.constant 0 : i32
    %dma_start3A_76 = tpu.memref_slice %arg27[%dma_start3A_75] : memref<10240xf32, #tpu.memory_space<vmem_shared>> -> memref<10240xf32, #tpu.memory_space<vmem_shared>>
    tpu.enqueue_indirect_dma source(%dma_start3A_76 : memref<10240xf32, #tpu.memory_space<vmem_shared>>) target(%arg18 : memref<80xf32, #tpu.memory_space<vmem>>) offsets(%arg16 : memref<80xi32, #tpu.memory_space<vmem>>) semaphore(%arg36 : memref<!tpu.dma_semaphore, #tpu.memory_space<semaphore_mem>>)
    %dma_start3A_77 = arith.constant 0 : i32
    %dma_start3A_78 = tpu.memref_slice %arg28[%dma_start3A_77] : memref<10240xf32, #tpu.memory_space<vmem_shared>> -> memref<10240xf32, #tpu.memory_space<vmem_shared>>
    tpu.enqueue_indirect_dma source(%dma_start3A_78 : memref<10240xf32, #tpu.memory_space<vmem_shared>>) target(%arg19 : memref<80xf32, #tpu.memory_space<vmem>>) offsets(%arg16 : memref<80xi32, #tpu.memory_space<vmem>>) semaphore(%arg36 : memref<!tpu.dma_semaphore, #tpu.memory_space<semaphore_mem>>)
    %dma_start3A_79 = arith.constant 0 : i32
    %dma_start3A_80 = tpu.memref_slice %arg29[%dma_start3A_79] : memref<10240xf32, #tpu.memory_space<vmem_shared>> -> memref<10240xf32, #tpu.memory_space<vmem_shared>>
    tpu.enqueue_indirect_dma source(%dma_start3A_80 : memref<10240xf32, #tpu.memory_space<vmem_shared>>) target(%arg20 : memref<80xf32, #tpu.memory_space<vmem>>) offsets(%arg16 : memref<80xi32, #tpu.memory_space<vmem>>) semaphore(%arg36 : memref<!tpu.dma_semaphore, #tpu.memory_space<semaphore_mem>>)
    %dma_wait3A_81 = arith.constant 0 : i32
    %dma_wait3A_82 = arith.constant 0 : i32
    %dma_wait3A_83 = tpu.memref_slice %arg4[%dma_wait3A_81, %dma_wait3A_82] : memref<10240x128xf32, #tpu.memory_space<hbm>> -> memref<10240x128xf32, #tpu.memory_space<hbm>>
    tpu.wait_indirect_dma semaphore(%arg31 : memref<!tpu.dma_semaphore, #tpu.memory_space<semaphore_mem>>) src(%dma_wait3A_83 : memref<10240x128xf32, #tpu.memory_space<hbm>>) dst(%arg11 : memref<80x128xf32, #tpu.memory_space<vmem>>)
    %dma_wait3A_84 = arith.constant 0 : i32
    %dma_wait3A_85 = tpu.memref_slice %arg27[%dma_wait3A_84] : memref<10240xf32, #tpu.memory_space<vmem_shared>> -> memref<10240xf32, #tpu.memory_space<vmem_shared>>
    tpu.wait_indirect_dma semaphore(%arg33 : memref<!tpu.dma_semaphore, #tpu.memory_space<semaphore_mem>>) src(%dma_wait3A_85 : memref<10240xf32, #tpu.memory_space<vmem_shared>>) dst(%arg12 : memref<80xf32, #tpu.memory_space<vmem>>)
    %dma_wait3A_86 = arith.constant 0 : i32
    %dma_wait3A_87 = tpu.memref_slice %arg28[%dma_wait3A_86] : memref<10240xf32, #tpu.memory_space<vmem_shared>> -> memref<10240xf32, #tpu.memory_space<vmem_shared>>
    tpu.wait_indirect_dma semaphore(%arg33 : memref<!tpu.dma_semaphore, #tpu.memory_space<semaphore_mem>>) src(%dma_wait3A_87 : memref<10240xf32, #tpu.memory_space<vmem_shared>>) dst(%arg13 : memref<80xf32, #tpu.memory_space<vmem>>)
    %dma_wait3A_88 = arith.constant 0 : i32
    %dma_wait3A_89 = tpu.memref_slice %arg29[%dma_wait3A_88] : memref<10240xf32, #tpu.memory_space<vmem_shared>> -> memref<10240xf32, #tpu.memory_space<vmem_shared>>
    tpu.wait_indirect_dma semaphore(%arg33 : memref<!tpu.dma_semaphore, #tpu.memory_space<semaphore_mem>>) src(%dma_wait3A_89 : memref<10240xf32, #tpu.memory_space<vmem_shared>>) dst(%arg14 : memref<80xf32, #tpu.memory_space<vmem>>)
    %scan3A_90 = arith.constant 0 : i32
    %scan3A_91 = arith.constant 0 : i32
    %scan3A_92 = arith.constant 5 : i32
    %scan3A_93 = arith.addi %scan3A_91, %scan3A_92 : i32
    %scan3A_94 = arith.constant 1 : i32
    %scan3A_95 = scf.for %scan3A_297 = %scan3A_91 to %scan3A_93 step %scan3A_94 iter_args(%scan3A_298 = %scan3A_90) -> (i32)  : i32 {
      %mul3A_299 = arith.constant 16 : i32
      %mul3A_300 = arith.muli %scan3A_297, %mul3A_299 : i32
      %add3A_301 = vector.broadcast %mul3A_300 : i32 to vector<16xi32>
      %add3A_302 = arith.addi %add3A_301, %iota3A : vector<16xi32>
      %mul3A_303 = arith.constant 16 : i32
      %mul3A_304 = arith.muli %scan3A_297, %mul3A_303 : i32
      %broadcast_in_dim3A = arith.constant 48 : i32
      %broadcast_in_dim3A_305 = vector.broadcast %broadcast_in_dim3A : i32 to vector<16xi32>
      %gather3A = tpu.vector_load_idx %arg11[%add3A_302, %broadcast_in_dim3A_305] : memref<80x128xf32, #tpu.memory_space<vmem>>[vector<16xi32>, vector<16xi32>], vector<16xf32>,
      %get3A = arith.index_cast %mul3A_304 : i32 to index
      %get3A_306 = tpu.vector_load %arg12[%get3A] {strides = array<i32>} : memref<80xf32, #tpu.memory_space<vmem>>, vector<16xf32>,
      %add3A_307 = arith.addf %gather3A, %get3A_306 : vector<16xf32>
      %mul3A_308 = arith.constant 2.000000e-01 : f32
      %mul3A_309 = vector.broadcast %mul3A_308 : f32 to vector<16xf32>
      %mul3A_310 = arith.mulf %mul3A_309, %add3A_307 : vector<16xf32>
      %max3A = arith.maximumf %add3A_307, %mul3A_310 : vector<16xf32>
      %exp3A = math.exp %max3A : vector<16xf32>
      tpu.vector_store_idx %arg11[%add3A_302, %broadcast_in_dim3A_305], %exp3A : memref<80x128xf32, #tpu.memory_space<vmem>>[vector<16xi32>, vector<16xi32>], vector<16xf32>,
      %broadcast_in_dim3A_311 = arith.constant 49 : i32
      %broadcast_in_dim3A_312 = vector.broadcast %broadcast_in_dim3A_311 : i32 to vector<16xi32>
      %gather3A_313 = tpu.vector_load_idx %arg11[%add3A_302, %broadcast_in_dim3A_312] : memref<80x128xf32, #tpu.memory_space<vmem>>[vector<16xi32>, vector<16xi32>], vector<16xf32>,
      %get3A_314 = arith.index_cast %mul3A_304 : i32 to index
      %get3A_315 = tpu.vector_load %arg13[%get3A_314] {strides = array<i32>} : memref<80xf32, #tpu.memory_space<vmem>>, vector<16xf32>,
      %add3A_316 = arith.addf %gather3A_313, %get3A_315 : vector<16xf32>
      %mul3A_317 = arith.constant 2.000000e-01 : f32
      %mul3A_318 = vector.broadcast %mul3A_317 : f32 to vector<16xf32>
      %mul3A_319 = arith.mulf %mul3A_318, %add3A_316 : vector<16xf32>
      %max3A_320 = arith.maximumf %add3A_316, %mul3A_319 : vector<16xf32>
      %exp3A_321 = math.exp %max3A_320 : vector<16xf32>
      tpu.vector_store_idx %arg11[%add3A_302, %broadcast_in_dim3A_312], %exp3A_321 : memref<80x128xf32, #tpu.memory_space<vmem>>[vector<16xi32>, vector<16xi32>], vector<16xf32>,
      %broadcast_in_dim3A_322 = arith.constant 50 : i32
      %broadcast_in_dim3A_323 = vector.broadcast %broadcast_in_dim3A_322 : i32 to vector<16xi32>
      %gather3A_324 = tpu.vector_load_idx %arg11[%add3A_302, %broadcast_in_dim3A_323] : memref<80x128xf32, #tpu.memory_space<vmem>>[vector<16xi32>, vector<16xi32>], vector<16xf32>,
      %get3A_325 = arith.index_cast %mul3A_304 : i32 to index
      %get3A_326 = tpu.vector_load %arg14[%get3A_325] {strides = array<i32>} : memref<80xf32, #tpu.memory_space<vmem>>, vector<16xf32>,
      %add3A_327 = arith.addf %gather3A_324, %get3A_326 : vector<16xf32>
      %mul3A_328 = arith.constant 2.000000e-01 : f32
      %mul3A_329 = vector.broadcast %mul3A_328 : f32 to vector<16xf32>
      %mul3A_330 = arith.mulf %mul3A_329, %add3A_327 : vector<16xf32>
      %max3A_331 = arith.maximumf %add3A_327, %mul3A_330 : vector<16xf32>
      %exp3A_332 = math.exp %max3A_331 : vector<16xf32>
      tpu.vector_store_idx %arg11[%add3A_302, %broadcast_in_dim3A_323], %exp3A_332 : memref<80x128xf32, #tpu.memory_space<vmem>>[vector<16xi32>, vector<16xi32>], vector<16xf32>,
      %scan3A_333 = arith.constant 0 : i32
      scf.yield %scan3A_333 : i32
    }
    %scan3A_96 = arith.constant 5 : i32
    %scan3A_97 = arith.constant 0 : i32
    %scan3A_98 = arith.constant 0 : i32
    %scan3A_99 = arith.constant 80 : i32
    %scan3A_100 = arith.addi %scan3A_98, %scan3A_99 : i32
    %scan3A_101 = arith.constant 1 : i32
    %scan3A_102 = scf.for %scan3A_297 = %scan3A_98 to %scan3A_100 step %scan3A_101 iter_args(%scan3A_298 = %scan3A_97) -> (i32)  : i32 {
      %get3A = arith.index_cast %scan3A_297 : i32 to index
      %get3A_299 = arith.constant 48 : index
      %get3A_300 = tpu.vector_load %arg11[%get3A, %get3A_299] {strides = array<i32>} : memref<80x128xf32, #tpu.memory_space<vmem>>, vector<16xf32>,
      %broadcast_in_dim3A = arith.constant 0 : i32
      %broadcast_in_dim3A_301 = vector.broadcast %broadcast_in_dim3A : i32 to vector<16xi32>
      %broadcast_in_dim3A_302 = vector.shape_cast %broadcast_in_dim3A_301 : vector<16xi32> to vector<16x1xi32>
      %gather3A = vector.shape_cast %broadcast_in_dim3A_302 : vector<16x1xi32> to vector<16xi32>
      %gather3A_303 = tpu.dynamic_gather %get3A_300[%gather3A] in [0] : vector<16xf32>, vector<16xi32> -> vector<16xf32>
      %get3A_304 = arith.index_cast %scan3A_297 : i32 to index
      %get3A_305 = arith.constant 0 : index
      %get3A_306 = tpu.vector_load %arg11[%get3A_304, %get3A_305] {strides = array<i32>} : memref<80x128xf32, #tpu.memory_space<vmem>>, vector<16xf32>,
      %mul3A_307 = arith.mulf %get3A_306, %gather3A_303 : vector<16xf32>
      %swap3A = arith.index_cast %scan3A_297 : i32 to index
      %swap3A_308 = arith.constant 0 : index
      %swap3A_309 = tpu.vector_load %arg11[%swap3A, %swap3A_308] {strides = array<i32>} : memref<80x128xf32, #tpu.memory_space<vmem>>, vector<16xf32>,
      tpu.vector_store %arg11[%swap3A, %swap3A_308], %mul3A_307 {strides = array<i32>} : memref<80x128xf32, #tpu.memory_space<vmem>>, vector<16xf32>,
      %broadcast_in_dim3A_310 = arith.constant 1 : i32
      %broadcast_in_dim3A_311 = vector.broadcast %broadcast_in_dim3A_310 : i32 to vector<16xi32>
      %broadcast_in_dim3A_312 = vector.shape_cast %broadcast_in_dim3A_311 : vector<16xi32> to vector<16x1xi32>
      %gather3A_313 = vector.shape_cast %broadcast_in_dim3A_312 : vector<16x1xi32> to vector<16xi32>
      %gather3A_314 = tpu.dynamic_gather %get3A_300[%gather3A_313] in [0] : vector<16xf32>, vector<16xi32> -> vector<16xf32>
      %get3A_315 = arith.index_cast %scan3A_297 : i32 to index
      %get3A_316 = arith.constant 16 : index
      %get3A_317 = tpu.vector_load %arg11[%get3A_315, %get3A_316] {strides = array<i32>} : memref<80x128xf32, #tpu.memory_space<vmem>>, vector<16xf32>,
      %mul3A_318 = arith.mulf %get3A_317, %gather3A_314 : vector<16xf32>
      %swap3A_319 = arith.index_cast %scan3A_297 : i32 to index
      %swap3A_320 = arith.constant 16 : index
      %swap3A_321 = tpu.vector_load %arg11[%swap3A_319, %swap3A_320] {strides = array<i32>} : memref<80x128xf32, #tpu.memory_space<vmem>>, vector<16xf32>,
      tpu.vector_store %arg11[%swap3A_319, %swap3A_320], %mul3A_318 {strides = array<i32>} : memref<80x128xf32, #tpu.memory_space<vmem>>, vector<16xf32>,
      %broadcast_in_dim3A_322 = arith.constant 2 : i32
      %broadcast_in_dim3A_323 = vector.broadcast %broadcast_in_dim3A_322 : i32 to vector<16xi32>
      %broadcast_in_dim3A_324 = vector.shape_cast %broadcast_in_dim3A_323 : vector<16xi32> to vector<16x1xi32>
      %gather3A_325 = vector.shape_cast %broadcast_in_dim3A_324 : vector<16x1xi32> to vector<16xi32>
      %gather3A_326 = tpu.dynamic_gather %get3A_300[%gather3A_325] in [0] : vector<16xf32>, vector<16xi32> -> vector<16xf32>
      %get3A_327 = arith.index_cast %scan3A_297 : i32 to index
      %get3A_328 = arith.constant 32 : index
      %get3A_329 = tpu.vector_load %arg11[%get3A_327, %get3A_328] {strides = array<i32>} : memref<80x128xf32, #tpu.memory_space<vmem>>, vector<16xf32>,
      %mul3A_330 = arith.mulf %get3A_329, %gather3A_326 : vector<16xf32>
      %swap3A_331 = arith.index_cast %scan3A_297 : i32 to index
      %swap3A_332 = arith.constant 32 : index
      %swap3A_333 = tpu.vector_load %arg11[%swap3A_331, %swap3A_332] {strides = array<i32>} : memref<80x128xf32, #tpu.memory_space<vmem>>, vector<16xf32>,
      tpu.vector_store %arg11[%swap3A_331, %swap3A_332], %mul3A_330 {strides = array<i32>} : memref<80x128xf32, #tpu.memory_space<vmem>>, vector<16xf32>,
      %scan3A_334 = arith.constant 0 : i32
      scf.yield %scan3A_334 : i32
    }
    %scan3A_103 = arith.constant 80 : i32
    %dma_start3A_104 = arith.constant 0 : i32
    %dma_start3A_105 = arith.constant 0 : i32
    %dma_start3A_106 = tpu.memref_slice %arg30[%dma_start3A_104, %dma_start3A_105] : memref<10240x128xf32, #tpu.memory_space<vmem_shared>> -> memref<10240x128xf32, #tpu.memory_space<vmem_shared>>
    tpu.enqueue_indirect_dma source(%arg11 : memref<80x128xf32, #tpu.memory_space<vmem>>) target(%dma_start3A_106 : memref<10240x128xf32, #tpu.memory_space<vmem_shared>>) offsets(%arg10 : memref<80xi32, #tpu.memory_space<vmem>>) semaphore(%arg32 : memref<!tpu.dma_semaphore, #tpu.memory_space<semaphore_mem>>) {add = true}
    %add3A_107 = arith.constant 64 : i32
    %add3A_108 = arith.addi %add3A_107, %add3A : i32
    %mul3A_109 = arith.constant 80 : i32
    %mul3A_110 = arith.muli %add3A_108, %mul3A_109 : i32
    %dma_start3A_111 = tpu.memref_slice %arg2[%mul3A_110] : memref<320000xi32, #tpu.memory_space<hbm>> -> memref<80xi32, #tpu.memory_space<hbm>>
    %dma_start3A_112 = tpu.memref_slice %arg2[%mul3A_110] : memref<320000xi32, #tpu.memory_space<hbm>> -> memref<80xi32, #tpu.memory_space<hbm>>
    tpu.enqueue_dma source(%dma_start3A_112 : memref<80xi32, #tpu.memory_space<hbm>>) target(%arg21 : memref<80xi32, #tpu.memory_space<vmem>>) target_semaphore(%arg39 : memref<!tpu.dma_semaphore, #tpu.memory_space<semaphore_mem>>)
    %dma_start3A_113 = tpu.memref_slice %arg3[%mul3A_110] : memref<320000xi32, #tpu.memory_space<hbm>> -> memref<80xi32, #tpu.memory_space<hbm>>
    %dma_start3A_114 = tpu.memref_slice %arg3[%mul3A_110] : memref<320000xi32, #tpu.memory_space<hbm>> -> memref<80xi32, #tpu.memory_space<hbm>>
    tpu.enqueue_dma source(%dma_start3A_114 : memref<80xi32, #tpu.memory_space<hbm>>) target(%arg22 : memref<80xi32, #tpu.memory_space<vmem>>) target_semaphore(%arg39 : memref<!tpu.dma_semaphore, #tpu.memory_space<semaphore_mem>>)
    %dma_wait3A_115 = tpu.memref_slice %arg2[%mul3A_110] : memref<320000xi32, #tpu.memory_space<hbm>> -> memref<80xi32, #tpu.memory_space<hbm>>
    %dma_wait3A_116 = tpu.memref_slice %arg2[%mul3A_110] : memref<320000xi32, #tpu.memory_space<hbm>> -> memref<80xi32, #tpu.memory_space<hbm>>
    tpu.wait_dma2 semaphore(%arg39 : memref<!tpu.dma_semaphore, #tpu.memory_space<semaphore_mem>>) src(%dma_wait3A_116 : memref<80xi32, #tpu.memory_space<hbm>>) dst(%arg21 : memref<80xi32, #tpu.memory_space<vmem>>)
    %dma_wait3A_117 = tpu.memref_slice %arg3[%mul3A_110] : memref<320000xi32, #tpu.memory_space<hbm>> -> memref<80xi32, #tpu.memory_space<hbm>>
    %dma_wait3A_118 = tpu.memref_slice %arg3[%mul3A_110] : memref<320000xi32, #tpu.memory_space<hbm>> -> memref<80xi32, #tpu.memory_space<hbm>>
    tpu.wait_dma2 semaphore(%arg39 : memref<!tpu.dma_semaphore, #tpu.memory_space<semaphore_mem>>) src(%dma_wait3A_118 : memref<80xi32, #tpu.memory_space<hbm>>) dst(%arg22 : memref<80xi32, #tpu.memory_space<vmem>>)
    %dma_start3A_119 = arith.constant 0 : i32
    %dma_start3A_120 = arith.constant 0 : i32
    %dma_start3A_121 = tpu.memref_slice %arg4[%dma_start3A_119, %dma_start3A_120] : memref<10240x128xf32, #tpu.memory_space<hbm>> -> memref<10240x128xf32, #tpu.memory_space<hbm>>
    tpu.enqueue_indirect_dma source(%dma_start3A_121 : memref<10240x128xf32, #tpu.memory_space<hbm>>) target(%arg23 : memref<80x128xf32, #tpu.memory_space<vmem>>) offsets(%arg21 : memref<80xi32, #tpu.memory_space<vmem>>) semaphore(%arg37 : memref<!tpu.dma_semaphore, #tpu.memory_space<semaphore_mem>>)
    %dma_start3A_122 = arith.constant 0 : i32
    %dma_start3A_123 = tpu.memref_slice %arg27[%dma_start3A_122] : memref<10240xf32, #tpu.memory_space<vmem_shared>> -> memref<10240xf32, #tpu.memory_space<vmem_shared>>
    tpu.enqueue_indirect_dma source(%dma_start3A_123 : memref<10240xf32, #tpu.memory_space<vmem_shared>>) target(%arg24 : memref<80xf32, #tpu.memory_space<vmem>>) offsets(%arg22 : memref<80xi32, #tpu.memory_space<vmem>>) semaphore(%arg39 : memref<!tpu.dma_semaphore, #tpu.memory_space<semaphore_mem>>)
    %dma_start3A_124 = arith.constant 0 : i32
    %dma_start3A_125 = tpu.memref_slice %arg28[%dma_start3A_124] : memref<10240xf32, #tpu.memory_space<vmem_shared>> -> memref<10240xf32, #tpu.memory_space<vmem_shared>>
    tpu.enqueue_indirect_dma source(%dma_start3A_125 : memref<10240xf32, #tpu.memory_space<vmem_shared>>) target(%arg25 : memref<80xf32, #tpu.memory_space<vmem>>) offsets(%arg22 : memref<80xi32, #tpu.memory_space<vmem>>) semaphore(%arg39 : memref<!tpu.dma_semaphore, #tpu.memory_space<semaphore_mem>>)
    %dma_start3A_126 = arith.constant 0 : i32
    %dma_start3A_127 = tpu.memref_slice %arg29[%dma_start3A_126] : memref<10240xf32, #tpu.memory_space<vmem_shared>> -> memref<10240xf32, #tpu.memory_space<vmem_shared>>
    tpu.enqueue_indirect_dma source(%dma_start3A_127 : memref<10240xf32, #tpu.memory_space<vmem_shared>>) target(%arg26 : memref<80xf32, #tpu.memory_space<vmem>>) offsets(%arg22 : memref<80xi32, #tpu.memory_space<vmem>>) semaphore(%arg39 : memref<!tpu.dma_semaphore, #tpu.memory_space<semaphore_mem>>)
    %scan3A_128 = arith.constant 0 : i32
    %scan3A_129 = arith.constant 0 : i32
    %scan3A_130 = arith.constant 40 : i32
    %scan3A_131 = arith.addi %scan3A_129, %scan3A_130 : i32
    %scan3A_132 = arith.constant 1 : i32
    %scan3A_133 = scf.for %scan3A_297 = %scan3A_129 to %scan3A_131 step %scan3A_132 iter_args(%scan3A_298 = %scan3A_128) -> (i32)  : i32 {
      %dma_wait3A_299 = arith.constant 0 : i32
      %dma_wait3A_300 = arith.constant 0 : i32
      %dma_wait3A_301 = tpu.memref_slice %arg4[%dma_wait3A_299, %dma_wait3A_300] : memref<10240x128xf32, #tpu.memory_space<hbm>> -> memref<10240x128xf32, #tpu.memory_space<hbm>>
      tpu.wait_indirect_dma semaphore(%arg34 : memref<!tpu.dma_semaphore, #tpu.memory_space<semaphore_mem>>) src(%dma_wait3A_301 : memref<10240x128xf32, #tpu.memory_space<hbm>>) dst(%arg17 : memref<80x128xf32, #tpu.memory_space<vmem>>)
      %dma_wait3A_302 = arith.constant 0 : i32
      %dma_wait3A_303 = tpu.memref_slice %arg27[%dma_wait3A_302] : memref<10240xf32, #tpu.memory_space<vmem_shared>> -> memref<10240xf32, #tpu.memory_space<vmem_shared>>
      tpu.wait_indirect_dma semaphore(%arg36 : memref<!tpu.dma_semaphore, #tpu.memory_space<semaphore_mem>>) src(%dma_wait3A_303 : memref<10240xf32, #tpu.memory_space<vmem_shared>>) dst(%arg18 : memref<80xf32, #tpu.memory_space<vmem>>)
      %dma_wait3A_304 = arith.constant 0 : i32
      %dma_wait3A_305 = tpu.memref_slice %arg28[%dma_wait3A_304] : memref<10240xf32, #tpu.memory_space<vmem_shared>> -> memref<10240xf32, #tpu.memory_space<vmem_shared>>
      tpu.wait_indirect_dma semaphore(%arg36 : memref<!tpu.dma_semaphore, #tpu.memory_space<semaphore_mem>>) src(%dma_wait3A_305 : memref<10240xf32, #tpu.memory_space<vmem_shared>>) dst(%arg19 : memref<80xf32, #tpu.memory_space<vmem>>)
      %dma_wait3A_306 = arith.constant 0 : i32
      %dma_wait3A_307 = tpu.memref_slice %arg29[%dma_wait3A_306] : memref<10240xf32, #tpu.memory_space<vmem_shared>> -> memref<10240xf32, #tpu.memory_space<vmem_shared>>
      tpu.wait_indirect_dma semaphore(%arg36 : memref<!tpu.dma_semaphore, #tpu.memory_space<semaphore_mem>>) src(%dma_wait3A_307 : memref<10240xf32, #tpu.memory_space<vmem_shared>>) dst(%arg20 : memref<80xf32, #tpu.memory_space<vmem>>)
      %scan3A_308 = arith.constant 0 : i32
      %scan3A_309 = arith.constant 0 : i32
      %scan3A_310 = arith.constant 5 : i32
      %scan3A_311 = arith.addi %scan3A_309, %scan3A_310 : i32
      %scan3A_312 = arith.constant 1 : i32
      %scan3A_313 = scf.for %scan3A_465 = %scan3A_309 to %scan3A_311 step %scan3A_312 iter_args(%scan3A_466 = %scan3A_308) -> (i32)  : i32 {
        %mul3A_467 = arith.constant 16 : i32
        %mul3A_468 = arith.muli %scan3A_465, %mul3A_467 : i32
        %add3A_469 = vector.broadcast %mul3A_468 : i32 to vector<16xi32>
        %add3A_470 = arith.addi %add3A_469, %iota3A : vector<16xi32>
        %mul3A_471 = arith.constant 16 : i32
        %mul3A_472 = arith.muli %scan3A_465, %mul3A_471 : i32
        %broadcast_in_dim3A = arith.constant 48 : i32
        %broadcast_in_dim3A_473 = vector.broadcast %broadcast_in_dim3A : i32 to vector<16xi32>
        %gather3A = tpu.vector_load_idx %arg17[%add3A_470, %broadcast_in_dim3A_473] : memref<80x128xf32, #tpu.memory_space<vmem>>[vector<16xi32>, vector<16xi32>], vector<16xf32>,
        %get3A = arith.index_cast %mul3A_472 : i32 to index
        %get3A_474 = tpu.vector_load %arg18[%get3A] {strides = array<i32>} : memref<80xf32, #tpu.memory_space<vmem>>, vector<16xf32>,
        %add3A_475 = arith.addf %gather3A, %get3A_474 : vector<16xf32>
        %mul3A_476 = arith.constant 2.000000e-01 : f32
        %mul3A_477 = vector.broadcast %mul3A_476 : f32 to vector<16xf32>
        %mul3A_478 = arith.mulf %mul3A_477, %add3A_475 : vector<16xf32>
        %max3A = arith.maximumf %add3A_475, %mul3A_478 : vector<16xf32>
        %exp3A = math.exp %max3A : vector<16xf32>
        tpu.vector_store_idx %arg17[%add3A_470, %broadcast_in_dim3A_473], %exp3A : memref<80x128xf32, #tpu.memory_space<vmem>>[vector<16xi32>, vector<16xi32>], vector<16xf32>,
        %broadcast_in_dim3A_479 = arith.constant 49 : i32
        %broadcast_in_dim3A_480 = vector.broadcast %broadcast_in_dim3A_479 : i32 to vector<16xi32>
        %gather3A_481 = tpu.vector_load_idx %arg17[%add3A_470, %broadcast_in_dim3A_480] : memref<80x128xf32, #tpu.memory_space<vmem>>[vector<16xi32>, vector<16xi32>], vector<16xf32>,
        %get3A_482 = arith.index_cast %mul3A_472 : i32 to index
        %get3A_483 = tpu.vector_load %arg19[%get3A_482] {strides = array<i32>} : memref<80xf32, #tpu.memory_space<vmem>>, vector<16xf32>,
        %add3A_484 = arith.addf %gather3A_481, %get3A_483 : vector<16xf32>
        %mul3A_485 = arith.constant 2.000000e-01 : f32
        %mul3A_486 = vector.broadcast %mul3A_485 : f32 to vector<16xf32>
        %mul3A_487 = arith.mulf %mul3A_486, %add3A_484 : vector<16xf32>
        %max3A_488 = arith.maximumf %add3A_484, %mul3A_487 : vector<16xf32>
        %exp3A_489 = math.exp %max3A_488 : vector<16xf32>
        tpu.vector_store_idx %arg17[%add3A_470, %broadcast_in_dim3A_480], %exp3A_489 : memref<80x128xf32, #tpu.memory_space<vmem>>[vector<16xi32>, vector<16xi32>], vector<16xf32>,
        %broadcast_in_dim3A_490 = arith.constant 50 : i32
        %broadcast_in_dim3A_491 = vector.broadcast %broadcast_in_dim3A_490 : i32 to vector<16xi32>
        %gather3A_492 = tpu.vector_load_idx %arg17[%add3A_470, %broadcast_in_dim3A_491] : memref<80x128xf32, #tpu.memory_space<vmem>>[vector<16xi32>, vector<16xi32>], vector<16xf32>,
        %get3A_493 = arith.index_cast %mul3A_472 : i32 to index
        %get3A_494 = tpu.vector_load %arg20[%get3A_493] {strides = array<i32>} : memref<80xf32, #tpu.memory_space<vmem>>, vector<16xf32>,
        %add3A_495 = arith.addf %gather3A_492, %get3A_494 : vector<16xf32>
        %mul3A_496 = arith.constant 2.000000e-01 : f32
        %mul3A_497 = vector.broadcast %mul3A_496 : f32 to vector<16xf32>
        %mul3A_498 = arith.mulf %mul3A_497, %add3A_495 : vector<16xf32>
        %max3A_499 = arith.maximumf %add3A_495, %mul3A_498 : vector<16xf32>
        %exp3A_500 = math.exp %max3A_499 : vector<16xf32>
        tpu.vector_store_idx %arg17[%add3A_470, %broadcast_in_dim3A_491], %exp3A_500 : memref<80x128xf32, #tpu.memory_space<vmem>>[vector<16xi32>, vector<16xi32>], vector<16xf32>,
        %scan3A_501 = arith.constant 0 : i32
        scf.yield %scan3A_501 : i32
      }
      %scan3A_314 = arith.constant 5 : i32
      %scan3A_315 = arith.constant 0 : i32
      %scan3A_316 = arith.constant 0 : i32
      %scan3A_317 = arith.constant 80 : i32
      %scan3A_318 = arith.addi %scan3A_316, %scan3A_317 : i32
      %scan3A_319 = arith.constant 1 : i32
      %scan3A_320 = scf.for %scan3A_465 = %scan3A_316 to %scan3A_318 step %scan3A_319 iter_args(%scan3A_466 = %scan3A_315) -> (i32)  : i32 {
        %get3A = arith.index_cast %scan3A_465 : i32 to index
        %get3A_467 = arith.constant 48 : index
        %get3A_468 = tpu.vector_load %arg17[%get3A, %get3A_467] {strides = array<i32>} : memref<80x128xf32, #tpu.memory_space<vmem>>, vector<16xf32>,
        %broadcast_in_dim3A = arith.constant 0 : i32
        %broadcast_in_dim3A_469 = vector.broadcast %broadcast_in_dim3A : i32 to vector<16xi32>
        %broadcast_in_dim3A_470 = vector.shape_cast %broadcast_in_dim3A_469 : vector<16xi32> to vector<16x1xi32>
        %gather3A = vector.shape_cast %broadcast_in_dim3A_470 : vector<16x1xi32> to vector<16xi32>
        %gather3A_471 = tpu.dynamic_gather %get3A_468[%gather3A] in [0] : vector<16xf32>, vector<16xi32> -> vector<16xf32>
        %get3A_472 = arith.index_cast %scan3A_465 : i32 to index
        %get3A_473 = arith.constant 0 : index
        %get3A_474 = tpu.vector_load %arg17[%get3A_472, %get3A_473] {strides = array<i32>} : memref<80x128xf32, #tpu.memory_space<vmem>>, vector<16xf32>,
        %mul3A_475 = arith.mulf %get3A_474, %gather3A_471 : vector<16xf32>
        %swap3A = arith.index_cast %scan3A_465 : i32 to index
        %swap3A_476 = arith.constant 0 : index
        %swap3A_477 = tpu.vector_load %arg17[%swap3A, %swap3A_476] {strides = array<i32>} : memref<80x128xf32, #tpu.memory_space<vmem>>, vector<16xf32>,
        tpu.vector_store %arg17[%swap3A, %swap3A_476], %mul3A_475 {strides = array<i32>} : memref<80x128xf32, #tpu.memory_space<vmem>>, vector<16xf32>,
        %broadcast_in_dim3A_478 = arith.constant 1 : i32
        %broadcast_in_dim3A_479 = vector.broadcast %broadcast_in_dim3A_478 : i32 to vector<16xi32>
        %broadcast_in_dim3A_480 = vector.shape_cast %broadcast_in_dim3A_479 : vector<16xi32> to vector<16x1xi32>
        %gather3A_481 = vector.shape_cast %broadcast_in_dim3A_480 : vector<16x1xi32> to vector<16xi32>
        %gather3A_482 = tpu.dynamic_gather %get3A_468[%gather3A_481] in [0] : vector<16xf32>, vector<16xi32> -> vector<16xf32>
        %get3A_483 = arith.index_cast %scan3A_465 : i32 to index
        %get3A_484 = arith.constant 16 : index
        %get3A_485 = tpu.vector_load %arg17[%get3A_483, %get3A_484] {strides = array<i32>} : memref<80x128xf32, #tpu.memory_space<vmem>>, vector<16xf32>,
        %mul3A_486 = arith.mulf %get3A_485, %gather3A_482 : vector<16xf32>
        %swap3A_487 = arith.index_cast %scan3A_465 : i32 to index
        %swap3A_488 = arith.constant 16 : index
        %swap3A_489 = tpu.vector_load %arg17[%swap3A_487, %swap3A_488] {strides = array<i32>} : memref<80x128xf32, #tpu.memory_space<vmem>>, vector<16xf32>,
        tpu.vector_store %arg17[%swap3A_487, %swap3A_488], %mul3A_486 {strides = array<i32>} : memref<80x128xf32, #tpu.memory_space<vmem>>, vector<16xf32>,
        %broadcast_in_dim3A_490 = arith.constant 2 : i32
        %broadcast_in_dim3A_491 = vector.broadcast %broadcast_in_dim3A_490 : i32 to vector<16xi32>
        %broadcast_in_dim3A_492 = vector.shape_cast %broadcast_in_dim3A_491 : vector<16xi32> to vector<16x1xi32>
        %gather3A_493 = vector.shape_cast %broadcast_in_dim3A_492 : vector<16x1xi32> to vector<16xi32>
        %gather3A_494 = tpu.dynamic_gather %get3A_468[%gather3A_493] in [0] : vector<16xf32>, vector<16xi32> -> vector<16xf32>
        %get3A_495 = arith.index_cast %scan3A_465 : i32 to index
        %get3A_496 = arith.constant 32 : index
        %get3A_497 = tpu.vector_load %arg17[%get3A_495, %get3A_496] {strides = array<i32>} : memref<80x128xf32, #tpu.memory_space<vmem>>, vector<16xf32>,
        %mul3A_498 = arith.mulf %get3A_497, %gather3A_494 : vector<16xf32>
        %swap3A_499 = arith.index_cast %scan3A_465 : i32 to index
        %swap3A_500 = arith.constant 32 : index
        %swap3A_501 = tpu.vector_load %arg17[%swap3A_499, %swap3A_500] {strides = array<i32>} : memref<80x128xf32, #tpu.memory_space<vmem>>, vector<16xf32>,
        tpu.vector_store %arg17[%swap3A_499, %swap3A_500], %mul3A_498 {strides = array<i32>} : memref<80x128xf32, #tpu.memory_space<vmem>>, vector<16xf32>,
        %scan3A_502 = arith.constant 0 : i32
        scf.yield %scan3A_502 : i32
      }
      %scan3A_321 = arith.constant 80 : i32
      %dma_start3A_322 = arith.constant 0 : i32
      %dma_start3A_323 = arith.constant 0 : i32
      %dma_start3A_324 = tpu.memref_slice %arg30[%dma_start3A_322, %dma_start3A_323] : memref<10240x128xf32, #tpu.memory_space<vmem_shared>> -> memref<10240x128xf32, #tpu.memory_space<vmem_shared>>
      tpu.enqueue_indirect_dma source(%arg17 : memref<80x128xf32, #tpu.memory_space<vmem>>) target(%dma_start3A_324 : memref<10240x128xf32, #tpu.memory_space<vmem_shared>>) offsets(%arg16 : memref<80xi32, #tpu.memory_space<vmem>>) semaphore(%arg35 : memref<!tpu.dma_semaphore, #tpu.memory_space<semaphore_mem>>) {add = true}
      %dma_wait3A_325 = arith.constant 0 : i32
      %dma_wait3A_326 = arith.constant 0 : i32
      %dma_wait3A_327 = tpu.memref_slice %arg30[%dma_wait3A_325, %dma_wait3A_326] : memref<10240x128xf32, #tpu.memory_space<vmem_shared>> -> memref<10240x128xf32, #tpu.memory_space<vmem_shared>>
      tpu.wait_indirect_dma semaphore(%arg32 : memref<!tpu.dma_semaphore, #tpu.memory_space<semaphore_mem>>) src(%arg11 : memref<80x128xf32, #tpu.memory_space<vmem>>) dst(%dma_wait3A_327 : memref<10240x128xf32, #tpu.memory_space<vmem_shared>>)
      %mul3A_328 = arith.constant 3 : i32
      %mul3A_329 = arith.muli %mul3A_328, %scan3A_297 : i32
      %add3A_330 = arith.constant 3 : i32
      %add3A_331 = arith.addi %mul3A_329, %add3A_330 : i32
      %mul3A_332 = arith.constant 32 : i32
      %mul3A_333 = arith.muli %add3A_331, %mul3A_332 : i32
      %add3A_334 = arith.addi %mul3A_333, %add3A : i32
      %mul3A_335 = arith.constant 80 : i32
      %mul3A_336 = arith.muli %add3A_334, %mul3A_335 : i32
      %dma_start3A_337 = tpu.memref_slice %arg2[%mul3A_336] : memref<320000xi32, #tpu.memory_space<hbm>> -> memref<80xi32, #tpu.memory_space<hbm>>
      %dma_start3A_338 = tpu.memref_slice %arg2[%mul3A_336] : memref<320000xi32, #tpu.memory_space<hbm>> -> memref<80xi32, #tpu.memory_space<hbm>>
      tpu.enqueue_dma source(%dma_start3A_338 : memref<80xi32, #tpu.memory_space<hbm>>) target(%arg9 : memref<80xi32, #tpu.memory_space<vmem>>) target_semaphore(%arg33 : memref<!tpu.dma_semaphore, #tpu.memory_space<semaphore_mem>>)
      %dma_start3A_339 = tpu.memref_slice %arg3[%mul3A_336] : memref<320000xi32, #tpu.memory_space<hbm>> -> memref<80xi32, #tpu.memory_space<hbm>>
      %dma_start3A_340 = tpu.memref_slice %arg3[%mul3A_336] : memref<320000xi32, #tpu.memory_space<hbm>> -> memref<80xi32, #tpu.memory_space<hbm>>
      tpu.enqueue_dma source(%dma_start3A_340 : memref<80xi32, #tpu.memory_space<hbm>>) target(%arg10 : memref<80xi32, #tpu.memory_space<vmem>>) target_semaphore(%arg33 : memref<!tpu.dma_semaphore, #tpu.memory_space<semaphore_mem>>)
      %dma_wait3A_341 = tpu.memref_slice %arg2[%mul3A_336] : memref<320000xi32, #tpu.memory_space<hbm>> -> memref<80xi32, #tpu.memory_space<hbm>>
      %dma_wait3A_342 = tpu.memref_slice %arg2[%mul3A_336] : memref<320000xi32, #tpu.memory_space<hbm>> -> memref<80xi32, #tpu.memory_space<hbm>>
      tpu.wait_dma2 semaphore(%arg33 : memref<!tpu.dma_semaphore, #tpu.memory_space<semaphore_mem>>) src(%dma_wait3A_342 : memref<80xi32, #tpu.memory_space<hbm>>) dst(%arg9 : memref<80xi32, #tpu.memory_space<vmem>>)
      %dma_wait3A_343 = tpu.memref_slice %arg3[%mul3A_336] : memref<320000xi32, #tpu.memory_space<hbm>> -> memref<80xi32, #tpu.memory_space<hbm>>
      %dma_wait3A_344 = tpu.memref_slice %arg3[%mul3A_336] : memref<320000xi32, #tpu.memory_space<hbm>> -> memref<80xi32, #tpu.memory_space<hbm>>
      tpu.wait_dma2 semaphore(%arg33 : memref<!tpu.dma_semaphore, #tpu.memory_space<semaphore_mem>>) src(%dma_wait3A_344 : memref<80xi32, #tpu.memory_space<hbm>>) dst(%arg10 : memref<80xi32, #tpu.memory_space<vmem>>)
      %dma_start3A_345 = arith.constant 0 : i32
      %dma_start3A_346 = arith.constant 0 : i32
      %dma_start3A_347 = tpu.memref_slice %arg4[%dma_start3A_345, %dma_start3A_346] : memref<10240x128xf32, #tpu.memory_space<hbm>> -> memref<10240x128xf32, #tpu.memory_space<hbm>>
      tpu.enqueue_indirect_dma source(%dma_start3A_347 : memref<10240x128xf32, #tpu.memory_space<hbm>>) target(%arg11 : memref<80x128xf32, #tpu.memory_space<vmem>>) offsets(%arg9 : memref<80xi32, #tpu.memory_space<vmem>>) semaphore(%arg31 : memref<!tpu.dma_semaphore, #tpu.memory_space<semaphore_mem>>)
      %dma_start3A_348 = arith.constant 0 : i32
      %dma_start3A_349 = tpu.memref_slice %arg27[%dma_start3A_348] : memref<10240xf32, #tpu.memory_space<vmem_shared>> -> memref<10240xf32, #tpu.memory_space<vmem_shared>>
      tpu.enqueue_indirect_dma source(%dma_start3A_349 : memref<10240xf32, #tpu.memory_space<vmem_shared>>) target(%arg12 : memref<80xf32, #tpu.memory_space<vmem>>) offsets(%arg10 : memref<80xi32, #tpu.memory_space<vmem>>) semaphore(%arg33 : memref<!tpu.dma_semaphore, #tpu.memory_space<semaphore_mem>>)
      %dma_start3A_350 = arith.constant 0 : i32
      %dma_start3A_351 = tpu.memref_slice %arg28[%dma_start3A_350] : memref<10240xf32, #tpu.memory_space<vmem_shared>> -> memref<10240xf32, #tpu.memory_space<vmem_shared>>
      tpu.enqueue_indirect_dma source(%dma_start3A_351 : memref<10240xf32, #tpu.memory_space<vmem_shared>>) target(%arg13 : memref<80xf32, #tpu.memory_space<vmem>>) offsets(%arg10 : memref<80xi32, #tpu.memory_space<vmem>>) semaphore(%arg33 : memref<!tpu.dma_semaphore, #tpu.memory_space<semaphore_mem>>)
      %dma_start3A_352 = arith.constant 0 : i32
      %dma_start3A_353 = tpu.memref_slice %arg29[%dma_start3A_352] : memref<10240xf32, #tpu.memory_space<vmem_shared>> -> memref<10240xf32, #tpu.memory_space<vmem_shared>>
      tpu.enqueue_indirect_dma source(%dma_start3A_353 : memref<10240xf32, #tpu.memory_space<vmem_shared>>) target(%arg14 : memref<80xf32, #tpu.memory_space<vmem>>) offsets(%arg10 : memref<80xi32, #tpu.memory_space<vmem>>) semaphore(%arg33 : memref<!tpu.dma_semaphore, #tpu.memory_space<semaphore_mem>>)
      %dma_wait3A_354 = arith.constant 0 : i32
      %dma_wait3A_355 = arith.constant 0 : i32
      %dma_wait3A_356 = tpu.memref_slice %arg4[%dma_wait3A_354, %dma_wait3A_355] : memref<10240x128xf32, #tpu.memory_space<hbm>> -> memref<10240x128xf32, #tpu.memory_space<hbm>>
      tpu.wait_indirect_dma semaphore(%arg37 : memref<!tpu.dma_semaphore, #tpu.memory_space<semaphore_mem>>) src(%dma_wait3A_356 : memref<10240x128xf32, #tpu.memory_space<hbm>>) dst(%arg23 : memref<80x128xf32, #tpu.memory_space<vmem>>)
      %dma_wait3A_357 = arith.constant 0 : i32
      %dma_wait3A_358 = tpu.memref_slice %arg27[%dma_wait3A_357] : memref<10240xf32, #tpu.memory_space<vmem_shared>> -> memref<10240xf32, #tpu.memory_space<vmem_shared>>
      tpu.wait_indirect_dma semaphore(%arg39 : memref<!tpu.dma_semaphore, #tpu.memory_space<semaphore_mem>>) src(%dma_wait3A_358 : memref<10240xf32, #tpu.memory_space<vmem_shared>>) dst(%arg24 : memref<80xf32, #tpu.memory_space<vmem>>)
      %dma_wait3A_359 = arith.constant 0 : i32
      %dma_wait3A_360 = tpu.memref_slice %arg28[%dma_wait3A_359] : memref<10240xf32, #tpu.memory_space<vmem_shared>> -> memref<10240xf32, #tpu.memory_space<vmem_shared>>
      tpu.wait_indirect_dma semaphore(%arg39 : memref<!tpu.dma_semaphore, #tpu.memory_space<semaphore_mem>>) src(%dma_wait3A_360 : memref<10240xf32, #tpu.memory_space<vmem_shared>>) dst(%arg25 : memref<80xf32, #tpu.memory_space<vmem>>)
      %dma_wait3A_361 = arith.constant 0 : i32
      %dma_wait3A_362 = tpu.memref_slice %arg29[%dma_wait3A_361] : memref<10240xf32, #tpu.memory_space<vmem_shared>> -> memref<10240xf32, #tpu.memory_space<vmem_shared>>
      tpu.wait_indirect_dma semaphore(%arg39 : memref<!tpu.dma_semaphore, #tpu.memory_space<semaphore_mem>>) src(%dma_wait3A_362 : memref<10240xf32, #tpu.memory_space<vmem_shared>>) dst(%arg26 : memref<80xf32, #tpu.memory_space<vmem>>)
      %scan3A_363 = arith.constant 0 : i32
      %scan3A_364 = arith.constant 0 : i32
      %scan3A_365 = arith.constant 5 : i32
      %scan3A_366 = arith.addi %scan3A_364, %scan3A_365 : i32
      %scan3A_367 = arith.constant 1 : i32
      %scan3A_368 = scf.for %scan3A_465 = %scan3A_364 to %scan3A_366 step %scan3A_367 iter_args(%scan3A_466 = %scan3A_363) -> (i32)  : i32 {
        %mul3A_467 = arith.constant 16 : i32
        %mul3A_468 = arith.muli %scan3A_465, %mul3A_467 : i32
        %add3A_469 = vector.broadcast %mul3A_468 : i32 to vector<16xi32>
        %add3A_470 = arith.addi %add3A_469, %iota3A : vector<16xi32>
        %mul3A_471 = arith.constant 16 : i32
        %mul3A_472 = arith.muli %scan3A_465, %mul3A_471 : i32
        %broadcast_in_dim3A = arith.constant 48 : i32
        %broadcast_in_dim3A_473 = vector.broadcast %broadcast_in_dim3A : i32 to vector<16xi32>
        %gather3A = tpu.vector_load_idx %arg23[%add3A_470, %broadcast_in_dim3A_473] : memref<80x128xf32, #tpu.memory_space<vmem>>[vector<16xi32>, vector<16xi32>], vector<16xf32>,
        %get3A = arith.index_cast %mul3A_472 : i32 to index
        %get3A_474 = tpu.vector_load %arg24[%get3A] {strides = array<i32>} : memref<80xf32, #tpu.memory_space<vmem>>, vector<16xf32>,
        %add3A_475 = arith.addf %gather3A, %get3A_474 : vector<16xf32>
        %mul3A_476 = arith.constant 2.000000e-01 : f32
        %mul3A_477 = vector.broadcast %mul3A_476 : f32 to vector<16xf32>
        %mul3A_478 = arith.mulf %mul3A_477, %add3A_475 : vector<16xf32>
        %max3A = arith.maximumf %add3A_475, %mul3A_478 : vector<16xf32>
        %exp3A = math.exp %max3A : vector<16xf32>
        tpu.vector_store_idx %arg23[%add3A_470, %broadcast_in_dim3A_473], %exp3A : memref<80x128xf32, #tpu.memory_space<vmem>>[vector<16xi32>, vector<16xi32>], vector<16xf32>,
        %broadcast_in_dim3A_479 = arith.constant 49 : i32
        %broadcast_in_dim3A_480 = vector.broadcast %broadcast_in_dim3A_479 : i32 to vector<16xi32>
        %gather3A_481 = tpu.vector_load_idx %arg23[%add3A_470, %broadcast_in_dim3A_480] : memref<80x128xf32, #tpu.memory_space<vmem>>[vector<16xi32>, vector<16xi32>], vector<16xf32>,
        %get3A_482 = arith.index_cast %mul3A_472 : i32 to index
        %get3A_483 = tpu.vector_load %arg25[%get3A_482] {strides = array<i32>} : memref<80xf32, #tpu.memory_space<vmem>>, vector<16xf32>,
        %add3A_484 = arith.addf %gather3A_481, %get3A_483 : vector<16xf32>
        %mul3A_485 = arith.constant 2.000000e-01 : f32
        %mul3A_486 = vector.broadcast %mul3A_485 : f32 to vector<16xf32>
        %mul3A_487 = arith.mulf %mul3A_486, %add3A_484 : vector<16xf32>
        %max3A_488 = arith.maximumf %add3A_484, %mul3A_487 : vector<16xf32>
        %exp3A_489 = math.exp %max3A_488 : vector<16xf32>
        tpu.vector_store_idx %arg23[%add3A_470, %broadcast_in_dim3A_480], %exp3A_489 : memref<80x128xf32, #tpu.memory_space<vmem>>[vector<16xi32>, vector<16xi32>], vector<16xf32>,
        %broadcast_in_dim3A_490 = arith.constant 50 : i32
        %broadcast_in_dim3A_491 = vector.broadcast %broadcast_in_dim3A_490 : i32 to vector<16xi32>
        %gather3A_492 = tpu.vector_load_idx %arg23[%add3A_470, %broadcast_in_dim3A_491] : memref<80x128xf32, #tpu.memory_space<vmem>>[vector<16xi32>, vector<16xi32>], vector<16xf32>,
        %get3A_493 = arith.index_cast %mul3A_472 : i32 to index
        %get3A_494 = tpu.vector_load %arg26[%get3A_493] {strides = array<i32>} : memref<80xf32, #tpu.memory_space<vmem>>, vector<16xf32>,
        %add3A_495 = arith.addf %gather3A_492, %get3A_494 : vector<16xf32>
        %mul3A_496 = arith.constant 2.000000e-01 : f32
        %mul3A_497 = vector.broadcast %mul3A_496 : f32 to vector<16xf32>
        %mul3A_498 = arith.mulf %mul3A_497, %add3A_495 : vector<16xf32>
        %max3A_499 = arith.maximumf %add3A_495, %mul3A_498 : vector<16xf32>
        %exp3A_500 = math.exp %max3A_499 : vector<16xf32>
        tpu.vector_store_idx %arg23[%add3A_470, %broadcast_in_dim3A_491], %exp3A_500 : memref<80x128xf32, #tpu.memory_space<vmem>>[vector<16xi32>, vector<16xi32>], vector<16xf32>,
        %scan3A_501 = arith.constant 0 : i32
        scf.yield %scan3A_501 : i32
      }
      %scan3A_369 = arith.constant 5 : i32
      %scan3A_370 = arith.constant 0 : i32
      %scan3A_371 = arith.constant 0 : i32
      %scan3A_372 = arith.constant 80 : i32
      %scan3A_373 = arith.addi %scan3A_371, %scan3A_372 : i32
      %scan3A_374 = arith.constant 1 : i32
      %scan3A_375 = scf.for %scan3A_465 = %scan3A_371 to %scan3A_373 step %scan3A_374 iter_args(%scan3A_466 = %scan3A_370) -> (i32)  : i32 {
        %get3A = arith.index_cast %scan3A_465 : i32 to index
        %get3A_467 = arith.constant 48 : index
        %get3A_468 = tpu.vector_load %arg23[%get3A, %get3A_467] {strides = array<i32>} : memref<80x128xf32, #tpu.memory_space<vmem>>, vector<16xf32>,
        %broadcast_in_dim3A = arith.constant 0 : i32
        %broadcast_in_dim3A_469 = vector.broadcast %broadcast_in_dim3A : i32 to vector<16xi32>
        %broadcast_in_dim3A_470 = vector.shape_cast %broadcast_in_dim3A_469 : vector<16xi32> to vector<16x1xi32>
        %gather3A = vector.shape_cast %broadcast_in_dim3A_470 : vector<16x1xi32> to vector<16xi32>
        %gather3A_471 = tpu.dynamic_gather %get3A_468[%gather3A] in [0] : vector<16xf32>, vector<16xi32> -> vector<16xf32>
        %get3A_472 = arith.index_cast %scan3A_465 : i32 to index
        %get3A_473 = arith.constant 0 : index
        %get3A_474 = tpu.vector_load %arg23[%get3A_472, %get3A_473] {strides = array<i32>} : memref<80x128xf32, #tpu.memory_space<vmem>>, vector<16xf32>,
        %mul3A_475 = arith.mulf %get3A_474, %gather3A_471 : vector<16xf32>
        %swap3A = arith.index_cast %scan3A_465 : i32 to index
        %swap3A_476 = arith.constant 0 : index
        %swap3A_477 = tpu.vector_load %arg23[%swap3A, %swap3A_476] {strides = array<i32>} : memref<80x128xf32, #tpu.memory_space<vmem>>, vector<16xf32>,
        tpu.vector_store %arg23[%swap3A, %swap3A_476], %mul3A_475 {strides = array<i32>} : memref<80x128xf32, #tpu.memory_space<vmem>>, vector<16xf32>,
        %broadcast_in_dim3A_478 = arith.constant 1 : i32
        %broadcast_in_dim3A_479 = vector.broadcast %broadcast_in_dim3A_478 : i32 to vector<16xi32>
        %broadcast_in_dim3A_480 = vector.shape_cast %broadcast_in_dim3A_479 : vector<16xi32> to vector<16x1xi32>
        %gather3A_481 = vector.shape_cast %broadcast_in_dim3A_480 : vector<16x1xi32> to vector<16xi32>
        %gather3A_482 = tpu.dynamic_gather %get3A_468[%gather3A_481] in [0] : vector<16xf32>, vector<16xi32> -> vector<16xf32>
        %get3A_483 = arith.index_cast %scan3A_465 : i32 to index
        %get3A_484 = arith.constant 16 : index
        %get3A_485 = tpu.vector_load %arg23[%get3A_483, %get3A_484] {strides = array<i32>} : memref<80x128xf32, #tpu.memory_space<vmem>>, vector<16xf32>,
        %mul3A_486 = arith.mulf %get3A_485, %gather3A_482 : vector<16xf32>
        %swap3A_487 = arith.index_cast %scan3A_465 : i32 to index
        %swap3A_488 = arith.constant 16 : index
        %swap3A_489 = tpu.vector_load %arg23[%swap3A_487, %swap3A_488] {strides = array<i32>} : memref<80x128xf32, #tpu.memory_space<vmem>>, vector<16xf32>,
        tpu.vector_store %arg23[%swap3A_487, %swap3A_488], %mul3A_486 {strides = array<i32>} : memref<80x128xf32, #tpu.memory_space<vmem>>, vector<16xf32>,
        %broadcast_in_dim3A_490 = arith.constant 2 : i32
        %broadcast_in_dim3A_491 = vector.broadcast %broadcast_in_dim3A_490 : i32 to vector<16xi32>
        %broadcast_in_dim3A_492 = vector.shape_cast %broadcast_in_dim3A_491 : vector<16xi32> to vector<16x1xi32>
        %gather3A_493 = vector.shape_cast %broadcast_in_dim3A_492 : vector<16x1xi32> to vector<16xi32>
        %gather3A_494 = tpu.dynamic_gather %get3A_468[%gather3A_493] in [0] : vector<16xf32>, vector<16xi32> -> vector<16xf32>
        %get3A_495 = arith.index_cast %scan3A_465 : i32 to index
        %get3A_496 = arith.constant 32 : index
        %get3A_497 = tpu.vector_load %arg23[%get3A_495, %get3A_496] {strides = array<i32>} : memref<80x128xf32, #tpu.memory_space<vmem>>, vector<16xf32>,
        %mul3A_498 = arith.mulf %get3A_497, %gather3A_494 : vector<16xf32>
        %swap3A_499 = arith.index_cast %scan3A_465 : i32 to index
        %swap3A_500 = arith.constant 32 : index
        %swap3A_501 = tpu.vector_load %arg23[%swap3A_499, %swap3A_500] {strides = array<i32>} : memref<80x128xf32, #tpu.memory_space<vmem>>, vector<16xf32>,
        tpu.vector_store %arg23[%swap3A_499, %swap3A_500], %mul3A_498 {strides = array<i32>} : memref<80x128xf32, #tpu.memory_space<vmem>>, vector<16xf32>,
        %scan3A_502 = arith.constant 0 : i32
        scf.yield %scan3A_502 : i32
      }
      %scan3A_376 = arith.constant 80 : i32
      %dma_start3A_377 = arith.constant 0 : i32
      %dma_start3A_378 = arith.constant 0 : i32
      %dma_start3A_379 = tpu.memref_slice %arg30[%dma_start3A_377, %dma_start3A_378] : memref<10240x128xf32, #tpu.memory_space<vmem_shared>> -> memref<10240x128xf32, #tpu.memory_space<vmem_shared>>
      tpu.enqueue_indirect_dma source(%arg23 : memref<80x128xf32, #tpu.memory_space<vmem>>) target(%dma_start3A_379 : memref<10240x128xf32, #tpu.memory_space<vmem_shared>>) offsets(%arg22 : memref<80xi32, #tpu.memory_space<vmem>>) semaphore(%arg38 : memref<!tpu.dma_semaphore, #tpu.memory_space<semaphore_mem>>) {add = true}
      %dma_wait3A_380 = arith.constant 0 : i32
      %dma_wait3A_381 = arith.constant 0 : i32
      %dma_wait3A_382 = tpu.memref_slice %arg30[%dma_wait3A_380, %dma_wait3A_381] : memref<10240x128xf32, #tpu.memory_space<vmem_shared>> -> memref<10240x128xf32, #tpu.memory_space<vmem_shared>>
      tpu.wait_indirect_dma semaphore(%arg35 : memref<!tpu.dma_semaphore, #tpu.memory_space<semaphore_mem>>) src(%arg17 : memref<80x128xf32, #tpu.memory_space<vmem>>) dst(%dma_wait3A_382 : memref<10240x128xf32, #tpu.memory_space<vmem_shared>>)
      %mul3A_383 = arith.constant 3 : i32
      %mul3A_384 = arith.muli %mul3A_383, %scan3A_297 : i32
      %add3A_385 = arith.constant 4 : i32
      %add3A_386 = arith.addi %mul3A_384, %add3A_385 : i32
      %mul3A_387 = arith.constant 32 : i32
      %mul3A_388 = arith.muli %add3A_386, %mul3A_387 : i32
      %add3A_389 = arith.addi %mul3A_388, %add3A : i32
      %mul3A_390 = arith.constant 80 : i32
      %mul3A_391 = arith.muli %add3A_389, %mul3A_390 : i32
      %dma_start3A_392 = tpu.memref_slice %arg2[%mul3A_391] : memref<320000xi32, #tpu.memory_space<hbm>> -> memref<80xi32, #tpu.memory_space<hbm>>
      %dma_start3A_393 = tpu.memref_slice %arg2[%mul3A_391] : memref<320000xi32, #tpu.memory_space<hbm>> -> memref<80xi32, #tpu.memory_space<hbm>>
      tpu.enqueue_dma source(%dma_start3A_393 : memref<80xi32, #tpu.memory_space<hbm>>) target(%arg15 : memref<80xi32, #tpu.memory_space<vmem>>) target_semaphore(%arg36 : memref<!tpu.dma_semaphore, #tpu.memory_space<semaphore_mem>>)
      %dma_start3A_394 = tpu.memref_slice %arg3[%mul3A_391] : memref<320000xi32, #tpu.memory_space<hbm>> -> memref<80xi32, #tpu.memory_space<hbm>>
      %dma_start3A_395 = tpu.memref_slice %arg3[%mul3A_391] : memref<320000xi32, #tpu.memory_space<hbm>> -> memref<80xi32, #tpu.memory_space<hbm>>
      tpu.enqueue_dma source(%dma_start3A_395 : memref<80xi32, #tpu.memory_space<hbm>>) target(%arg16 : memref<80xi32, #tpu.memory_space<vmem>>) target_semaphore(%arg36 : memref<!tpu.dma_semaphore, #tpu.memory_space<semaphore_mem>>)
      %dma_wait3A_396 = tpu.memref_slice %arg2[%mul3A_391] : memref<320000xi32, #tpu.memory_space<hbm>> -> memref<80xi32, #tpu.memory_space<hbm>>
      %dma_wait3A_397 = tpu.memref_slice %arg2[%mul3A_391] : memref<320000xi32, #tpu.memory_space<hbm>> -> memref<80xi32, #tpu.memory_space<hbm>>
      tpu.wait_dma2 semaphore(%arg36 : memref<!tpu.dma_semaphore, #tpu.memory_space<semaphore_mem>>) src(%dma_wait3A_397 : memref<80xi32, #tpu.memory_space<hbm>>) dst(%arg15 : memref<80xi32, #tpu.memory_space<vmem>>)
      %dma_wait3A_398 = tpu.memref_slice %arg3[%mul3A_391] : memref<320000xi32, #tpu.memory_space<hbm>> -> memref<80xi32, #tpu.memory_space<hbm>>
      %dma_wait3A_399 = tpu.memref_slice %arg3[%mul3A_391] : memref<320000xi32, #tpu.memory_space<hbm>> -> memref<80xi32, #tpu.memory_space<hbm>>
      tpu.wait_dma2 semaphore(%arg36 : memref<!tpu.dma_semaphore, #tpu.memory_space<semaphore_mem>>) src(%dma_wait3A_399 : memref<80xi32, #tpu.memory_space<hbm>>) dst(%arg16 : memref<80xi32, #tpu.memory_space<vmem>>)
      %dma_start3A_400 = arith.constant 0 : i32
      %dma_start3A_401 = arith.constant 0 : i32
      %dma_start3A_402 = tpu.memref_slice %arg4[%dma_start3A_400, %dma_start3A_401] : memref<10240x128xf32, #tpu.memory_space<hbm>> -> memref<10240x128xf32, #tpu.memory_space<hbm>>
      tpu.enqueue_indirect_dma source(%dma_start3A_402 : memref<10240x128xf32, #tpu.memory_space<hbm>>) target(%arg17 : memref<80x128xf32, #tpu.memory_space<vmem>>) offsets(%arg15 : memref<80xi32, #tpu.memory_space<vmem>>) semaphore(%arg34 : memref<!tpu.dma_semaphore, #tpu.memory_space<semaphore_mem>>)
      %dma_start3A_403 = arith.constant 0 : i32
      %dma_start3A_404 = tpu.memref_slice %arg27[%dma_start3A_403] : memref<10240xf32, #tpu.memory_space<vmem_shared>> -> memref<10240xf32, #tpu.memory_space<vmem_shared>>
      tpu.enqueue_indirect_dma source(%dma_start3A_404 : memref<10240xf32, #tpu.memory_space<vmem_shared>>) target(%arg18 : memref<80xf32, #tpu.memory_space<vmem>>) offsets(%arg16 : memref<80xi32, #tpu.memory_space<vmem>>) semaphore(%arg36 : memref<!tpu.dma_semaphore, #tpu.memory_space<semaphore_mem>>)
      %dma_start3A_405 = arith.constant 0 : i32
      %dma_start3A_406 = tpu.memref_slice %arg28[%dma_start3A_405] : memref<10240xf32, #tpu.memory_space<vmem_shared>> -> memref<10240xf32, #tpu.memory_space<vmem_shared>>
      tpu.enqueue_indirect_dma source(%dma_start3A_406 : memref<10240xf32, #tpu.memory_space<vmem_shared>>) target(%arg19 : memref<80xf32, #tpu.memory_space<vmem>>) offsets(%arg16 : memref<80xi32, #tpu.memory_space<vmem>>) semaphore(%arg36 : memref<!tpu.dma_semaphore, #tpu.memory_space<semaphore_mem>>)
      %dma_start3A_407 = arith.constant 0 : i32
      %dma_start3A_408 = tpu.memref_slice %arg29[%dma_start3A_407] : memref<10240xf32, #tpu.memory_space<vmem_shared>> -> memref<10240xf32, #tpu.memory_space<vmem_shared>>
      tpu.enqueue_indirect_dma source(%dma_start3A_408 : memref<10240xf32, #tpu.memory_space<vmem_shared>>) target(%arg20 : memref<80xf32, #tpu.memory_space<vmem>>) offsets(%arg16 : memref<80xi32, #tpu.memory_space<vmem>>) semaphore(%arg36 : memref<!tpu.dma_semaphore, #tpu.memory_space<semaphore_mem>>)
      %dma_wait3A_409 = arith.constant 0 : i32
      %dma_wait3A_410 = arith.constant 0 : i32
      %dma_wait3A_411 = tpu.memref_slice %arg4[%dma_wait3A_409, %dma_wait3A_410] : memref<10240x128xf32, #tpu.memory_space<hbm>> -> memref<10240x128xf32, #tpu.memory_space<hbm>>
      tpu.wait_indirect_dma semaphore(%arg31 : memref<!tpu.dma_semaphore, #tpu.memory_space<semaphore_mem>>) src(%dma_wait3A_411 : memref<10240x128xf32, #tpu.memory_space<hbm>>) dst(%arg11 : memref<80x128xf32, #tpu.memory_space<vmem>>)
      %dma_wait3A_412 = arith.constant 0 : i32
      %dma_wait3A_413 = tpu.memref_slice %arg27[%dma_wait3A_412] : memref<10240xf32, #tpu.memory_space<vmem_shared>> -> memref<10240xf32, #tpu.memory_space<vmem_shared>>
      tpu.wait_indirect_dma semaphore(%arg33 : memref<!tpu.dma_semaphore, #tpu.memory_space<semaphore_mem>>) src(%dma_wait3A_413 : memref<10240xf32, #tpu.memory_space<vmem_shared>>) dst(%arg12 : memref<80xf32, #tpu.memory_space<vmem>>)
      %dma_wait3A_414 = arith.constant 0 : i32
      %dma_wait3A_415 = tpu.memref_slice %arg28[%dma_wait3A_414] : memref<10240xf32, #tpu.memory_space<vmem_shared>> -> memref<10240xf32, #tpu.memory_space<vmem_shared>>
      tpu.wait_indirect_dma semaphore(%arg33 : memref<!tpu.dma_semaphore, #tpu.memory_space<semaphore_mem>>) src(%dma_wait3A_415 : memref<10240xf32, #tpu.memory_space<vmem_shared>>) dst(%arg13 : memref<80xf32, #tpu.memory_space<vmem>>)
      %dma_wait3A_416 = arith.constant 0 : i32
      %dma_wait3A_417 = tpu.memref_slice %arg29[%dma_wait3A_416] : memref<10240xf32, #tpu.memory_space<vmem_shared>> -> memref<10240xf32, #tpu.memory_space<vmem_shared>>
      tpu.wait_indirect_dma semaphore(%arg33 : memref<!tpu.dma_semaphore, #tpu.memory_space<semaphore_mem>>) src(%dma_wait3A_417 : memref<10240xf32, #tpu.memory_space<vmem_shared>>) dst(%arg14 : memref<80xf32, #tpu.memory_space<vmem>>)
      %scan3A_418 = arith.constant 0 : i32
      %scan3A_419 = arith.constant 0 : i32
      %scan3A_420 = arith.constant 5 : i32
      %scan3A_421 = arith.addi %scan3A_419, %scan3A_420 : i32
      %scan3A_422 = arith.constant 1 : i32
      %scan3A_423 = scf.for %scan3A_465 = %scan3A_419 to %scan3A_421 step %scan3A_422 iter_args(%scan3A_466 = %scan3A_418) -> (i32)  : i32 {
        %mul3A_467 = arith.constant 16 : i32
        %mul3A_468 = arith.muli %scan3A_465, %mul3A_467 : i32
        %add3A_469 = vector.broadcast %mul3A_468 : i32 to vector<16xi32>
        %add3A_470 = arith.addi %add3A_469, %iota3A : vector<16xi32>
        %mul3A_471 = arith.constant 16 : i32
        %mul3A_472 = arith.muli %scan3A_465, %mul3A_471 : i32
        %broadcast_in_dim3A = arith.constant 48 : i32
        %broadcast_in_dim3A_473 = vector.broadcast %broadcast_in_dim3A : i32 to vector<16xi32>
        %gather3A = tpu.vector_load_idx %arg11[%add3A_470, %broadcast_in_dim3A_473] : memref<80x128xf32, #tpu.memory_space<vmem>>[vector<16xi32>, vector<16xi32>], vector<16xf32>,
        %get3A = arith.index_cast %mul3A_472 : i32 to index
        %get3A_474 = tpu.vector_load %arg12[%get3A] {strides = array<i32>} : memref<80xf32, #tpu.memory_space<vmem>>, vector<16xf32>,
        %add3A_475 = arith.addf %gather3A, %get3A_474 : vector<16xf32>
        %mul3A_476 = arith.constant 2.000000e-01 : f32
        %mul3A_477 = vector.broadcast %mul3A_476 : f32 to vector<16xf32>
        %mul3A_478 = arith.mulf %mul3A_477, %add3A_475 : vector<16xf32>
        %max3A = arith.maximumf %add3A_475, %mul3A_478 : vector<16xf32>
        %exp3A = math.exp %max3A : vector<16xf32>
        tpu.vector_store_idx %arg11[%add3A_470, %broadcast_in_dim3A_473], %exp3A : memref<80x128xf32, #tpu.memory_space<vmem>>[vector<16xi32>, vector<16xi32>], vector<16xf32>,
        %broadcast_in_dim3A_479 = arith.constant 49 : i32
        %broadcast_in_dim3A_480 = vector.broadcast %broadcast_in_dim3A_479 : i32 to vector<16xi32>
        %gather3A_481 = tpu.vector_load_idx %arg11[%add3A_470, %broadcast_in_dim3A_480] : memref<80x128xf32, #tpu.memory_space<vmem>>[vector<16xi32>, vector<16xi32>], vector<16xf32>,
        %get3A_482 = arith.index_cast %mul3A_472 : i32 to index
        %get3A_483 = tpu.vector_load %arg13[%get3A_482] {strides = array<i32>} : memref<80xf32, #tpu.memory_space<vmem>>, vector<16xf32>,
        %add3A_484 = arith.addf %gather3A_481, %get3A_483 : vector<16xf32>
        %mul3A_485 = arith.constant 2.000000e-01 : f32
        %mul3A_486 = vector.broadcast %mul3A_485 : f32 to vector<16xf32>
        %mul3A_487 = arith.mulf %mul3A_486, %add3A_484 : vector<16xf32>
        %max3A_488 = arith.maximumf %add3A_484, %mul3A_487 : vector<16xf32>
        %exp3A_489 = math.exp %max3A_488 : vector<16xf32>
        tpu.vector_store_idx %arg11[%add3A_470, %broadcast_in_dim3A_480], %exp3A_489 : memref<80x128xf32, #tpu.memory_space<vmem>>[vector<16xi32>, vector<16xi32>], vector<16xf32>,
        %broadcast_in_dim3A_490 = arith.constant 50 : i32
        %broadcast_in_dim3A_491 = vector.broadcast %broadcast_in_dim3A_490 : i32 to vector<16xi32>
        %gather3A_492 = tpu.vector_load_idx %arg11[%add3A_470, %broadcast_in_dim3A_491] : memref<80x128xf32, #tpu.memory_space<vmem>>[vector<16xi32>, vector<16xi32>], vector<16xf32>,
        %get3A_493 = arith.index_cast %mul3A_472 : i32 to index
        %get3A_494 = tpu.vector_load %arg14[%get3A_493] {strides = array<i32>} : memref<80xf32, #tpu.memory_space<vmem>>, vector<16xf32>,
        %add3A_495 = arith.addf %gather3A_492, %get3A_494 : vector<16xf32>
        %mul3A_496 = arith.constant 2.000000e-01 : f32
        %mul3A_497 = vector.broadcast %mul3A_496 : f32 to vector<16xf32>
        %mul3A_498 = arith.mulf %mul3A_497, %add3A_495 : vector<16xf32>
        %max3A_499 = arith.maximumf %add3A_495, %mul3A_498 : vector<16xf32>
        %exp3A_500 = math.exp %max3A_499 : vector<16xf32>
        tpu.vector_store_idx %arg11[%add3A_470, %broadcast_in_dim3A_491], %exp3A_500 : memref<80x128xf32, #tpu.memory_space<vmem>>[vector<16xi32>, vector<16xi32>], vector<16xf32>,
        %scan3A_501 = arith.constant 0 : i32
        scf.yield %scan3A_501 : i32
      }
      %scan3A_424 = arith.constant 5 : i32
      %scan3A_425 = arith.constant 0 : i32
      %scan3A_426 = arith.constant 0 : i32
      %scan3A_427 = arith.constant 80 : i32
      %scan3A_428 = arith.addi %scan3A_426, %scan3A_427 : i32
      %scan3A_429 = arith.constant 1 : i32
      %scan3A_430 = scf.for %scan3A_465 = %scan3A_426 to %scan3A_428 step %scan3A_429 iter_args(%scan3A_466 = %scan3A_425) -> (i32)  : i32 {
        %get3A = arith.index_cast %scan3A_465 : i32 to index
        %get3A_467 = arith.constant 48 : index
        %get3A_468 = tpu.vector_load %arg11[%get3A, %get3A_467] {strides = array<i32>} : memref<80x128xf32, #tpu.memory_space<vmem>>, vector<16xf32>,
        %broadcast_in_dim3A = arith.constant 0 : i32
        %broadcast_in_dim3A_469 = vector.broadcast %broadcast_in_dim3A : i32 to vector<16xi32>
        %broadcast_in_dim3A_470 = vector.shape_cast %broadcast_in_dim3A_469 : vector<16xi32> to vector<16x1xi32>
        %gather3A = vector.shape_cast %broadcast_in_dim3A_470 : vector<16x1xi32> to vector<16xi32>
        %gather3A_471 = tpu.dynamic_gather %get3A_468[%gather3A] in [0] : vector<16xf32>, vector<16xi32> -> vector<16xf32>
        %get3A_472 = arith.index_cast %scan3A_465 : i32 to index
        %get3A_473 = arith.constant 0 : index
        %get3A_474 = tpu.vector_load %arg11[%get3A_472, %get3A_473] {strides = array<i32>} : memref<80x128xf32, #tpu.memory_space<vmem>>, vector<16xf32>,
        %mul3A_475 = arith.mulf %get3A_474, %gather3A_471 : vector<16xf32>
        %swap3A = arith.index_cast %scan3A_465 : i32 to index
        %swap3A_476 = arith.constant 0 : index
        %swap3A_477 = tpu.vector_load %arg11[%swap3A, %swap3A_476] {strides = array<i32>} : memref<80x128xf32, #tpu.memory_space<vmem>>, vector<16xf32>,
        tpu.vector_store %arg11[%swap3A, %swap3A_476], %mul3A_475 {strides = array<i32>} : memref<80x128xf32, #tpu.memory_space<vmem>>, vector<16xf32>,
        %broadcast_in_dim3A_478 = arith.constant 1 : i32
        %broadcast_in_dim3A_479 = vector.broadcast %broadcast_in_dim3A_478 : i32 to vector<16xi32>
        %broadcast_in_dim3A_480 = vector.shape_cast %broadcast_in_dim3A_479 : vector<16xi32> to vector<16x1xi32>
        %gather3A_481 = vector.shape_cast %broadcast_in_dim3A_480 : vector<16x1xi32> to vector<16xi32>
        %gather3A_482 = tpu.dynamic_gather %get3A_468[%gather3A_481] in [0] : vector<16xf32>, vector<16xi32> -> vector<16xf32>
        %get3A_483 = arith.index_cast %scan3A_465 : i32 to index
        %get3A_484 = arith.constant 16 : index
        %get3A_485 = tpu.vector_load %arg11[%get3A_483, %get3A_484] {strides = array<i32>} : memref<80x128xf32, #tpu.memory_space<vmem>>, vector<16xf32>,
        %mul3A_486 = arith.mulf %get3A_485, %gather3A_482 : vector<16xf32>
        %swap3A_487 = arith.index_cast %scan3A_465 : i32 to index
        %swap3A_488 = arith.constant 16 : index
        %swap3A_489 = tpu.vector_load %arg11[%swap3A_487, %swap3A_488] {strides = array<i32>} : memref<80x128xf32, #tpu.memory_space<vmem>>, vector<16xf32>,
        tpu.vector_store %arg11[%swap3A_487, %swap3A_488], %mul3A_486 {strides = array<i32>} : memref<80x128xf32, #tpu.memory_space<vmem>>, vector<16xf32>,
        %broadcast_in_dim3A_490 = arith.constant 2 : i32
        %broadcast_in_dim3A_491 = vector.broadcast %broadcast_in_dim3A_490 : i32 to vector<16xi32>
        %broadcast_in_dim3A_492 = vector.shape_cast %broadcast_in_dim3A_491 : vector<16xi32> to vector<16x1xi32>
        %gather3A_493 = vector.shape_cast %broadcast_in_dim3A_492 : vector<16x1xi32> to vector<16xi32>
        %gather3A_494 = tpu.dynamic_gather %get3A_468[%gather3A_493] in [0] : vector<16xf32>, vector<16xi32> -> vector<16xf32>
        %get3A_495 = arith.index_cast %scan3A_465 : i32 to index
        %get3A_496 = arith.constant 32 : index
        %get3A_497 = tpu.vector_load %arg11[%get3A_495, %get3A_496] {strides = array<i32>} : memref<80x128xf32, #tpu.memory_space<vmem>>, vector<16xf32>,
        %mul3A_498 = arith.mulf %get3A_497, %gather3A_494 : vector<16xf32>
        %swap3A_499 = arith.index_cast %scan3A_465 : i32 to index
        %swap3A_500 = arith.constant 32 : index
        %swap3A_501 = tpu.vector_load %arg11[%swap3A_499, %swap3A_500] {strides = array<i32>} : memref<80x128xf32, #tpu.memory_space<vmem>>, vector<16xf32>,
        tpu.vector_store %arg11[%swap3A_499, %swap3A_500], %mul3A_498 {strides = array<i32>} : memref<80x128xf32, #tpu.memory_space<vmem>>, vector<16xf32>,
        %scan3A_502 = arith.constant 0 : i32
        scf.yield %scan3A_502 : i32
      }
      %scan3A_431 = arith.constant 80 : i32
      %dma_start3A_432 = arith.constant 0 : i32
      %dma_start3A_433 = arith.constant 0 : i32
      %dma_start3A_434 = tpu.memref_slice %arg30[%dma_start3A_432, %dma_start3A_433] : memref<10240x128xf32, #tpu.memory_space<vmem_shared>> -> memref<10240x128xf32, #tpu.memory_space<vmem_shared>>
      tpu.enqueue_indirect_dma source(%arg11 : memref<80x128xf32, #tpu.memory_space<vmem>>) target(%dma_start3A_434 : memref<10240x128xf32, #tpu.memory_space<vmem_shared>>) offsets(%arg10 : memref<80xi32, #tpu.memory_space<vmem>>) semaphore(%arg32 : memref<!tpu.dma_semaphore, #tpu.memory_space<semaphore_mem>>) {add = true}
      %dma_wait3A_435 = arith.constant 0 : i32
      %dma_wait3A_436 = arith.constant 0 : i32
      %dma_wait3A_437 = tpu.memref_slice %arg30[%dma_wait3A_435, %dma_wait3A_436] : memref<10240x128xf32, #tpu.memory_space<vmem_shared>> -> memref<10240x128xf32, #tpu.memory_space<vmem_shared>>
      tpu.wait_indirect_dma semaphore(%arg38 : memref<!tpu.dma_semaphore, #tpu.memory_space<semaphore_mem>>) src(%arg23 : memref<80x128xf32, #tpu.memory_space<vmem>>) dst(%dma_wait3A_437 : memref<10240x128xf32, #tpu.memory_space<vmem_shared>>)
      %mul3A_438 = arith.constant 3 : i32
      %mul3A_439 = arith.muli %mul3A_438, %scan3A_297 : i32
      %add3A_440 = arith.constant 5 : i32
      %add3A_441 = arith.addi %mul3A_439, %add3A_440 : i32
      %mul3A_442 = arith.constant 32 : i32
      %mul3A_443 = arith.muli %add3A_441, %mul3A_442 : i32
      %add3A_444 = arith.addi %mul3A_443, %add3A : i32
      %mul3A_445 = arith.constant 80 : i32
      %mul3A_446 = arith.muli %add3A_444, %mul3A_445 : i32
      %dma_start3A_447 = tpu.memref_slice %arg2[%mul3A_446] : memref<320000xi32, #tpu.memory_space<hbm>> -> memref<80xi32, #tpu.memory_space<hbm>>
      %dma_start3A_448 = tpu.memref_slice %arg2[%mul3A_446] : memref<320000xi32, #tpu.memory_space<hbm>> -> memref<80xi32, #tpu.memory_space<hbm>>
      tpu.enqueue_dma source(%dma_start3A_448 : memref<80xi32, #tpu.memory_space<hbm>>) target(%arg21 : memref<80xi32, #tpu.memory_space<vmem>>) target_semaphore(%arg39 : memref<!tpu.dma_semaphore, #tpu.memory_space<semaphore_mem>>)
      %dma_start3A_449 = tpu.memref_slice %arg3[%mul3A_446] : memref<320000xi32, #tpu.memory_space<hbm>> -> memref<80xi32, #tpu.memory_space<hbm>>
      %dma_start3A_450 = tpu.memref_slice %arg3[%mul3A_446] : memref<320000xi32, #tpu.memory_space<hbm>> -> memref<80xi32, #tpu.memory_space<hbm>>
      tpu.enqueue_dma source(%dma_start3A_450 : memref<80xi32, #tpu.memory_space<hbm>>) target(%arg22 : memref<80xi32, #tpu.memory_space<vmem>>) target_semaphore(%arg39 : memref<!tpu.dma_semaphore, #tpu.memory_space<semaphore_mem>>)
      %dma_wait3A_451 = tpu.memref_slice %arg2[%mul3A_446] : memref<320000xi32, #tpu.memory_space<hbm>> -> memref<80xi32, #tpu.memory_space<hbm>>
      %dma_wait3A_452 = tpu.memref_slice %arg2[%mul3A_446] : memref<320000xi32, #tpu.memory_space<hbm>> -> memref<80xi32, #tpu.memory_space<hbm>>
      tpu.wait_dma2 semaphore(%arg39 : memref<!tpu.dma_semaphore, #tpu.memory_space<semaphore_mem>>) src(%dma_wait3A_452 : memref<80xi32, #tpu.memory_space<hbm>>) dst(%arg21 : memref<80xi32, #tpu.memory_space<vmem>>)
      %dma_wait3A_453 = tpu.memref_slice %arg3[%mul3A_446] : memref<320000xi32, #tpu.memory_space<hbm>> -> memref<80xi32, #tpu.memory_space<hbm>>
      %dma_wait3A_454 = tpu.memref_slice %arg3[%mul3A_446] : memref<320000xi32, #tpu.memory_space<hbm>> -> memref<80xi32, #tpu.memory_space<hbm>>
      tpu.wait_dma2 semaphore(%arg39 : memref<!tpu.dma_semaphore, #tpu.memory_space<semaphore_mem>>) src(%dma_wait3A_454 : memref<80xi32, #tpu.memory_space<hbm>>) dst(%arg22 : memref<80xi32, #tpu.memory_space<vmem>>)
      %dma_start3A_455 = arith.constant 0 : i32
      %dma_start3A_456 = arith.constant 0 : i32
      %dma_start3A_457 = tpu.memref_slice %arg4[%dma_start3A_455, %dma_start3A_456] : memref<10240x128xf32, #tpu.memory_space<hbm>> -> memref<10240x128xf32, #tpu.memory_space<hbm>>
      tpu.enqueue_indirect_dma source(%dma_start3A_457 : memref<10240x128xf32, #tpu.memory_space<hbm>>) target(%arg23 : memref<80x128xf32, #tpu.memory_space<vmem>>) offsets(%arg21 : memref<80xi32, #tpu.memory_space<vmem>>) semaphore(%arg37 : memref<!tpu.dma_semaphore, #tpu.memory_space<semaphore_mem>>)
      %dma_start3A_458 = arith.constant 0 : i32
      %dma_start3A_459 = tpu.memref_slice %arg27[%dma_start3A_458] : memref<10240xf32, #tpu.memory_space<vmem_shared>> -> memref<10240xf32, #tpu.memory_space<vmem_shared>>
      tpu.enqueue_indirect_dma source(%dma_start3A_459 : memref<10240xf32, #tpu.memory_space<vmem_shared>>) target(%arg24 : memref<80xf32, #tpu.memory_space<vmem>>) offsets(%arg22 : memref<80xi32, #tpu.memory_space<vmem>>) semaphore(%arg39 : memref<!tpu.dma_semaphore, #tpu.memory_space<semaphore_mem>>)
      %dma_start3A_460 = arith.constant 0 : i32
      %dma_start3A_461 = tpu.memref_slice %arg28[%dma_start3A_460] : memref<10240xf32, #tpu.memory_space<vmem_shared>> -> memref<10240xf32, #tpu.memory_space<vmem_shared>>
      tpu.enqueue_indirect_dma source(%dma_start3A_461 : memref<10240xf32, #tpu.memory_space<vmem_shared>>) target(%arg25 : memref<80xf32, #tpu.memory_space<vmem>>) offsets(%arg22 : memref<80xi32, #tpu.memory_space<vmem>>) semaphore(%arg39 : memref<!tpu.dma_semaphore, #tpu.memory_space<semaphore_mem>>)
      %dma_start3A_462 = arith.constant 0 : i32
      %dma_start3A_463 = tpu.memref_slice %arg29[%dma_start3A_462] : memref<10240xf32, #tpu.memory_space<vmem_shared>> -> memref<10240xf32, #tpu.memory_space<vmem_shared>>
      tpu.enqueue_indirect_dma source(%dma_start3A_463 : memref<10240xf32, #tpu.memory_space<vmem_shared>>) target(%arg26 : memref<80xf32, #tpu.memory_space<vmem>>) offsets(%arg22 : memref<80xi32, #tpu.memory_space<vmem>>) semaphore(%arg39 : memref<!tpu.dma_semaphore, #tpu.memory_space<semaphore_mem>>)
      %scan3A_464 = arith.constant 0 : i32
      scf.yield %scan3A_464 : i32
    }
    %scan3A_134 = arith.constant 40 : i32
    %dma_wait3A_135 = arith.constant 0 : i32
    %dma_wait3A_136 = arith.constant 0 : i32
    %dma_wait3A_137 = tpu.memref_slice %arg4[%dma_wait3A_135, %dma_wait3A_136] : memref<10240x128xf32, #tpu.memory_space<hbm>> -> memref<10240x128xf32, #tpu.memory_space<hbm>>
    tpu.wait_indirect_dma semaphore(%arg34 : memref<!tpu.dma_semaphore, #tpu.memory_space<semaphore_mem>>) src(%dma_wait3A_137 : memref<10240x128xf32, #tpu.memory_space<hbm>>) dst(%arg17 : memref<80x128xf32, #tpu.memory_space<vmem>>)
    %dma_wait3A_138 = arith.constant 0 : i32
    %dma_wait3A_139 = tpu.memref_slice %arg27[%dma_wait3A_138] : memref<10240xf32, #tpu.memory_space<vmem_shared>> -> memref<10240xf32, #tpu.memory_space<vmem_shared>>
    tpu.wait_indirect_dma semaphore(%arg36 : memref<!tpu.dma_semaphore, #tpu.memory_space<semaphore_mem>>) src(%dma_wait3A_139 : memref<10240xf32, #tpu.memory_space<vmem_shared>>) dst(%arg18 : memref<80xf32, #tpu.memory_space<vmem>>)
    %dma_wait3A_140 = arith.constant 0 : i32
    %dma_wait3A_141 = tpu.memref_slice %arg28[%dma_wait3A_140] : memref<10240xf32, #tpu.memory_space<vmem_shared>> -> memref<10240xf32, #tpu.memory_space<vmem_shared>>
    tpu.wait_indirect_dma semaphore(%arg36 : memref<!tpu.dma_semaphore, #tpu.memory_space<semaphore_mem>>) src(%dma_wait3A_141 : memref<10240xf32, #tpu.memory_space<vmem_shared>>) dst(%arg19 : memref<80xf32, #tpu.memory_space<vmem>>)
    %dma_wait3A_142 = arith.constant 0 : i32
    %dma_wait3A_143 = tpu.memref_slice %arg29[%dma_wait3A_142] : memref<10240xf32, #tpu.memory_space<vmem_shared>> -> memref<10240xf32, #tpu.memory_space<vmem_shared>>
    tpu.wait_indirect_dma semaphore(%arg36 : memref<!tpu.dma_semaphore, #tpu.memory_space<semaphore_mem>>) src(%dma_wait3A_143 : memref<10240xf32, #tpu.memory_space<vmem_shared>>) dst(%arg20 : memref<80xf32, #tpu.memory_space<vmem>>)
    %scan3A_144 = arith.constant 0 : i32
    %scan3A_145 = arith.constant 0 : i32
    %scan3A_146 = arith.constant 5 : i32
    %scan3A_147 = arith.addi %scan3A_145, %scan3A_146 : i32
    %scan3A_148 = arith.constant 1 : i32
    %scan3A_149 = scf.for %scan3A_297 = %scan3A_145 to %scan3A_147 step %scan3A_148 iter_args(%scan3A_298 = %scan3A_144) -> (i32)  : i32 {
      %mul3A_299 = arith.constant 16 : i32
      %mul3A_300 = arith.muli %scan3A_297, %mul3A_299 : i32
      %add3A_301 = vector.broadcast %mul3A_300 : i32 to vector<16xi32>
      %add3A_302 = arith.addi %add3A_301, %iota3A : vector<16xi32>
      %mul3A_303 = arith.constant 16 : i32
      %mul3A_304 = arith.muli %scan3A_297, %mul3A_303 : i32
      %broadcast_in_dim3A = arith.constant 48 : i32
      %broadcast_in_dim3A_305 = vector.broadcast %broadcast_in_dim3A : i32 to vector<16xi32>
      %gather3A = tpu.vector_load_idx %arg17[%add3A_302, %broadcast_in_dim3A_305] : memref<80x128xf32, #tpu.memory_space<vmem>>[vector<16xi32>, vector<16xi32>], vector<16xf32>,
      %get3A = arith.index_cast %mul3A_304 : i32 to index
      %get3A_306 = tpu.vector_load %arg18[%get3A] {strides = array<i32>} : memref<80xf32, #tpu.memory_space<vmem>>, vector<16xf32>,
      %add3A_307 = arith.addf %gather3A, %get3A_306 : vector<16xf32>
      %mul3A_308 = arith.constant 2.000000e-01 : f32
      %mul3A_309 = vector.broadcast %mul3A_308 : f32 to vector<16xf32>
      %mul3A_310 = arith.mulf %mul3A_309, %add3A_307 : vector<16xf32>
      %max3A = arith.maximumf %add3A_307, %mul3A_310 : vector<16xf32>
      %exp3A = math.exp %max3A : vector<16xf32>
      tpu.vector_store_idx %arg17[%add3A_302, %broadcast_in_dim3A_305], %exp3A : memref<80x128xf32, #tpu.memory_space<vmem>>[vector<16xi32>, vector<16xi32>], vector<16xf32>,
      %broadcast_in_dim3A_311 = arith.constant 49 : i32
      %broadcast_in_dim3A_312 = vector.broadcast %broadcast_in_dim3A_311 : i32 to vector<16xi32>
      %gather3A_313 = tpu.vector_load_idx %arg17[%add3A_302, %broadcast_in_dim3A_312] : memref<80x128xf32, #tpu.memory_space<vmem>>[vector<16xi32>, vector<16xi32>], vector<16xf32>,
      %get3A_314 = arith.index_cast %mul3A_304 : i32 to index
      %get3A_315 = tpu.vector_load %arg19[%get3A_314] {strides = array<i32>} : memref<80xf32, #tpu.memory_space<vmem>>, vector<16xf32>,
      %add3A_316 = arith.addf %gather3A_313, %get3A_315 : vector<16xf32>
      %mul3A_317 = arith.constant 2.000000e-01 : f32
      %mul3A_318 = vector.broadcast %mul3A_317 : f32 to vector<16xf32>
      %mul3A_319 = arith.mulf %mul3A_318, %add3A_316 : vector<16xf32>
      %max3A_320 = arith.maximumf %add3A_316, %mul3A_319 : vector<16xf32>
      %exp3A_321 = math.exp %max3A_320 : vector<16xf32>
      tpu.vector_store_idx %arg17[%add3A_302, %broadcast_in_dim3A_312], %exp3A_321 : memref<80x128xf32, #tpu.memory_space<vmem>>[vector<16xi32>, vector<16xi32>], vector<16xf32>,
      %broadcast_in_dim3A_322 = arith.constant 50 : i32
      %broadcast_in_dim3A_323 = vector.broadcast %broadcast_in_dim3A_322 : i32 to vector<16xi32>
      %gather3A_324 = tpu.vector_load_idx %arg17[%add3A_302, %broadcast_in_dim3A_323] : memref<80x128xf32, #tpu.memory_space<vmem>>[vector<16xi32>, vector<16xi32>], vector<16xf32>,
      %get3A_325 = arith.index_cast %mul3A_304 : i32 to index
      %get3A_326 = tpu.vector_load %arg20[%get3A_325] {strides = array<i32>} : memref<80xf32, #tpu.memory_space<vmem>>, vector<16xf32>,
      %add3A_327 = arith.addf %gather3A_324, %get3A_326 : vector<16xf32>
      %mul3A_328 = arith.constant 2.000000e-01 : f32
      %mul3A_329 = vector.broadcast %mul3A_328 : f32 to vector<16xf32>
      %mul3A_330 = arith.mulf %mul3A_329, %add3A_327 : vector<16xf32>
      %max3A_331 = arith.maximumf %add3A_327, %mul3A_330 : vector<16xf32>
      %exp3A_332 = math.exp %max3A_331 : vector<16xf32>
      tpu.vector_store_idx %arg17[%add3A_302, %broadcast_in_dim3A_323], %exp3A_332 : memref<80x128xf32, #tpu.memory_space<vmem>>[vector<16xi32>, vector<16xi32>], vector<16xf32>,
      %scan3A_333 = arith.constant 0 : i32
      scf.yield %scan3A_333 : i32
    }
    %scan3A_150 = arith.constant 5 : i32
    %scan3A_151 = arith.constant 0 : i32
    %scan3A_152 = arith.constant 0 : i32
    %scan3A_153 = arith.constant 80 : i32
    %scan3A_154 = arith.addi %scan3A_152, %scan3A_153 : i32
    %scan3A_155 = arith.constant 1 : i32
    %scan3A_156 = scf.for %scan3A_297 = %scan3A_152 to %scan3A_154 step %scan3A_155 iter_args(%scan3A_298 = %scan3A_151) -> (i32)  : i32 {
      %get3A = arith.index_cast %scan3A_297 : i32 to index
      %get3A_299 = arith.constant 48 : index
      %get3A_300 = tpu.vector_load %arg17[%get3A, %get3A_299] {strides = array<i32>} : memref<80x128xf32, #tpu.memory_space<vmem>>, vector<16xf32>,
      %broadcast_in_dim3A = arith.constant 0 : i32
      %broadcast_in_dim3A_301 = vector.broadcast %broadcast_in_dim3A : i32 to vector<16xi32>
      %broadcast_in_dim3A_302 = vector.shape_cast %broadcast_in_dim3A_301 : vector<16xi32> to vector<16x1xi32>
      %gather3A = vector.shape_cast %broadcast_in_dim3A_302 : vector<16x1xi32> to vector<16xi32>
      %gather3A_303 = tpu.dynamic_gather %get3A_300[%gather3A] in [0] : vector<16xf32>, vector<16xi32> -> vector<16xf32>
      %get3A_304 = arith.index_cast %scan3A_297 : i32 to index
      %get3A_305 = arith.constant 0 : index
      %get3A_306 = tpu.vector_load %arg17[%get3A_304, %get3A_305] {strides = array<i32>} : memref<80x128xf32, #tpu.memory_space<vmem>>, vector<16xf32>,
      %mul3A_307 = arith.mulf %get3A_306, %gather3A_303 : vector<16xf32>
      %swap3A = arith.index_cast %scan3A_297 : i32 to index
      %swap3A_308 = arith.constant 0 : index
      %swap3A_309 = tpu.vector_load %arg17[%swap3A, %swap3A_308] {strides = array<i32>} : memref<80x128xf32, #tpu.memory_space<vmem>>, vector<16xf32>,
      tpu.vector_store %arg17[%swap3A, %swap3A_308], %mul3A_307 {strides = array<i32>} : memref<80x128xf32, #tpu.memory_space<vmem>>, vector<16xf32>,
      %broadcast_in_dim3A_310 = arith.constant 1 : i32
      %broadcast_in_dim3A_311 = vector.broadcast %broadcast_in_dim3A_310 : i32 to vector<16xi32>
      %broadcast_in_dim3A_312 = vector.shape_cast %broadcast_in_dim3A_311 : vector<16xi32> to vector<16x1xi32>
      %gather3A_313 = vector.shape_cast %broadcast_in_dim3A_312 : vector<16x1xi32> to vector<16xi32>
      %gather3A_314 = tpu.dynamic_gather %get3A_300[%gather3A_313] in [0] : vector<16xf32>, vector<16xi32> -> vector<16xf32>
      %get3A_315 = arith.index_cast %scan3A_297 : i32 to index
      %get3A_316 = arith.constant 16 : index
      %get3A_317 = tpu.vector_load %arg17[%get3A_315, %get3A_316] {strides = array<i32>} : memref<80x128xf32, #tpu.memory_space<vmem>>, vector<16xf32>,
      %mul3A_318 = arith.mulf %get3A_317, %gather3A_314 : vector<16xf32>
      %swap3A_319 = arith.index_cast %scan3A_297 : i32 to index
      %swap3A_320 = arith.constant 16 : index
      %swap3A_321 = tpu.vector_load %arg17[%swap3A_319, %swap3A_320] {strides = array<i32>} : memref<80x128xf32, #tpu.memory_space<vmem>>, vector<16xf32>,
      tpu.vector_store %arg17[%swap3A_319, %swap3A_320], %mul3A_318 {strides = array<i32>} : memref<80x128xf32, #tpu.memory_space<vmem>>, vector<16xf32>,
      %broadcast_in_dim3A_322 = arith.constant 2 : i32
      %broadcast_in_dim3A_323 = vector.broadcast %broadcast_in_dim3A_322 : i32 to vector<16xi32>
      %broadcast_in_dim3A_324 = vector.shape_cast %broadcast_in_dim3A_323 : vector<16xi32> to vector<16x1xi32>
      %gather3A_325 = vector.shape_cast %broadcast_in_dim3A_324 : vector<16x1xi32> to vector<16xi32>
      %gather3A_326 = tpu.dynamic_gather %get3A_300[%gather3A_325] in [0] : vector<16xf32>, vector<16xi32> -> vector<16xf32>
      %get3A_327 = arith.index_cast %scan3A_297 : i32 to index
      %get3A_328 = arith.constant 32 : index
      %get3A_329 = tpu.vector_load %arg17[%get3A_327, %get3A_328] {strides = array<i32>} : memref<80x128xf32, #tpu.memory_space<vmem>>, vector<16xf32>,
      %mul3A_330 = arith.mulf %get3A_329, %gather3A_326 : vector<16xf32>
      %swap3A_331 = arith.index_cast %scan3A_297 : i32 to index
      %swap3A_332 = arith.constant 32 : index
      %swap3A_333 = tpu.vector_load %arg17[%swap3A_331, %swap3A_332] {strides = array<i32>} : memref<80x128xf32, #tpu.memory_space<vmem>>, vector<16xf32>,
      tpu.vector_store %arg17[%swap3A_331, %swap3A_332], %mul3A_330 {strides = array<i32>} : memref<80x128xf32, #tpu.memory_space<vmem>>, vector<16xf32>,
      %scan3A_334 = arith.constant 0 : i32
      scf.yield %scan3A_334 : i32
    }
    %scan3A_157 = arith.constant 80 : i32
    %dma_start3A_158 = arith.constant 0 : i32
    %dma_start3A_159 = arith.constant 0 : i32
    %dma_start3A_160 = tpu.memref_slice %arg30[%dma_start3A_158, %dma_start3A_159] : memref<10240x128xf32, #tpu.memory_space<vmem_shared>> -> memref<10240x128xf32, #tpu.memory_space<vmem_shared>>
    tpu.enqueue_indirect_dma source(%arg17 : memref<80x128xf32, #tpu.memory_space<vmem>>) target(%dma_start3A_160 : memref<10240x128xf32, #tpu.memory_space<vmem_shared>>) offsets(%arg16 : memref<80xi32, #tpu.memory_space<vmem>>) semaphore(%arg35 : memref<!tpu.dma_semaphore, #tpu.memory_space<semaphore_mem>>) {add = true}
    %dma_wait3A_161 = arith.constant 0 : i32
    %dma_wait3A_162 = arith.constant 0 : i32
    %dma_wait3A_163 = tpu.memref_slice %arg30[%dma_wait3A_161, %dma_wait3A_162] : memref<10240x128xf32, #tpu.memory_space<vmem_shared>> -> memref<10240x128xf32, #tpu.memory_space<vmem_shared>>
    tpu.wait_indirect_dma semaphore(%arg32 : memref<!tpu.dma_semaphore, #tpu.memory_space<semaphore_mem>>) src(%arg11 : memref<80x128xf32, #tpu.memory_space<vmem>>) dst(%dma_wait3A_163 : memref<10240x128xf32, #tpu.memory_space<vmem_shared>>)
    %add3A_164 = arith.constant 3936 : i32
    %add3A_165 = arith.addi %add3A_164, %add3A : i32
    %mul3A_166 = arith.constant 80 : i32
    %mul3A_167 = arith.muli %add3A_165, %mul3A_166 : i32
    %dma_start3A_168 = tpu.memref_slice %arg2[%mul3A_167] : memref<320000xi32, #tpu.memory_space<hbm>> -> memref<80xi32, #tpu.memory_space<hbm>>
    %dma_start3A_169 = tpu.memref_slice %arg2[%mul3A_167] : memref<320000xi32, #tpu.memory_space<hbm>> -> memref<80xi32, #tpu.memory_space<hbm>>
    tpu.enqueue_dma source(%dma_start3A_169 : memref<80xi32, #tpu.memory_space<hbm>>) target(%arg9 : memref<80xi32, #tpu.memory_space<vmem>>) target_semaphore(%arg33 : memref<!tpu.dma_semaphore, #tpu.memory_space<semaphore_mem>>)
    %dma_start3A_170 = tpu.memref_slice %arg3[%mul3A_167] : memref<320000xi32, #tpu.memory_space<hbm>> -> memref<80xi32, #tpu.memory_space<hbm>>
    %dma_start3A_171 = tpu.memref_slice %arg3[%mul3A_167] : memref<320000xi32, #tpu.memory_space<hbm>> -> memref<80xi32, #tpu.memory_space<hbm>>
    tpu.enqueue_dma source(%dma_start3A_171 : memref<80xi32, #tpu.memory_space<hbm>>) target(%arg10 : memref<80xi32, #tpu.memory_space<vmem>>) target_semaphore(%arg33 : memref<!tpu.dma_semaphore, #tpu.memory_space<semaphore_mem>>)
    %dma_wait3A_172 = tpu.memref_slice %arg2[%mul3A_167] : memref<320000xi32, #tpu.memory_space<hbm>> -> memref<80xi32, #tpu.memory_space<hbm>>
    %dma_wait3A_173 = tpu.memref_slice %arg2[%mul3A_167] : memref<320000xi32, #tpu.memory_space<hbm>> -> memref<80xi32, #tpu.memory_space<hbm>>
    tpu.wait_dma2 semaphore(%arg33 : memref<!tpu.dma_semaphore, #tpu.memory_space<semaphore_mem>>) src(%dma_wait3A_173 : memref<80xi32, #tpu.memory_space<hbm>>) dst(%arg9 : memref<80xi32, #tpu.memory_space<vmem>>)
    %dma_wait3A_174 = tpu.memref_slice %arg3[%mul3A_167] : memref<320000xi32, #tpu.memory_space<hbm>> -> memref<80xi32, #tpu.memory_space<hbm>>
    %dma_wait3A_175 = tpu.memref_slice %arg3[%mul3A_167] : memref<320000xi32, #tpu.memory_space<hbm>> -> memref<80xi32, #tpu.memory_space<hbm>>
    tpu.wait_dma2 semaphore(%arg33 : memref<!tpu.dma_semaphore, #tpu.memory_space<semaphore_mem>>) src(%dma_wait3A_175 : memref<80xi32, #tpu.memory_space<hbm>>) dst(%arg10 : memref<80xi32, #tpu.memory_space<vmem>>)
    %dma_start3A_176 = arith.constant 0 : i32
    %dma_start3A_177 = arith.constant 0 : i32
    %dma_start3A_178 = tpu.memref_slice %arg4[%dma_start3A_176, %dma_start3A_177] : memref<10240x128xf32, #tpu.memory_space<hbm>> -> memref<10240x128xf32, #tpu.memory_space<hbm>>
    tpu.enqueue_indirect_dma source(%dma_start3A_178 : memref<10240x128xf32, #tpu.memory_space<hbm>>) target(%arg11 : memref<80x128xf32, #tpu.memory_space<vmem>>) offsets(%arg9 : memref<80xi32, #tpu.memory_space<vmem>>) semaphore(%arg31 : memref<!tpu.dma_semaphore, #tpu.memory_space<semaphore_mem>>)
    %dma_start3A_179 = arith.constant 0 : i32
    %dma_start3A_180 = tpu.memref_slice %arg27[%dma_start3A_179] : memref<10240xf32, #tpu.memory_space<vmem_shared>> -> memref<10240xf32, #tpu.memory_space<vmem_shared>>
    tpu.enqueue_indirect_dma source(%dma_start3A_180 : memref<10240xf32, #tpu.memory_space<vmem_shared>>) target(%arg12 : memref<80xf32, #tpu.memory_space<vmem>>) offsets(%arg10 : memref<80xi32, #tpu.memory_space<vmem>>) semaphore(%arg33 : memref<!tpu.dma_semaphore, #tpu.memory_space<semaphore_mem>>)
    %dma_start3A_181 = arith.constant 0 : i32
    %dma_start3A_182 = tpu.memref_slice %arg28[%dma_start3A_181] : memref<10240xf32, #tpu.memory_space<vmem_shared>> -> memref<10240xf32, #tpu.memory_space<vmem_shared>>
    tpu.enqueue_indirect_dma source(%dma_start3A_182 : memref<10240xf32, #tpu.memory_space<vmem_shared>>) target(%arg13 : memref<80xf32, #tpu.memory_space<vmem>>) offsets(%arg10 : memref<80xi32, #tpu.memory_space<vmem>>) semaphore(%arg33 : memref<!tpu.dma_semaphore, #tpu.memory_space<semaphore_mem>>)
    %dma_start3A_183 = arith.constant 0 : i32
    %dma_start3A_184 = tpu.memref_slice %arg29[%dma_start3A_183] : memref<10240xf32, #tpu.memory_space<vmem_shared>> -> memref<10240xf32, #tpu.memory_space<vmem_shared>>
    tpu.enqueue_indirect_dma source(%dma_start3A_184 : memref<10240xf32, #tpu.memory_space<vmem_shared>>) target(%arg14 : memref<80xf32, #tpu.memory_space<vmem>>) offsets(%arg10 : memref<80xi32, #tpu.memory_space<vmem>>) semaphore(%arg33 : memref<!tpu.dma_semaphore, #tpu.memory_space<semaphore_mem>>)
    %dma_wait3A_185 = arith.constant 0 : i32
    %dma_wait3A_186 = arith.constant 0 : i32
    %dma_wait3A_187 = tpu.memref_slice %arg4[%dma_wait3A_185, %dma_wait3A_186] : memref<10240x128xf32, #tpu.memory_space<hbm>> -> memref<10240x128xf32, #tpu.memory_space<hbm>>
    tpu.wait_indirect_dma semaphore(%arg37 : memref<!tpu.dma_semaphore, #tpu.memory_space<semaphore_mem>>) src(%dma_wait3A_187 : memref<10240x128xf32, #tpu.memory_space<hbm>>) dst(%arg23 : memref<80x128xf32, #tpu.memory_space<vmem>>)
    %dma_wait3A_188 = arith.constant 0 : i32
    %dma_wait3A_189 = tpu.memref_slice %arg27[%dma_wait3A_188] : memref<10240xf32, #tpu.memory_space<vmem_shared>> -> memref<10240xf32, #tpu.memory_space<vmem_shared>>
    tpu.wait_indirect_dma semaphore(%arg39 : memref<!tpu.dma_semaphore, #tpu.memory_space<semaphore_mem>>) src(%dma_wait3A_189 : memref<10240xf32, #tpu.memory_space<vmem_shared>>) dst(%arg24 : memref<80xf32, #tpu.memory_space<vmem>>)
    %dma_wait3A_190 = arith.constant 0 : i32
    %dma_wait3A_191 = tpu.memref_slice %arg28[%dma_wait3A_190] : memref<10240xf32, #tpu.memory_space<vmem_shared>> -> memref<10240xf32, #tpu.memory_space<vmem_shared>>
    tpu.wait_indirect_dma semaphore(%arg39 : memref<!tpu.dma_semaphore, #tpu.memory_space<semaphore_mem>>) src(%dma_wait3A_191 : memref<10240xf32, #tpu.memory_space<vmem_shared>>) dst(%arg25 : memref<80xf32, #tpu.memory_space<vmem>>)
    %dma_wait3A_192 = arith.constant 0 : i32
    %dma_wait3A_193 = tpu.memref_slice %arg29[%dma_wait3A_192] : memref<10240xf32, #tpu.memory_space<vmem_shared>> -> memref<10240xf32, #tpu.memory_space<vmem_shared>>
    tpu.wait_indirect_dma semaphore(%arg39 : memref<!tpu.dma_semaphore, #tpu.memory_space<semaphore_mem>>) src(%dma_wait3A_193 : memref<10240xf32, #tpu.memory_space<vmem_shared>>) dst(%arg26 : memref<80xf32, #tpu.memory_space<vmem>>)
    %scan3A_194 = arith.constant 0 : i32
    %scan3A_195 = arith.constant 0 : i32
    %scan3A_196 = arith.constant 5 : i32
    %scan3A_197 = arith.addi %scan3A_195, %scan3A_196 : i32
    %scan3A_198 = arith.constant 1 : i32
    %scan3A_199 = scf.for %scan3A_297 = %scan3A_195 to %scan3A_197 step %scan3A_198 iter_args(%scan3A_298 = %scan3A_194) -> (i32)  : i32 {
      %mul3A_299 = arith.constant 16 : i32
      %mul3A_300 = arith.muli %scan3A_297, %mul3A_299 : i32
      %add3A_301 = vector.broadcast %mul3A_300 : i32 to vector<16xi32>
      %add3A_302 = arith.addi %add3A_301, %iota3A : vector<16xi32>
      %mul3A_303 = arith.constant 16 : i32
      %mul3A_304 = arith.muli %scan3A_297, %mul3A_303 : i32
      %broadcast_in_dim3A = arith.constant 48 : i32
      %broadcast_in_dim3A_305 = vector.broadcast %broadcast_in_dim3A : i32 to vector<16xi32>
      %gather3A = tpu.vector_load_idx %arg23[%add3A_302, %broadcast_in_dim3A_305] : memref<80x128xf32, #tpu.memory_space<vmem>>[vector<16xi32>, vector<16xi32>], vector<16xf32>,
      %get3A = arith.index_cast %mul3A_304 : i32 to index
      %get3A_306 = tpu.vector_load %arg24[%get3A] {strides = array<i32>} : memref<80xf32, #tpu.memory_space<vmem>>, vector<16xf32>,
      %add3A_307 = arith.addf %gather3A, %get3A_306 : vector<16xf32>
      %mul3A_308 = arith.constant 2.000000e-01 : f32
      %mul3A_309 = vector.broadcast %mul3A_308 : f32 to vector<16xf32>
      %mul3A_310 = arith.mulf %mul3A_309, %add3A_307 : vector<16xf32>
      %max3A = arith.maximumf %add3A_307, %mul3A_310 : vector<16xf32>
      %exp3A = math.exp %max3A : vector<16xf32>
      tpu.vector_store_idx %arg23[%add3A_302, %broadcast_in_dim3A_305], %exp3A : memref<80x128xf32, #tpu.memory_space<vmem>>[vector<16xi32>, vector<16xi32>], vector<16xf32>,
      %broadcast_in_dim3A_311 = arith.constant 49 : i32
      %broadcast_in_dim3A_312 = vector.broadcast %broadcast_in_dim3A_311 : i32 to vector<16xi32>
      %gather3A_313 = tpu.vector_load_idx %arg23[%add3A_302, %broadcast_in_dim3A_312] : memref<80x128xf32, #tpu.memory_space<vmem>>[vector<16xi32>, vector<16xi32>], vector<16xf32>,
      %get3A_314 = arith.index_cast %mul3A_304 : i32 to index
      %get3A_315 = tpu.vector_load %arg25[%get3A_314] {strides = array<i32>} : memref<80xf32, #tpu.memory_space<vmem>>, vector<16xf32>,
      %add3A_316 = arith.addf %gather3A_313, %get3A_315 : vector<16xf32>
      %mul3A_317 = arith.constant 2.000000e-01 : f32
      %mul3A_318 = vector.broadcast %mul3A_317 : f32 to vector<16xf32>
      %mul3A_319 = arith.mulf %mul3A_318, %add3A_316 : vector<16xf32>
      %max3A_320 = arith.maximumf %add3A_316, %mul3A_319 : vector<16xf32>
      %exp3A_321 = math.exp %max3A_320 : vector<16xf32>
      tpu.vector_store_idx %arg23[%add3A_302, %broadcast_in_dim3A_312], %exp3A_321 : memref<80x128xf32, #tpu.memory_space<vmem>>[vector<16xi32>, vector<16xi32>], vector<16xf32>,
      %broadcast_in_dim3A_322 = arith.constant 50 : i32
      %broadcast_in_dim3A_323 = vector.broadcast %broadcast_in_dim3A_322 : i32 to vector<16xi32>
      %gather3A_324 = tpu.vector_load_idx %arg23[%add3A_302, %broadcast_in_dim3A_323] : memref<80x128xf32, #tpu.memory_space<vmem>>[vector<16xi32>, vector<16xi32>], vector<16xf32>,
      %get3A_325 = arith.index_cast %mul3A_304 : i32 to index
      %get3A_326 = tpu.vector_load %arg26[%get3A_325] {strides = array<i32>} : memref<80xf32, #tpu.memory_space<vmem>>, vector<16xf32>,
      %add3A_327 = arith.addf %gather3A_324, %get3A_326 : vector<16xf32>
      %mul3A_328 = arith.constant 2.000000e-01 : f32
      %mul3A_329 = vector.broadcast %mul3A_328 : f32 to vector<16xf32>
      %mul3A_330 = arith.mulf %mul3A_329, %add3A_327 : vector<16xf32>
      %max3A_331 = arith.maximumf %add3A_327, %mul3A_330 : vector<16xf32>
      %exp3A_332 = math.exp %max3A_331 : vector<16xf32>
      tpu.vector_store_idx %arg23[%add3A_302, %broadcast_in_dim3A_323], %exp3A_332 : memref<80x128xf32, #tpu.memory_space<vmem>>[vector<16xi32>, vector<16xi32>], vector<16xf32>,
      %scan3A_333 = arith.constant 0 : i32
      scf.yield %scan3A_333 : i32
    }
    %scan3A_200 = arith.constant 5 : i32
    %scan3A_201 = arith.constant 0 : i32
    %scan3A_202 = arith.constant 0 : i32
    %scan3A_203 = arith.constant 80 : i32
    %scan3A_204 = arith.addi %scan3A_202, %scan3A_203 : i32
    %scan3A_205 = arith.constant 1 : i32
    %scan3A_206 = scf.for %scan3A_297 = %scan3A_202 to %scan3A_204 step %scan3A_205 iter_args(%scan3A_298 = %scan3A_201) -> (i32)  : i32 {
      %get3A = arith.index_cast %scan3A_297 : i32 to index
      %get3A_299 = arith.constant 48 : index
      %get3A_300 = tpu.vector_load %arg23[%get3A, %get3A_299] {strides = array<i32>} : memref<80x128xf32, #tpu.memory_space<vmem>>, vector<16xf32>,
      %broadcast_in_dim3A = arith.constant 0 : i32
      %broadcast_in_dim3A_301 = vector.broadcast %broadcast_in_dim3A : i32 to vector<16xi32>
      %broadcast_in_dim3A_302 = vector.shape_cast %broadcast_in_dim3A_301 : vector<16xi32> to vector<16x1xi32>
      %gather3A = vector.shape_cast %broadcast_in_dim3A_302 : vector<16x1xi32> to vector<16xi32>
      %gather3A_303 = tpu.dynamic_gather %get3A_300[%gather3A] in [0] : vector<16xf32>, vector<16xi32> -> vector<16xf32>
      %get3A_304 = arith.index_cast %scan3A_297 : i32 to index
      %get3A_305 = arith.constant 0 : index
      %get3A_306 = tpu.vector_load %arg23[%get3A_304, %get3A_305] {strides = array<i32>} : memref<80x128xf32, #tpu.memory_space<vmem>>, vector<16xf32>,
      %mul3A_307 = arith.mulf %get3A_306, %gather3A_303 : vector<16xf32>
      %swap3A = arith.index_cast %scan3A_297 : i32 to index
      %swap3A_308 = arith.constant 0 : index
      %swap3A_309 = tpu.vector_load %arg23[%swap3A, %swap3A_308] {strides = array<i32>} : memref<80x128xf32, #tpu.memory_space<vmem>>, vector<16xf32>,
      tpu.vector_store %arg23[%swap3A, %swap3A_308], %mul3A_307 {strides = array<i32>} : memref<80x128xf32, #tpu.memory_space<vmem>>, vector<16xf32>,
      %broadcast_in_dim3A_310 = arith.constant 1 : i32
      %broadcast_in_dim3A_311 = vector.broadcast %broadcast_in_dim3A_310 : i32 to vector<16xi32>
      %broadcast_in_dim3A_312 = vector.shape_cast %broadcast_in_dim3A_311 : vector<16xi32> to vector<16x1xi32>
      %gather3A_313 = vector.shape_cast %broadcast_in_dim3A_312 : vector<16x1xi32> to vector<16xi32>
      %gather3A_314 = tpu.dynamic_gather %get3A_300[%gather3A_313] in [0] : vector<16xf32>, vector<16xi32> -> vector<16xf32>
      %get3A_315 = arith.index_cast %scan3A_297 : i32 to index
      %get3A_316 = arith.constant 16 : index
      %get3A_317 = tpu.vector_load %arg23[%get3A_315, %get3A_316] {strides = array<i32>} : memref<80x128xf32, #tpu.memory_space<vmem>>, vector<16xf32>,
      %mul3A_318 = arith.mulf %get3A_317, %gather3A_314 : vector<16xf32>
      %swap3A_319 = arith.index_cast %scan3A_297 : i32 to index
      %swap3A_320 = arith.constant 16 : index
      %swap3A_321 = tpu.vector_load %arg23[%swap3A_319, %swap3A_320] {strides = array<i32>} : memref<80x128xf32, #tpu.memory_space<vmem>>, vector<16xf32>,
      tpu.vector_store %arg23[%swap3A_319, %swap3A_320], %mul3A_318 {strides = array<i32>} : memref<80x128xf32, #tpu.memory_space<vmem>>, vector<16xf32>,
      %broadcast_in_dim3A_322 = arith.constant 2 : i32
      %broadcast_in_dim3A_323 = vector.broadcast %broadcast_in_dim3A_322 : i32 to vector<16xi32>
      %broadcast_in_dim3A_324 = vector.shape_cast %broadcast_in_dim3A_323 : vector<16xi32> to vector<16x1xi32>
      %gather3A_325 = vector.shape_cast %broadcast_in_dim3A_324 : vector<16x1xi32> to vector<16xi32>
      %gather3A_326 = tpu.dynamic_gather %get3A_300[%gather3A_325] in [0] : vector<16xf32>, vector<16xi32> -> vector<16xf32>
      %get3A_327 = arith.index_cast %scan3A_297 : i32 to index
      %get3A_328 = arith.constant 32 : index
      %get3A_329 = tpu.vector_load %arg23[%get3A_327, %get3A_328] {strides = array<i32>} : memref<80x128xf32, #tpu.memory_space<vmem>>, vector<16xf32>,
      %mul3A_330 = arith.mulf %get3A_329, %gather3A_326 : vector<16xf32>
      %swap3A_331 = arith.index_cast %scan3A_297 : i32 to index
      %swap3A_332 = arith.constant 32 : index
      %swap3A_333 = tpu.vector_load %arg23[%swap3A_331, %swap3A_332] {strides = array<i32>} : memref<80x128xf32, #tpu.memory_space<vmem>>, vector<16xf32>,
      tpu.vector_store %arg23[%swap3A_331, %swap3A_332], %mul3A_330 {strides = array<i32>} : memref<80x128xf32, #tpu.memory_space<vmem>>, vector<16xf32>,
      %scan3A_334 = arith.constant 0 : i32
      scf.yield %scan3A_334 : i32
    }
    %scan3A_207 = arith.constant 80 : i32
    %dma_start3A_208 = arith.constant 0 : i32
    %dma_start3A_209 = arith.constant 0 : i32
    %dma_start3A_210 = tpu.memref_slice %arg30[%dma_start3A_208, %dma_start3A_209] : memref<10240x128xf32, #tpu.memory_space<vmem_shared>> -> memref<10240x128xf32, #tpu.memory_space<vmem_shared>>
    tpu.enqueue_indirect_dma source(%arg23 : memref<80x128xf32, #tpu.memory_space<vmem>>) target(%dma_start3A_210 : memref<10240x128xf32, #tpu.memory_space<vmem_shared>>) offsets(%arg22 : memref<80xi32, #tpu.memory_space<vmem>>) semaphore(%arg38 : memref<!tpu.dma_semaphore, #tpu.memory_space<semaphore_mem>>) {add = true}
    %dma_wait3A_211 = arith.constant 0 : i32
    %dma_wait3A_212 = arith.constant 0 : i32
    %dma_wait3A_213 = tpu.memref_slice %arg30[%dma_wait3A_211, %dma_wait3A_212] : memref<10240x128xf32, #tpu.memory_space<vmem_shared>> -> memref<10240x128xf32, #tpu.memory_space<vmem_shared>>
    tpu.wait_indirect_dma semaphore(%arg35 : memref<!tpu.dma_semaphore, #tpu.memory_space<semaphore_mem>>) src(%arg17 : memref<80x128xf32, #tpu.memory_space<vmem>>) dst(%dma_wait3A_213 : memref<10240x128xf32, #tpu.memory_space<vmem_shared>>)
    %add3A_214 = arith.constant 3968 : i32
    %add3A_215 = arith.addi %add3A_214, %add3A : i32
    %mul3A_216 = arith.constant 80 : i32
    %mul3A_217 = arith.muli %add3A_215, %mul3A_216 : i32
    %dma_start3A_218 = tpu.memref_slice %arg2[%mul3A_217] : memref<320000xi32, #tpu.memory_space<hbm>> -> memref<80xi32, #tpu.memory_space<hbm>>
    %dma_start3A_219 = tpu.memref_slice %arg2[%mul3A_217] : memref<320000xi32, #tpu.memory_space<hbm>> -> memref<80xi32, #tpu.memory_space<hbm>>
    tpu.enqueue_dma source(%dma_start3A_219 : memref<80xi32, #tpu.memory_space<hbm>>) target(%arg15 : memref<80xi32, #tpu.memory_space<vmem>>) target_semaphore(%arg36 : memref<!tpu.dma_semaphore, #tpu.memory_space<semaphore_mem>>)
    %dma_start3A_220 = tpu.memref_slice %arg3[%mul3A_217] : memref<320000xi32, #tpu.memory_space<hbm>> -> memref<80xi32, #tpu.memory_space<hbm>>
    %dma_start3A_221 = tpu.memref_slice %arg3[%mul3A_217] : memref<320000xi32, #tpu.memory_space<hbm>> -> memref<80xi32, #tpu.memory_space<hbm>>
    tpu.enqueue_dma source(%dma_start3A_221 : memref<80xi32, #tpu.memory_space<hbm>>) target(%arg16 : memref<80xi32, #tpu.memory_space<vmem>>) target_semaphore(%arg36 : memref<!tpu.dma_semaphore, #tpu.memory_space<semaphore_mem>>)
    %dma_wait3A_222 = tpu.memref_slice %arg2[%mul3A_217] : memref<320000xi32, #tpu.memory_space<hbm>> -> memref<80xi32, #tpu.memory_space<hbm>>
    %dma_wait3A_223 = tpu.memref_slice %arg2[%mul3A_217] : memref<320000xi32, #tpu.memory_space<hbm>> -> memref<80xi32, #tpu.memory_space<hbm>>
    tpu.wait_dma2 semaphore(%arg36 : memref<!tpu.dma_semaphore, #tpu.memory_space<semaphore_mem>>) src(%dma_wait3A_223 : memref<80xi32, #tpu.memory_space<hbm>>) dst(%arg15 : memref<80xi32, #tpu.memory_space<vmem>>)
    %dma_wait3A_224 = tpu.memref_slice %arg3[%mul3A_217] : memref<320000xi32, #tpu.memory_space<hbm>> -> memref<80xi32, #tpu.memory_space<hbm>>
    %dma_wait3A_225 = tpu.memref_slice %arg3[%mul3A_217] : memref<320000xi32, #tpu.memory_space<hbm>> -> memref<80xi32, #tpu.memory_space<hbm>>
    tpu.wait_dma2 semaphore(%arg36 : memref<!tpu.dma_semaphore, #tpu.memory_space<semaphore_mem>>) src(%dma_wait3A_225 : memref<80xi32, #tpu.memory_space<hbm>>) dst(%arg16 : memref<80xi32, #tpu.memory_space<vmem>>)
    %dma_start3A_226 = arith.constant 0 : i32
    %dma_start3A_227 = arith.constant 0 : i32
    %dma_start3A_228 = tpu.memref_slice %arg4[%dma_start3A_226, %dma_start3A_227] : memref<10240x128xf32, #tpu.memory_space<hbm>> -> memref<10240x128xf32, #tpu.memory_space<hbm>>
    tpu.enqueue_indirect_dma source(%dma_start3A_228 : memref<10240x128xf32, #tpu.memory_space<hbm>>) target(%arg17 : memref<80x128xf32, #tpu.memory_space<vmem>>) offsets(%arg15 : memref<80xi32, #tpu.memory_space<vmem>>) semaphore(%arg34 : memref<!tpu.dma_semaphore, #tpu.memory_space<semaphore_mem>>)
    %dma_start3A_229 = arith.constant 0 : i32
    %dma_start3A_230 = tpu.memref_slice %arg27[%dma_start3A_229] : memref<10240xf32, #tpu.memory_space<vmem_shared>> -> memref<10240xf32, #tpu.memory_space<vmem_shared>>
    tpu.enqueue_indirect_dma source(%dma_start3A_230 : memref<10240xf32, #tpu.memory_space<vmem_shared>>) target(%arg18 : memref<80xf32, #tpu.memory_space<vmem>>) offsets(%arg16 : memref<80xi32, #tpu.memory_space<vmem>>) semaphore(%arg36 : memref<!tpu.dma_semaphore, #tpu.memory_space<semaphore_mem>>)
    %dma_start3A_231 = arith.constant 0 : i32
    %dma_start3A_232 = tpu.memref_slice %arg28[%dma_start3A_231] : memref<10240xf32, #tpu.memory_space<vmem_shared>> -> memref<10240xf32, #tpu.memory_space<vmem_shared>>
    tpu.enqueue_indirect_dma source(%dma_start3A_232 : memref<10240xf32, #tpu.memory_space<vmem_shared>>) target(%arg19 : memref<80xf32, #tpu.memory_space<vmem>>) offsets(%arg16 : memref<80xi32, #tpu.memory_space<vmem>>) semaphore(%arg36 : memref<!tpu.dma_semaphore, #tpu.memory_space<semaphore_mem>>)
    %dma_start3A_233 = arith.constant 0 : i32
    %dma_start3A_234 = tpu.memref_slice %arg29[%dma_start3A_233] : memref<10240xf32, #tpu.memory_space<vmem_shared>> -> memref<10240xf32, #tpu.memory_space<vmem_shared>>
    tpu.enqueue_indirect_dma source(%dma_start3A_234 : memref<10240xf32, #tpu.memory_space<vmem_shared>>) target(%arg20 : memref<80xf32, #tpu.memory_space<vmem>>) offsets(%arg16 : memref<80xi32, #tpu.memory_space<vmem>>) semaphore(%arg36 : memref<!tpu.dma_semaphore, #tpu.memory_space<semaphore_mem>>)
    %dma_wait3A_235 = arith.constant 0 : i32
    %dma_wait3A_236 = arith.constant 0 : i32
    %dma_wait3A_237 = tpu.memref_slice %arg4[%dma_wait3A_235, %dma_wait3A_236] : memref<10240x128xf32, #tpu.memory_space<hbm>> -> memref<10240x128xf32, #tpu.memory_space<hbm>>
    tpu.wait_indirect_dma semaphore(%arg31 : memref<!tpu.dma_semaphore, #tpu.memory_space<semaphore_mem>>) src(%dma_wait3A_237 : memref<10240x128xf32, #tpu.memory_space<hbm>>) dst(%arg11 : memref<80x128xf32, #tpu.memory_space<vmem>>)
    %dma_wait3A_238 = arith.constant 0 : i32
    %dma_wait3A_239 = tpu.memref_slice %arg27[%dma_wait3A_238] : memref<10240xf32, #tpu.memory_space<vmem_shared>> -> memref<10240xf32, #tpu.memory_space<vmem_shared>>
    tpu.wait_indirect_dma semaphore(%arg33 : memref<!tpu.dma_semaphore, #tpu.memory_space<semaphore_mem>>) src(%dma_wait3A_239 : memref<10240xf32, #tpu.memory_space<vmem_shared>>) dst(%arg12 : memref<80xf32, #tpu.memory_space<vmem>>)
    %dma_wait3A_240 = arith.constant 0 : i32
    %dma_wait3A_241 = tpu.memref_slice %arg28[%dma_wait3A_240] : memref<10240xf32, #tpu.memory_space<vmem_shared>> -> memref<10240xf32, #tpu.memory_space<vmem_shared>>
    tpu.wait_indirect_dma semaphore(%arg33 : memref<!tpu.dma_semaphore, #tpu.memory_space<semaphore_mem>>) src(%dma_wait3A_241 : memref<10240xf32, #tpu.memory_space<vmem_shared>>) dst(%arg13 : memref<80xf32, #tpu.memory_space<vmem>>)
    %dma_wait3A_242 = arith.constant 0 : i32
    %dma_wait3A_243 = tpu.memref_slice %arg29[%dma_wait3A_242] : memref<10240xf32, #tpu.memory_space<vmem_shared>> -> memref<10240xf32, #tpu.memory_space<vmem_shared>>
    tpu.wait_indirect_dma semaphore(%arg33 : memref<!tpu.dma_semaphore, #tpu.memory_space<semaphore_mem>>) src(%dma_wait3A_243 : memref<10240xf32, #tpu.memory_space<vmem_shared>>) dst(%arg14 : memref<80xf32, #tpu.memory_space<vmem>>)
    %scan3A_244 = arith.constant 0 : i32
    %scan3A_245 = arith.constant 0 : i32
    %scan3A_246 = arith.constant 5 : i32
    %scan3A_247 = arith.addi %scan3A_245, %scan3A_246 : i32
    %scan3A_248 = arith.constant 1 : i32
    %scan3A_249 = scf.for %scan3A_297 = %scan3A_245 to %scan3A_247 step %scan3A_248 iter_args(%scan3A_298 = %scan3A_244) -> (i32)  : i32 {
      %mul3A_299 = arith.constant 16 : i32
      %mul3A_300 = arith.muli %scan3A_297, %mul3A_299 : i32
      %add3A_301 = vector.broadcast %mul3A_300 : i32 to vector<16xi32>
      %add3A_302 = arith.addi %add3A_301, %iota3A : vector<16xi32>
      %mul3A_303 = arith.constant 16 : i32
      %mul3A_304 = arith.muli %scan3A_297, %mul3A_303 : i32
      %broadcast_in_dim3A = arith.constant 48 : i32
      %broadcast_in_dim3A_305 = vector.broadcast %broadcast_in_dim3A : i32 to vector<16xi32>
      %gather3A = tpu.vector_load_idx %arg11[%add3A_302, %broadcast_in_dim3A_305] : memref<80x128xf32, #tpu.memory_space<vmem>>[vector<16xi32>, vector<16xi32>], vector<16xf32>,
      %get3A = arith.index_cast %mul3A_304 : i32 to index
      %get3A_306 = tpu.vector_load %arg12[%get3A] {strides = array<i32>} : memref<80xf32, #tpu.memory_space<vmem>>, vector<16xf32>,
      %add3A_307 = arith.addf %gather3A, %get3A_306 : vector<16xf32>
      %mul3A_308 = arith.constant 2.000000e-01 : f32
      %mul3A_309 = vector.broadcast %mul3A_308 : f32 to vector<16xf32>
      %mul3A_310 = arith.mulf %mul3A_309, %add3A_307 : vector<16xf32>
      %max3A = arith.maximumf %add3A_307, %mul3A_310 : vector<16xf32>
      %exp3A = math.exp %max3A : vector<16xf32>
      tpu.vector_store_idx %arg11[%add3A_302, %broadcast_in_dim3A_305], %exp3A : memref<80x128xf32, #tpu.memory_space<vmem>>[vector<16xi32>, vector<16xi32>], vector<16xf32>,
      %broadcast_in_dim3A_311 = arith.constant 49 : i32
      %broadcast_in_dim3A_312 = vector.broadcast %broadcast_in_dim3A_311 : i32 to vector<16xi32>
      %gather3A_313 = tpu.vector_load_idx %arg11[%add3A_302, %broadcast_in_dim3A_312] : memref<80x128xf32, #tpu.memory_space<vmem>>[vector<16xi32>, vector<16xi32>], vector<16xf32>,
      %get3A_314 = arith.index_cast %mul3A_304 : i32 to index
      %get3A_315 = tpu.vector_load %arg13[%get3A_314] {strides = array<i32>} : memref<80xf32, #tpu.memory_space<vmem>>, vector<16xf32>,
      %add3A_316 = arith.addf %gather3A_313, %get3A_315 : vector<16xf32>
      %mul3A_317 = arith.constant 2.000000e-01 : f32
      %mul3A_318 = vector.broadcast %mul3A_317 : f32 to vector<16xf32>
      %mul3A_319 = arith.mulf %mul3A_318, %add3A_316 : vector<16xf32>
      %max3A_320 = arith.maximumf %add3A_316, %mul3A_319 : vector<16xf32>
      %exp3A_321 = math.exp %max3A_320 : vector<16xf32>
      tpu.vector_store_idx %arg11[%add3A_302, %broadcast_in_dim3A_312], %exp3A_321 : memref<80x128xf32, #tpu.memory_space<vmem>>[vector<16xi32>, vector<16xi32>], vector<16xf32>,
      %broadcast_in_dim3A_322 = arith.constant 50 : i32
      %broadcast_in_dim3A_323 = vector.broadcast %broadcast_in_dim3A_322 : i32 to vector<16xi32>
      %gather3A_324 = tpu.vector_load_idx %arg11[%add3A_302, %broadcast_in_dim3A_323] : memref<80x128xf32, #tpu.memory_space<vmem>>[vector<16xi32>, vector<16xi32>], vector<16xf32>,
      %get3A_325 = arith.index_cast %mul3A_304 : i32 to index
      %get3A_326 = tpu.vector_load %arg14[%get3A_325] {strides = array<i32>} : memref<80xf32, #tpu.memory_space<vmem>>, vector<16xf32>,
      %add3A_327 = arith.addf %gather3A_324, %get3A_326 : vector<16xf32>
      %mul3A_328 = arith.constant 2.000000e-01 : f32
      %mul3A_329 = vector.broadcast %mul3A_328 : f32 to vector<16xf32>
      %mul3A_330 = arith.mulf %mul3A_329, %add3A_327 : vector<16xf32>
      %max3A_331 = arith.maximumf %add3A_327, %mul3A_330 : vector<16xf32>
      %exp3A_332 = math.exp %max3A_331 : vector<16xf32>
      tpu.vector_store_idx %arg11[%add3A_302, %broadcast_in_dim3A_323], %exp3A_332 : memref<80x128xf32, #tpu.memory_space<vmem>>[vector<16xi32>, vector<16xi32>], vector<16xf32>,
      %scan3A_333 = arith.constant 0 : i32
      scf.yield %scan3A_333 : i32
    }
    %scan3A_250 = arith.constant 5 : i32
    %scan3A_251 = arith.constant 0 : i32
    %scan3A_252 = arith.constant 0 : i32
    %scan3A_253 = arith.constant 80 : i32
    %scan3A_254 = arith.addi %scan3A_252, %scan3A_253 : i32
    %scan3A_255 = arith.constant 1 : i32
    %scan3A_256 = scf.for %scan3A_297 = %scan3A_252 to %scan3A_254 step %scan3A_255 iter_args(%scan3A_298 = %scan3A_251) -> (i32)  : i32 {
      %get3A = arith.index_cast %scan3A_297 : i32 to index
      %get3A_299 = arith.constant 48 : index
      %get3A_300 = tpu.vector_load %arg11[%get3A, %get3A_299] {strides = array<i32>} : memref<80x128xf32, #tpu.memory_space<vmem>>, vector<16xf32>,
      %broadcast_in_dim3A = arith.constant 0 : i32
      %broadcast_in_dim3A_301 = vector.broadcast %broadcast_in_dim3A : i32 to vector<16xi32>
      %broadcast_in_dim3A_302 = vector.shape_cast %broadcast_in_dim3A_301 : vector<16xi32> to vector<16x1xi32>
      %gather3A = vector.shape_cast %broadcast_in_dim3A_302 : vector<16x1xi32> to vector<16xi32>
      %gather3A_303 = tpu.dynamic_gather %get3A_300[%gather3A] in [0] : vector<16xf32>, vector<16xi32> -> vector<16xf32>
      %get3A_304 = arith.index_cast %scan3A_297 : i32 to index
      %get3A_305 = arith.constant 0 : index
      %get3A_306 = tpu.vector_load %arg11[%get3A_304, %get3A_305] {strides = array<i32>} : memref<80x128xf32, #tpu.memory_space<vmem>>, vector<16xf32>,
      %mul3A_307 = arith.mulf %get3A_306, %gather3A_303 : vector<16xf32>
      %swap3A = arith.index_cast %scan3A_297 : i32 to index
      %swap3A_308 = arith.constant 0 : index
      %swap3A_309 = tpu.vector_load %arg11[%swap3A, %swap3A_308] {strides = array<i32>} : memref<80x128xf32, #tpu.memory_space<vmem>>, vector<16xf32>,
      tpu.vector_store %arg11[%swap3A, %swap3A_308], %mul3A_307 {strides = array<i32>} : memref<80x128xf32, #tpu.memory_space<vmem>>, vector<16xf32>,
      %broadcast_in_dim3A_310 = arith.constant 1 : i32
      %broadcast_in_dim3A_311 = vector.broadcast %broadcast_in_dim3A_310 : i32 to vector<16xi32>
      %broadcast_in_dim3A_312 = vector.shape_cast %broadcast_in_dim3A_311 : vector<16xi32> to vector<16x1xi32>
      %gather3A_313 = vector.shape_cast %broadcast_in_dim3A_312 : vector<16x1xi32> to vector<16xi32>
      %gather3A_314 = tpu.dynamic_gather %get3A_300[%gather3A_313] in [0] : vector<16xf32>, vector<16xi32> -> vector<16xf32>
      %get3A_315 = arith.index_cast %scan3A_297 : i32 to index
      %get3A_316 = arith.constant 16 : index
      %get3A_317 = tpu.vector_load %arg11[%get3A_315, %get3A_316] {strides = array<i32>} : memref<80x128xf32, #tpu.memory_space<vmem>>, vector<16xf32>,
      %mul3A_318 = arith.mulf %get3A_317, %gather3A_314 : vector<16xf32>
      %swap3A_319 = arith.index_cast %scan3A_297 : i32 to index
      %swap3A_320 = arith.constant 16 : index
      %swap3A_321 = tpu.vector_load %arg11[%swap3A_319, %swap3A_320] {strides = array<i32>} : memref<80x128xf32, #tpu.memory_space<vmem>>, vector<16xf32>,
      tpu.vector_store %arg11[%swap3A_319, %swap3A_320], %mul3A_318 {strides = array<i32>} : memref<80x128xf32, #tpu.memory_space<vmem>>, vector<16xf32>,
      %broadcast_in_dim3A_322 = arith.constant 2 : i32
      %broadcast_in_dim3A_323 = vector.broadcast %broadcast_in_dim3A_322 : i32 to vector<16xi32>
      %broadcast_in_dim3A_324 = vector.shape_cast %broadcast_in_dim3A_323 : vector<16xi32> to vector<16x1xi32>
      %gather3A_325 = vector.shape_cast %broadcast_in_dim3A_324 : vector<16x1xi32> to vector<16xi32>
      %gather3A_326 = tpu.dynamic_gather %get3A_300[%gather3A_325] in [0] : vector<16xf32>, vector<16xi32> -> vector<16xf32>
      %get3A_327 = arith.index_cast %scan3A_297 : i32 to index
      %get3A_328 = arith.constant 32 : index
      %get3A_329 = tpu.vector_load %arg11[%get3A_327, %get3A_328] {strides = array<i32>} : memref<80x128xf32, #tpu.memory_space<vmem>>, vector<16xf32>,
      %mul3A_330 = arith.mulf %get3A_329, %gather3A_326 : vector<16xf32>
      %swap3A_331 = arith.index_cast %scan3A_297 : i32 to index
      %swap3A_332 = arith.constant 32 : index
      %swap3A_333 = tpu.vector_load %arg11[%swap3A_331, %swap3A_332] {strides = array<i32>} : memref<80x128xf32, #tpu.memory_space<vmem>>, vector<16xf32>,
      tpu.vector_store %arg11[%swap3A_331, %swap3A_332], %mul3A_330 {strides = array<i32>} : memref<80x128xf32, #tpu.memory_space<vmem>>, vector<16xf32>,
      %scan3A_334 = arith.constant 0 : i32
      scf.yield %scan3A_334 : i32
    }
    %scan3A_257 = arith.constant 80 : i32
    %dma_start3A_258 = arith.constant 0 : i32
    %dma_start3A_259 = arith.constant 0 : i32
    %dma_start3A_260 = tpu.memref_slice %arg30[%dma_start3A_258, %dma_start3A_259] : memref<10240x128xf32, #tpu.memory_space<vmem_shared>> -> memref<10240x128xf32, #tpu.memory_space<vmem_shared>>
    tpu.enqueue_indirect_dma source(%arg11 : memref<80x128xf32, #tpu.memory_space<vmem>>) target(%dma_start3A_260 : memref<10240x128xf32, #tpu.memory_space<vmem_shared>>) offsets(%arg10 : memref<80xi32, #tpu.memory_space<vmem>>) semaphore(%arg32 : memref<!tpu.dma_semaphore, #tpu.memory_space<semaphore_mem>>) {add = true}
    %dma_wait3A_261 = arith.constant 0 : i32
    %dma_wait3A_262 = arith.constant 0 : i32
    %dma_wait3A_263 = tpu.memref_slice %arg4[%dma_wait3A_261, %dma_wait3A_262] : memref<10240x128xf32, #tpu.memory_space<hbm>> -> memref<10240x128xf32, #tpu.memory_space<hbm>>
    tpu.wait_indirect_dma semaphore(%arg34 : memref<!tpu.dma_semaphore, #tpu.memory_space<semaphore_mem>>) src(%dma_wait3A_263 : memref<10240x128xf32, #tpu.memory_space<hbm>>) dst(%arg17 : memref<80x128xf32, #tpu.memory_space<vmem>>)
    %dma_wait3A_264 = arith.constant 0 : i32
    %dma_wait3A_265 = tpu.memref_slice %arg27[%dma_wait3A_264] : memref<10240xf32, #tpu.memory_space<vmem_shared>> -> memref<10240xf32, #tpu.memory_space<vmem_shared>>
    tpu.wait_indirect_dma semaphore(%arg36 : memref<!tpu.dma_semaphore, #tpu.memory_space<semaphore_mem>>) src(%dma_wait3A_265 : memref<10240xf32, #tpu.memory_space<vmem_shared>>) dst(%arg18 : memref<80xf32, #tpu.memory_space<vmem>>)
    %dma_wait3A_266 = arith.constant 0 : i32
    %dma_wait3A_267 = tpu.memref_slice %arg28[%dma_wait3A_266] : memref<10240xf32, #tpu.memory_space<vmem_shared>> -> memref<10240xf32, #tpu.memory_space<vmem_shared>>
    tpu.wait_indirect_dma semaphore(%arg36 : memref<!tpu.dma_semaphore, #tpu.memory_space<semaphore_mem>>) src(%dma_wait3A_267 : memref<10240xf32, #tpu.memory_space<vmem_shared>>) dst(%arg19 : memref<80xf32, #tpu.memory_space<vmem>>)
    %dma_wait3A_268 = arith.constant 0 : i32
    %dma_wait3A_269 = tpu.memref_slice %arg29[%dma_wait3A_268] : memref<10240xf32, #tpu.memory_space<vmem_shared>> -> memref<10240xf32, #tpu.memory_space<vmem_shared>>
    tpu.wait_indirect_dma semaphore(%arg36 : memref<!tpu.dma_semaphore, #tpu.memory_space<semaphore_mem>>) src(%dma_wait3A_269 : memref<10240xf32, #tpu.memory_space<vmem_shared>>) dst(%arg20 : memref<80xf32, #tpu.memory_space<vmem>>)
    %scan3A_270 = arith.constant 0 : i32
    %scan3A_271 = arith.constant 0 : i32
    %scan3A_272 = arith.constant 5 : i32
    %scan3A_273 = arith.addi %scan3A_271, %scan3A_272 : i32
    %scan3A_274 = arith.constant 1 : i32
    %scan3A_275 = scf.for %scan3A_297 = %scan3A_271 to %scan3A_273 step %scan3A_274 iter_args(%scan3A_298 = %scan3A_270) -> (i32)  : i32 {
      %mul3A_299 = arith.constant 16 : i32
      %mul3A_300 = arith.muli %scan3A_297, %mul3A_299 : i32
      %add3A_301 = vector.broadcast %mul3A_300 : i32 to vector<16xi32>
      %add3A_302 = arith.addi %add3A_301, %iota3A : vector<16xi32>
      %mul3A_303 = arith.constant 16 : i32
      %mul3A_304 = arith.muli %scan3A_297, %mul3A_303 : i32
      %broadcast_in_dim3A = arith.constant 48 : i32
      %broadcast_in_dim3A_305 = vector.broadcast %broadcast_in_dim3A : i32 to vector<16xi32>
      %gather3A = tpu.vector_load_idx %arg17[%add3A_302, %broadcast_in_dim3A_305] : memref<80x128xf32, #tpu.memory_space<vmem>>[vector<16xi32>, vector<16xi32>], vector<16xf32>,
      %get3A = arith.index_cast %mul3A_304 : i32 to index
      %get3A_306 = tpu.vector_load %arg18[%get3A] {strides = array<i32>} : memref<80xf32, #tpu.memory_space<vmem>>, vector<16xf32>,
      %add3A_307 = arith.addf %gather3A, %get3A_306 : vector<16xf32>
      %mul3A_308 = arith.constant 2.000000e-01 : f32
      %mul3A_309 = vector.broadcast %mul3A_308 : f32 to vector<16xf32>
      %mul3A_310 = arith.mulf %mul3A_309, %add3A_307 : vector<16xf32>
      %max3A = arith.maximumf %add3A_307, %mul3A_310 : vector<16xf32>
      %exp3A = math.exp %max3A : vector<16xf32>
      tpu.vector_store_idx %arg17[%add3A_302, %broadcast_in_dim3A_305], %exp3A : memref<80x128xf32, #tpu.memory_space<vmem>>[vector<16xi32>, vector<16xi32>], vector<16xf32>,
      %broadcast_in_dim3A_311 = arith.constant 49 : i32
      %broadcast_in_dim3A_312 = vector.broadcast %broadcast_in_dim3A_311 : i32 to vector<16xi32>
      %gather3A_313 = tpu.vector_load_idx %arg17[%add3A_302, %broadcast_in_dim3A_312] : memref<80x128xf32, #tpu.memory_space<vmem>>[vector<16xi32>, vector<16xi32>], vector<16xf32>,
      %get3A_314 = arith.index_cast %mul3A_304 : i32 to index
      %get3A_315 = tpu.vector_load %arg19[%get3A_314] {strides = array<i32>} : memref<80xf32, #tpu.memory_space<vmem>>, vector<16xf32>,
      %add3A_316 = arith.addf %gather3A_313, %get3A_315 : vector<16xf32>
      %mul3A_317 = arith.constant 2.000000e-01 : f32
      %mul3A_318 = vector.broadcast %mul3A_317 : f32 to vector<16xf32>
      %mul3A_319 = arith.mulf %mul3A_318, %add3A_316 : vector<16xf32>
      %max3A_320 = arith.maximumf %add3A_316, %mul3A_319 : vector<16xf32>
      %exp3A_321 = math.exp %max3A_320 : vector<16xf32>
      tpu.vector_store_idx %arg17[%add3A_302, %broadcast_in_dim3A_312], %exp3A_321 : memref<80x128xf32, #tpu.memory_space<vmem>>[vector<16xi32>, vector<16xi32>], vector<16xf32>,
      %broadcast_in_dim3A_322 = arith.constant 50 : i32
      %broadcast_in_dim3A_323 = vector.broadcast %broadcast_in_dim3A_322 : i32 to vector<16xi32>
      %gather3A_324 = tpu.vector_load_idx %arg17[%add3A_302, %broadcast_in_dim3A_323] : memref<80x128xf32, #tpu.memory_space<vmem>>[vector<16xi32>, vector<16xi32>], vector<16xf32>,
      %get3A_325 = arith.index_cast %mul3A_304 : i32 to index
      %get3A_326 = tpu.vector_load %arg20[%get3A_325] {strides = array<i32>} : memref<80xf32, #tpu.memory_space<vmem>>, vector<16xf32>,
      %add3A_327 = arith.addf %gather3A_324, %get3A_326 : vector<16xf32>
      %mul3A_328 = arith.constant 2.000000e-01 : f32
      %mul3A_329 = vector.broadcast %mul3A_328 : f32 to vector<16xf32>
      %mul3A_330 = arith.mulf %mul3A_329, %add3A_327 : vector<16xf32>
      %max3A_331 = arith.maximumf %add3A_327, %mul3A_330 : vector<16xf32>
      %exp3A_332 = math.exp %max3A_331 : vector<16xf32>
      tpu.vector_store_idx %arg17[%add3A_302, %broadcast_in_dim3A_323], %exp3A_332 : memref<80x128xf32, #tpu.memory_space<vmem>>[vector<16xi32>, vector<16xi32>], vector<16xf32>,
      %scan3A_333 = arith.constant 0 : i32
      scf.yield %scan3A_333 : i32
    }
    %scan3A_276 = arith.constant 5 : i32
    %scan3A_277 = arith.constant 0 : i32
    %scan3A_278 = arith.constant 0 : i32
    %scan3A_279 = arith.constant 80 : i32
    %scan3A_280 = arith.addi %scan3A_278, %scan3A_279 : i32
    %scan3A_281 = arith.constant 1 : i32
    %scan3A_282 = scf.for %scan3A_297 = %scan3A_278 to %scan3A_280 step %scan3A_281 iter_args(%scan3A_298 = %scan3A_277) -> (i32)  : i32 {
      %get3A = arith.index_cast %scan3A_297 : i32 to index
      %get3A_299 = arith.constant 48 : index
      %get3A_300 = tpu.vector_load %arg17[%get3A, %get3A_299] {strides = array<i32>} : memref<80x128xf32, #tpu.memory_space<vmem>>, vector<16xf32>,
      %broadcast_in_dim3A = arith.constant 0 : i32
      %broadcast_in_dim3A_301 = vector.broadcast %broadcast_in_dim3A : i32 to vector<16xi32>
      %broadcast_in_dim3A_302 = vector.shape_cast %broadcast_in_dim3A_301 : vector<16xi32> to vector<16x1xi32>
      %gather3A = vector.shape_cast %broadcast_in_dim3A_302 : vector<16x1xi32> to vector<16xi32>
      %gather3A_303 = tpu.dynamic_gather %get3A_300[%gather3A] in [0] : vector<16xf32>, vector<16xi32> -> vector<16xf32>
      %get3A_304 = arith.index_cast %scan3A_297 : i32 to index
      %get3A_305 = arith.constant 0 : index
      %get3A_306 = tpu.vector_load %arg17[%get3A_304, %get3A_305] {strides = array<i32>} : memref<80x128xf32, #tpu.memory_space<vmem>>, vector<16xf32>,
      %mul3A_307 = arith.mulf %get3A_306, %gather3A_303 : vector<16xf32>
      %swap3A = arith.index_cast %scan3A_297 : i32 to index
      %swap3A_308 = arith.constant 0 : index
      %swap3A_309 = tpu.vector_load %arg17[%swap3A, %swap3A_308] {strides = array<i32>} : memref<80x128xf32, #tpu.memory_space<vmem>>, vector<16xf32>,
      tpu.vector_store %arg17[%swap3A, %swap3A_308], %mul3A_307 {strides = array<i32>} : memref<80x128xf32, #tpu.memory_space<vmem>>, vector<16xf32>,
      %broadcast_in_dim3A_310 = arith.constant 1 : i32
      %broadcast_in_dim3A_311 = vector.broadcast %broadcast_in_dim3A_310 : i32 to vector<16xi32>
      %broadcast_in_dim3A_312 = vector.shape_cast %broadcast_in_dim3A_311 : vector<16xi32> to vector<16x1xi32>
      %gather3A_313 = vector.shape_cast %broadcast_in_dim3A_312 : vector<16x1xi32> to vector<16xi32>
      %gather3A_314 = tpu.dynamic_gather %get3A_300[%gather3A_313] in [0] : vector<16xf32>, vector<16xi32> -> vector<16xf32>
      %get3A_315 = arith.index_cast %scan3A_297 : i32 to index
      %get3A_316 = arith.constant 16 : index
      %get3A_317 = tpu.vector_load %arg17[%get3A_315, %get3A_316] {strides = array<i32>} : memref<80x128xf32, #tpu.memory_space<vmem>>, vector<16xf32>,
      %mul3A_318 = arith.mulf %get3A_317, %gather3A_314 : vector<16xf32>
      %swap3A_319 = arith.index_cast %scan3A_297 : i32 to index
      %swap3A_320 = arith.constant 16 : index
      %swap3A_321 = tpu.vector_load %arg17[%swap3A_319, %swap3A_320] {strides = array<i32>} : memref<80x128xf32, #tpu.memory_space<vmem>>, vector<16xf32>,
      tpu.vector_store %arg17[%swap3A_319, %swap3A_320], %mul3A_318 {strides = array<i32>} : memref<80x128xf32, #tpu.memory_space<vmem>>, vector<16xf32>,
      %broadcast_in_dim3A_322 = arith.constant 2 : i32
      %broadcast_in_dim3A_323 = vector.broadcast %broadcast_in_dim3A_322 : i32 to vector<16xi32>
      %broadcast_in_dim3A_324 = vector.shape_cast %broadcast_in_dim3A_323 : vector<16xi32> to vector<16x1xi32>
      %gather3A_325 = vector.shape_cast %broadcast_in_dim3A_324 : vector<16x1xi32> to vector<16xi32>
      %gather3A_326 = tpu.dynamic_gather %get3A_300[%gather3A_325] in [0] : vector<16xf32>, vector<16xi32> -> vector<16xf32>
      %get3A_327 = arith.index_cast %scan3A_297 : i32 to index
      %get3A_328 = arith.constant 32 : index
      %get3A_329 = tpu.vector_load %arg17[%get3A_327, %get3A_328] {strides = array<i32>} : memref<80x128xf32, #tpu.memory_space<vmem>>, vector<16xf32>,
      %mul3A_330 = arith.mulf %get3A_329, %gather3A_326 : vector<16xf32>
      %swap3A_331 = arith.index_cast %scan3A_297 : i32 to index
      %swap3A_332 = arith.constant 32 : index
      %swap3A_333 = tpu.vector_load %arg17[%swap3A_331, %swap3A_332] {strides = array<i32>} : memref<80x128xf32, #tpu.memory_space<vmem>>, vector<16xf32>,
      tpu.vector_store %arg17[%swap3A_331, %swap3A_332], %mul3A_330 {strides = array<i32>} : memref<80x128xf32, #tpu.memory_space<vmem>>, vector<16xf32>,
      %scan3A_334 = arith.constant 0 : i32
      scf.yield %scan3A_334 : i32
    }
    %scan3A_283 = arith.constant 80 : i32
    %dma_start3A_284 = arith.constant 0 : i32
    %dma_start3A_285 = arith.constant 0 : i32
    %dma_start3A_286 = tpu.memref_slice %arg30[%dma_start3A_284, %dma_start3A_285] : memref<10240x128xf32, #tpu.memory_space<vmem_shared>> -> memref<10240x128xf32, #tpu.memory_space<vmem_shared>>
    tpu.enqueue_indirect_dma source(%arg17 : memref<80x128xf32, #tpu.memory_space<vmem>>) target(%dma_start3A_286 : memref<10240x128xf32, #tpu.memory_space<vmem_shared>>) offsets(%arg16 : memref<80xi32, #tpu.memory_space<vmem>>) semaphore(%arg35 : memref<!tpu.dma_semaphore, #tpu.memory_space<semaphore_mem>>) {add = true}
    %dma_wait3A_287 = arith.constant 0 : i32
    %dma_wait3A_288 = arith.constant 0 : i32
    %dma_wait3A_289 = tpu.memref_slice %arg30[%dma_wait3A_287, %dma_wait3A_288] : memref<10240x128xf32, #tpu.memory_space<vmem_shared>> -> memref<10240x128xf32, #tpu.memory_space<vmem_shared>>
    tpu.wait_indirect_dma semaphore(%arg38 : memref<!tpu.dma_semaphore, #tpu.memory_space<semaphore_mem>>) src(%arg23 : memref<80x128xf32, #tpu.memory_space<vmem>>) dst(%dma_wait3A_289 : memref<10240x128xf32, #tpu.memory_space<vmem_shared>>)
    %dma_wait3A_290 = arith.constant 0 : i32
    %dma_wait3A_291 = arith.constant 0 : i32
    %dma_wait3A_292 = tpu.memref_slice %arg30[%dma_wait3A_290, %dma_wait3A_291] : memref<10240x128xf32, #tpu.memory_space<vmem_shared>> -> memref<10240x128xf32, #tpu.memory_space<vmem_shared>>
    tpu.wait_indirect_dma semaphore(%arg32 : memref<!tpu.dma_semaphore, #tpu.memory_space<semaphore_mem>>) src(%arg11 : memref<80x128xf32, #tpu.memory_space<vmem>>) dst(%dma_wait3A_292 : memref<10240x128xf32, #tpu.memory_space<vmem_shared>>)
    %dma_wait3A_293 = arith.constant 0 : i32
    %dma_wait3A_294 = arith.constant 0 : i32
    %dma_wait3A_295 = tpu.memref_slice %arg30[%dma_wait3A_293, %dma_wait3A_294] : memref<10240x128xf32, #tpu.memory_space<vmem_shared>> -> memref<10240x128xf32, #tpu.memory_space<vmem_shared>>
    tpu.wait_indirect_dma semaphore(%arg35 : memref<!tpu.dma_semaphore, #tpu.memory_space<semaphore_mem>>) src(%arg17 : memref<80x128xf32, #tpu.memory_space<vmem>>) dst(%dma_wait3A_295 : memref<10240x128xf32, #tpu.memory_space<vmem_shared>>)
    %barrier3A_296 = arith.constant 0 : index
    tpu.barrier barrier_id(%barrier3A_296)
    "tpu.region"() ({
      %run_scoped3A = tpu.sem_alloc : memref<!tpu.dma_semaphore, #tpu.memory_space<semaphore_mem>>
      %dma_start3A_297 = arith.constant 0 : i32
      %dma_start3A_298 = tpu.memref_slice %arg8[%arg0, %mul3A_2, %dma_start3A_297] : memref<2x10240x128xf32, #tpu.memory_space<hbm>> -> memref<1x640x128xf32, #tpu.memory_space<hbm>>
      %dma_start3A_299 = tpu.memref_squeeze %dma_start3A_298 : memref<1x640x128xf32, #tpu.memory_space<hbm>> -> memref<640x128xf32, #tpu.memory_space<hbm>>
      %dma_start3A_300 = arith.constant 0 : i32
      %dma_start3A_301 = tpu.memref_slice %arg30[%mul3A_2, %dma_start3A_300] : memref<10240x128xf32, #tpu.memory_space<vmem_shared>> -> memref<640x128xf32, #tpu.memory_space<vmem_shared>>
      tpu.enqueue_dma source(%dma_start3A_301 : memref<640x128xf32, #tpu.memory_space<vmem_shared>>) target(%dma_start3A_299 : memref<640x128xf32, #tpu.memory_space<hbm>>) target_semaphore(%run_scoped3A : memref<!tpu.dma_semaphore, #tpu.memory_space<semaphore_mem>>)
      %dma_wait3A_302 = arith.constant 0 : i32
      %dma_wait3A_303 = tpu.memref_slice %arg8[%arg0, %mul3A_2, %dma_wait3A_302] : memref<2x10240x128xf32, #tpu.memory_space<hbm>> -> memref<1x640x128xf32, #tpu.memory_space<hbm>>
      %dma_wait3A_304 = tpu.memref_squeeze %dma_wait3A_303 : memref<1x640x128xf32, #tpu.memory_space<hbm>> -> memref<640x128xf32, #tpu.memory_space<hbm>>
      %dma_wait3A_305 = arith.constant 0 : i32
      %dma_wait3A_306 = tpu.memref_slice %arg30[%mul3A_2, %dma_wait3A_305] : memref<10240x128xf32, #tpu.memory_space<vmem_shared>> -> memref<640x128xf32, #tpu.memory_space<vmem_shared>>
      tpu.wait_dma2 semaphore(%run_scoped3A : memref<!tpu.dma_semaphore, #tpu.memory_space<semaphore_mem>>) src(%dma_wait3A_306 : memref<640x128xf32, #tpu.memory_space<vmem_shared>>) dst(%dma_wait3A_304 : memref<640x128xf32, #tpu.memory_space<hbm>>)
      tpu.yield
    }) : () -> ()
    return
  }
}

module attributes {stable_mosaic.version = 14 : i64} {
  func.func @_prep_body(%arg0: i32, %arg1: memref<1024x128xf32, #tpu.memory_space<vmem>>, %arg2: memref<128x128xf32, #tpu.memory_space<vmem>>, %arg3: memref<128x4xf32, #tpu.memory_space<vmem>>, %arg4: memref<128x48xf32, #tpu.memory_space<vmem>>, %arg5: memref<1024x128xf32, #tpu.memory_space<vmem>>, %arg6: memref<1024x4xf32, #tpu.memory_space<vmem>>, %arg7: memref<1024x48xf32, #tpu.memory_space<vmem>>) attributes {dimension_semantics = [#tpu.dimension_semantics<arbitrary>], iteration_bounds = array<i64: 10>, scalar_prefetch = 0 : i64, scratch_operands = 0 : i64, tpu.core_type = #tpu.core_type<tc>, window_params = [{transform_indices = @transform_0, window_bounds = array<i64: 1024, 128>}, {pipeline_mode = #tpu.pipeline_mode<synchronous>, transform_indices = @transform_1, window_bounds = array<i64: 128, 128>}, {pipeline_mode = #tpu.pipeline_mode<synchronous>, transform_indices = @transform_2, window_bounds = array<i64: 128, 4>}, {pipeline_mode = #tpu.pipeline_mode<synchronous>, transform_indices = @transform_3, window_bounds = array<i64: 128, 48>}, {transform_indices = @transform_4, window_bounds = array<i64: 1024, 128>}, {transform_indices = @transform_5, window_bounds = array<i64: 1024, 4>}, {transform_indices = @transform_6, window_bounds = array<i64: 1024, 48>}]} {
    %get3A = arith.constant 0 : index
    %get3A_0 = arith.constant 0 : index
    %get3A_1 = vector.load %arg1[%get3A, %get3A_0] : memref<1024x128xf32, #tpu.memory_space<vmem>>, vector<1024x128xf32>
    %get3A_2 = arith.constant 0 : index
    %get3A_3 = arith.constant 0 : index
    %get3A_4 = vector.load %arg2[%get3A_2, %get3A_3] : memref<128x128xf32, #tpu.memory_space<vmem>>, vector<128x128xf32>
    %dot_general3A = arith.constant dense<0.000000e+00> : vector<1024x128xf32>
    %dot_general3A_5 = tpu.matmul %get3A_1, %get3A_4, %dot_general3A {dimension_numbers = #tpu.dot_dimension_numbers<[1], [0], [0], [1], [0, 0, 1, 1], [], []>, transpose_lhs_hint = false} : vector<1024x128xf32>, vector<128x128xf32>, vector<1024x128xf32> -> vector<1024x128xf32>
    %swap3A = arith.constant 0 : index
    %swap3A_6 = arith.constant 0 : index
    %swap3A_7 = vector.load %arg5[%swap3A, %swap3A_6] : memref<1024x128xf32, #tpu.memory_space<vmem>>, vector<1024x128xf32>
    tpu.vector_store %arg5[%swap3A, %swap3A_6], %dot_general3A_5 {strides = array<i32>} : memref<1024x128xf32, #tpu.memory_space<vmem>>, vector<1024x128xf32>,
    %get3A_8 = arith.constant 0 : index
    %get3A_9 = arith.constant 0 : index
    %get3A_10 = vector.load %arg3[%get3A_8, %get3A_9] : memref<128x4xf32, #tpu.memory_space<vmem>>, vector<128x4xf32>
    %dot_general3A_11 = arith.constant dense<0.000000e+00> : vector<1024x4xf32>
    %dot_general3A_12 = tpu.matmul %get3A_1, %get3A_10, %dot_general3A_11 {dimension_numbers = #tpu.dot_dimension_numbers<[1], [0], [0], [1], [0, 0, 1, 1], [], []>, transpose_lhs_hint = false} : vector<1024x128xf32>, vector<128x4xf32>, vector<1024x4xf32> -> vector<1024x4xf32>
    %swap3A_13 = arith.constant 0 : index
    %swap3A_14 = arith.constant 0 : index
    %swap3A_15 = vector.load %arg6[%swap3A_13, %swap3A_14] : memref<1024x4xf32, #tpu.memory_space<vmem>>, vector<1024x4xf32>
    tpu.vector_store %arg6[%swap3A_13, %swap3A_14], %dot_general3A_12 {strides = array<i32>} : memref<1024x4xf32, #tpu.memory_space<vmem>>, vector<1024x4xf32>,
    %get3A_16 = arith.constant 0 : index
    %get3A_17 = arith.constant 0 : index
    %get3A_18 = vector.load %arg4[%get3A_16, %get3A_17] : memref<128x48xf32, #tpu.memory_space<vmem>>, vector<128x48xf32>
    %dot_general3A_19 = arith.constant dense<0.000000e+00> : vector<1024x48xf32>
    %dot_general3A_20 = tpu.matmul %get3A_1, %get3A_18, %dot_general3A_19 {dimension_numbers = #tpu.dot_dimension_numbers<[1], [0], [0], [1], [0, 0, 1, 1], [], []>, transpose_lhs_hint = false} : vector<1024x128xf32>, vector<128x48xf32>, vector<1024x48xf32> -> vector<1024x48xf32>
    %swap3A_21 = arith.constant 0 : index
    %swap3A_22 = arith.constant 0 : index
    %swap3A_23 = vector.load %arg7[%swap3A_21, %swap3A_22] : memref<1024x48xf32, #tpu.memory_space<vmem>>, vector<1024x48xf32>
    tpu.vector_store %arg7[%swap3A_21, %swap3A_22], %dot_general3A_20 {strides = array<i32>} : memref<1024x48xf32, #tpu.memory_space<vmem>>, vector<1024x48xf32>,
    return
  }
  func.func @transform_0(%arg0: i32) -> (i32, i32) {
    %c0_i32 = arith.constant 0 : i32
    %c0_i32_0 = arith.constant 0 : i32
    return %arg0, %c0_i32 : i32, i32
  }
  func.func @transform_1(%arg0: i32) -> (i32, i32) {
    %c0_i32 = arith.constant 0 : i32
    %c0_i32_0 = arith.constant 0 : i32
    %c0_i32_1 = arith.constant 0 : i32
    return %c0_i32, %c0_i32_0 : i32, i32
  }
  func.func @transform_2(%arg0: i32) -> (i32, i32) {
    %c0_i32 = arith.constant 0 : i32
    %c0_i32_0 = arith.constant 0 : i32
    %c0_i32_1 = arith.constant 0 : i32
    return %c0_i32, %c0_i32_0 : i32, i32
  }
  func.func @transform_3(%arg0: i32) -> (i32, i32) {
    %c0_i32 = arith.constant 0 : i32
    %c0_i32_0 = arith.constant 0 : i32
    %c0_i32_1 = arith.constant 0 : i32
    return %c0_i32, %c0_i32_0 : i32, i32
  }
  func.func @transform_4(%arg0: i32) -> (i32, i32) {
    %c0_i32 = arith.constant 0 : i32
    %c0_i32_0 = arith.constant 0 : i32
    return %arg0, %c0_i32 : i32, i32
  }
  func.func @transform_5(%arg0: i32) -> (i32, i32) {
    %c0_i32 = arith.constant 0 : i32
    %c0_i32_0 = arith.constant 0 : i32
    return %arg0, %c0_i32 : i32, i32
  }
  func.func @transform_6(%arg0: i32) -> (i32, i32) {
    %c0_i32 = arith.constant 0 : i32
    %c0_i32_0 = arith.constant 0 : i32
    return %arg0, %c0_i32 : i32, i32
  }
}

module attributes {stable_mosaic.version = 14 : i64} {
  func.func @_combine_body(%arg0: i32, %arg1: memref<1x1024x128xf32, #tpu.memory_space<vmem>>, %arg2: memref<1x1024x128xf32, #tpu.memory_space<vmem>>, %arg3: memref<1024x48xf32, #tpu.memory_space<vmem>>, %arg4: memref<1x48xf32, #tpu.memory_space<vmem>>, %arg5: memref<1024x16xf32, #tpu.memory_space<vmem>>, %arg6: memref<1024x16xf32, #tpu.memory_space<vmem>>, %arg7: memref<1024x16xf32, #tpu.memory_space<vmem>>) attributes {dimension_semantics = [#tpu.dimension_semantics<arbitrary>], iteration_bounds = array<i64: 10>, scalar_prefetch = 0 : i64, scratch_operands = 0 : i64, tpu.core_type = #tpu.core_type<tc>, window_params = [{transform_indices = @transform_0, window_bounds = array<i64: 1, 1024, 128>}, {transform_indices = @transform_1, window_bounds = array<i64: 1, 1024, 128>}, {transform_indices = @transform_2, window_bounds = array<i64: 1024, 48>}, {pipeline_mode = #tpu.pipeline_mode<synchronous>, transform_indices = @transform_3, window_bounds = array<i64: 1, 48>}, {transform_indices = @transform_4, window_bounds = array<i64: 1024, 16>}, {transform_indices = @transform_5, window_bounds = array<i64: 1024, 16>}, {transform_indices = @transform_6, window_bounds = array<i64: 1024, 16>}]} {
    %get3A = arith.constant 0 : index
    %get3A_0 = arith.constant 0 : index
    %get3A_1 = arith.constant 0 : index
    %get3A_2 = vector.load %arg1[%get3A, %get3A_0, %get3A_1] : memref<1x1024x128xf32, #tpu.memory_space<vmem>>, vector<1x1024x128xf32>
    %get3A_3 = vector.shape_cast %get3A_2 : vector<1x1024x128xf32> to vector<1024x128xf32>
    %get3A_4 = arith.constant 0 : index
    %get3A_5 = arith.constant 0 : index
    %get3A_6 = arith.constant 0 : index
    %get3A_7 = vector.load %arg2[%get3A_4, %get3A_5, %get3A_6] : memref<1x1024x128xf32, #tpu.memory_space<vmem>>, vector<1x1024x128xf32>
    %get3A_8 = vector.shape_cast %get3A_7 : vector<1x1024x128xf32> to vector<1024x128xf32>
    %add3A = arith.addf %get3A_3, %get3A_8 : vector<1024x128xf32>
    %slice3A = vector.extract_strided_slice %add3A {offsets = [0, 0], sizes = [1024, 16], strides = [1, 1]} : vector<1024x128xf32> to vector<1024x16xf32>
    %slice3A_9 = vector.extract_strided_slice %add3A {offsets = [0, 48], sizes = [1024, 1], strides = [1, 1]} : vector<1024x128xf32> to vector<1024x1xf32>
    %gt3A = arith.constant 0.000000e+00 : f32
    %gt3A_10 = vector.broadcast %gt3A : f32 to vector<1024x1xf32>
    %gt3A_11 = arith.cmpf ogt, %slice3A_9, %gt3A_10 : vector<1024x1xf32>
    %div3A = vector.broadcast %slice3A_9 : vector<1024x1xf32> to vector<1024x16xf32>
    %div3A_12 = arith.divf %slice3A, %div3A : vector<1024x16xf32>
    %jit3A = arith.constant 0.000000e+00 : f32
    %broadcast_in_dim3A = vector.shape_cast %gt3A_11 : vector<1024x1xi1> to vector<1024x1xi1>
    %broadcast_in_dim3A_13 = vector.broadcast %broadcast_in_dim3A : vector<1024x1xi1> to vector<1024x16xi1>
    %broadcast_in_dim3A_14 = vector.broadcast %jit3A : f32 to vector<1024x16xf32>
    %select_n3A = arith.select %broadcast_in_dim3A_13, %div3A_12, %broadcast_in_dim3A_14 : vector<1024x16xi1>, vector<1024x16xf32>
    %get3A_15 = arith.constant 0 : index
    %get3A_16 = arith.constant 0 : index
    %get3A_17 = vector.load %arg3[%get3A_15, %get3A_16] : memref<1024x48xf32, #tpu.memory_space<vmem>>, vector<1024x16xf32>
    %add3A_18 = arith.addf %select_n3A, %get3A_17 : vector<1024x16xf32>
    %get3A_19 = arith.constant 0 : index
    %get3A_20 = arith.constant 0 : index
    %get3A_21 = vector.load %arg4[%get3A_19, %get3A_20] : memref<1x48xf32, #tpu.memory_space<vmem>>, vector<1x16xf32>
    %add3A_22 = vector.broadcast %get3A_21 : vector<1x16xf32> to vector<1024x16xf32>
    %add3A_23 = arith.addf %add3A_18, %add3A_22 : vector<1024x16xf32>
    %swap3A = arith.constant 0 : index
    %swap3A_24 = arith.constant 0 : index
    %swap3A_25 = vector.load %arg5[%swap3A, %swap3A_24] : memref<1024x16xf32, #tpu.memory_space<vmem>>, vector<1024x16xf32>
    tpu.vector_store %arg5[%swap3A, %swap3A_24], %add3A_23 {strides = array<i32>} : memref<1024x16xf32, #tpu.memory_space<vmem>>, vector<1024x16xf32>,
    %slice3A_26 = vector.extract_strided_slice %add3A {offsets = [0, 16], sizes = [1024, 16], strides = [1, 1]} : vector<1024x128xf32> to vector<1024x16xf32>
    %slice3A_27 = vector.extract_strided_slice %add3A {offsets = [0, 49], sizes = [1024, 1], strides = [1, 1]} : vector<1024x128xf32> to vector<1024x1xf32>
    %gt3A_28 = arith.constant 0.000000e+00 : f32
    %gt3A_29 = vector.broadcast %gt3A_28 : f32 to vector<1024x1xf32>
    %gt3A_30 = arith.cmpf ogt, %slice3A_27, %gt3A_29 : vector<1024x1xf32>
    %div3A_31 = vector.broadcast %slice3A_27 : vector<1024x1xf32> to vector<1024x16xf32>
    %div3A_32 = arith.divf %slice3A_26, %div3A_31 : vector<1024x16xf32>
    %jit3A_33 = arith.constant 0.000000e+00 : f32
    %broadcast_in_dim3A_34 = vector.shape_cast %gt3A_30 : vector<1024x1xi1> to vector<1024x1xi1>
    %broadcast_in_dim3A_35 = vector.broadcast %broadcast_in_dim3A_34 : vector<1024x1xi1> to vector<1024x16xi1>
    %broadcast_in_dim3A_36 = vector.broadcast %jit3A_33 : f32 to vector<1024x16xf32>
    %select_n3A_37 = arith.select %broadcast_in_dim3A_35, %div3A_32, %broadcast_in_dim3A_36 : vector<1024x16xi1>, vector<1024x16xf32>
    %get3A_38 = arith.constant 0 : index
    %get3A_39 = arith.constant 16 : index
    %get3A_40 = vector.load %arg3[%get3A_38, %get3A_39] : memref<1024x48xf32, #tpu.memory_space<vmem>>, vector<1024x16xf32>
    %add3A_41 = arith.addf %select_n3A_37, %get3A_40 : vector<1024x16xf32>
    %get3A_42 = arith.constant 0 : index
    %get3A_43 = arith.constant 16 : index
    %get3A_44 = vector.load %arg4[%get3A_42, %get3A_43] : memref<1x48xf32, #tpu.memory_space<vmem>>, vector<1x16xf32>
    %add3A_45 = vector.broadcast %get3A_44 : vector<1x16xf32> to vector<1024x16xf32>
    %add3A_46 = arith.addf %add3A_41, %add3A_45 : vector<1024x16xf32>
    %swap3A_47 = arith.constant 0 : index
    %swap3A_48 = arith.constant 0 : index
    %swap3A_49 = vector.load %arg6[%swap3A_47, %swap3A_48] : memref<1024x16xf32, #tpu.memory_space<vmem>>, vector<1024x16xf32>
    tpu.vector_store %arg6[%swap3A_47, %swap3A_48], %add3A_46 {strides = array<i32>} : memref<1024x16xf32, #tpu.memory_space<vmem>>, vector<1024x16xf32>,
    %slice3A_50 = vector.extract_strided_slice %add3A {offsets = [0, 32], sizes = [1024, 16], strides = [1, 1]} : vector<1024x128xf32> to vector<1024x16xf32>
    %slice3A_51 = vector.extract_strided_slice %add3A {offsets = [0, 50], sizes = [1024, 1], strides = [1, 1]} : vector<1024x128xf32> to vector<1024x1xf32>
    %gt3A_52 = arith.constant 0.000000e+00 : f32
    %gt3A_53 = vector.broadcast %gt3A_52 : f32 to vector<1024x1xf32>
    %gt3A_54 = arith.cmpf ogt, %slice3A_51, %gt3A_53 : vector<1024x1xf32>
    %div3A_55 = vector.broadcast %slice3A_51 : vector<1024x1xf32> to vector<1024x16xf32>
    %div3A_56 = arith.divf %slice3A_50, %div3A_55 : vector<1024x16xf32>
    %jit3A_57 = arith.constant 0.000000e+00 : f32
    %broadcast_in_dim3A_58 = vector.shape_cast %gt3A_54 : vector<1024x1xi1> to vector<1024x1xi1>
    %broadcast_in_dim3A_59 = vector.broadcast %broadcast_in_dim3A_58 : vector<1024x1xi1> to vector<1024x16xi1>
    %broadcast_in_dim3A_60 = vector.broadcast %jit3A_57 : f32 to vector<1024x16xf32>
    %select_n3A_61 = arith.select %broadcast_in_dim3A_59, %div3A_56, %broadcast_in_dim3A_60 : vector<1024x16xi1>, vector<1024x16xf32>
    %get3A_62 = arith.constant 0 : index
    %get3A_63 = arith.constant 32 : index
    %get3A_64 = vector.load %arg3[%get3A_62, %get3A_63] : memref<1024x48xf32, #tpu.memory_space<vmem>>, vector<1024x16xf32>
    %add3A_65 = arith.addf %select_n3A_61, %get3A_64 : vector<1024x16xf32>
    %get3A_66 = arith.constant 0 : index
    %get3A_67 = arith.constant 32 : index
    %get3A_68 = vector.load %arg4[%get3A_66, %get3A_67] : memref<1x48xf32, #tpu.memory_space<vmem>>, vector<1x16xf32>
    %add3A_69 = vector.broadcast %get3A_68 : vector<1x16xf32> to vector<1024x16xf32>
    %add3A_70 = arith.addf %add3A_65, %add3A_69 : vector<1024x16xf32>
    %swap3A_71 = arith.constant 0 : index
    %swap3A_72 = arith.constant 0 : index
    %swap3A_73 = vector.load %arg7[%swap3A_71, %swap3A_72] : memref<1024x16xf32, #tpu.memory_space<vmem>>, vector<1024x16xf32>
    tpu.vector_store %arg7[%swap3A_71, %swap3A_72], %add3A_70 {strides = array<i32>} : memref<1024x16xf32, #tpu.memory_space<vmem>>, vector<1024x16xf32>,
    return
  }
  func.func @transform_0(%arg0: i32) -> (i32, i32, i32) {
    %c0_i32 = arith.constant 0 : i32
    %c0_i32_0 = arith.constant 0 : i32
    %c0_i32_1 = arith.constant 0 : i32
    return %c0_i32, %arg0, %c0_i32_0 : i32, i32, i32
  }
  func.func @transform_1(%arg0: i32) -> (i32, i32, i32) {
    %c1_i32 = arith.constant 1 : i32
    %c0_i32 = arith.constant 0 : i32
    %c0_i32_0 = arith.constant 0 : i32
    return %c1_i32, %arg0, %c0_i32 : i32, i32, i32
  }
  func.func @transform_2(%arg0: i32) -> (i32, i32) {
    %c0_i32 = arith.constant 0 : i32
    %c0_i32_0 = arith.constant 0 : i32
    return %arg0, %c0_i32 : i32, i32
  }
  func.func @transform_3(%arg0: i32) -> (i32, i32) {
    %c0_i32 = arith.constant 0 : i32
    %c0_i32_0 = arith.constant 0 : i32
    %c0_i32_1 = arith.constant 0 : i32
    return %c0_i32, %c0_i32_0 : i32, i32
  }
  func.func @transform_4(%arg0: i32) -> (i32, i32) {
    %c0_i32 = arith.constant 0 : i32
    %c0_i32_0 = arith.constant 0 : i32
    return %arg0, %c0_i32 : i32, i32
  }
  func.func @transform_5(%arg0: i32) -> (i32, i32) {
    %c0_i32 = arith.constant 0 : i32
    %c0_i32_0 = arith.constant 0 : i32
    return %arg0, %c0_i32 : i32, i32
  }
  func.func @transform_6(%arg0: i32) -> (i32, i32) {
    %c0_i32 = arith.constant 0 : i32
    %c0_i32_0 = arith.constant 0 : i32
    return %arg0, %c0_i32 : i32, i32
  }
}

</mosaic_0001>

<sc_bundles>
// kernel: kernel.5.cloned.1.call-start
scs
__scs_entry_jumppad:
0x0: {  	(pc) =	sbr.rel $0x88, $3  }
0x1: {  	(tag) =	ssettag $0x0;
	lr =	simm.s32 $0x1  }
0x2: {  	[smem:$0x3F9A] =	sst lr;
	_ =	strace $0xD0000000  }
0x3: {  	_ = 	snop  }
0x4: {  	_ = 	snop  }
0x5: {  	_ = 	snop  }
0x6: {  	_ = 	snop  }
0x7: {  	_ = 	snop  }
__scs_overlays_trampoline_lowered:
0x8: {  	[smem:$0x3FA9] =	sst s0  }
0x9: {  	[smem:$0x3FAA] =	sst s1  }
0xa: {  	[smem:$0x3FAB] =	sst s2  }
0xb: {  	[smem:$0x3FAC] =	sst s3  }
0xc: {  	[smem:$0x3FAD] =	sst s4  }
0xd: {  	[smem:$0x3FAE] =	sst s5  }
0xe: {  	[smem:$0x3FAF] =	sst s6  }
0xf: {  	[smem:$0x3FB0] =	sst s7  }
0x10: {  	[smem:$0x3FB1] =	sst s8  }
0x11: {  	[smem:$0x3FB2] =	sst s9;
	s0 =	simm.s32 @!p0 $0x0  }
0x12: {  	s1 =	sld [smem:$0x3F98];
	s0 =	simm.s32 @p0 $0x1  }
0x13: {  	[smem:$0x3FB3] =	sst s0;
	s0 =	simm.s32 @!p1 $0x0  }
0x14: {  	s2 =	sld [smem:$0x3F97];
	s0 =	simm.s32 @p1 $0x1  }
0x15: {  	[smem:$0x3FB4] =	sst s0;
	s0 =	simm.s32 @!p2 $0x0  }
0x16: {  	s3 =	sld [smem:$0x3FDB];
	s0 =	simm.s32 @p2 $0x1  }
0x17: {  	s4 =	simm.s32 $0x1BF5;
	[smem:$0x3FB6] =	sst s0  }
0x18: {  	s0 =	sld [smem:$0x3F99];
	_ =	swait.ge [sflag:s4], $0x0  }
0x19: {  	s7 =	sld [smem:$0x3F9A]  }
0x1a: {  	s8 =	sadd.s32 $0xFFFFE003, lr  }
0x1b: {  	s9 =	sadd.s32 $0xFFFFFEF7, lr;
	s5 =	simm.s32 $0xFFFFFFFF;
	p2 =	slt.u32 s8, $0xFFFFF086  }
0x1c: {  	p1 =	slt.u32 s9, $0xF7A;
	s5 =	simm.s32 @!p2 $0x0  }
0x1d: {  	s5 =	simm.s32 @p1 $0x1;
	p0 =	seq.s32 s7, s2  }
0x1e: {  	s7 =	smul.u32 @!p0 $0xF7A, s2;
	p2 =	seq.s32 @!p0 s5, $0x0  }
0x1f: {  	s9 =	smul.u32 $0xF7A, s1;
	s8 =	simm.s32 @!p0 $0x1BF5;
	p2 =	por !p2, p0  }
0x20: {  	[sflag:s8] =	ssyncset.s32 @!p0 $0xFFFFF086;
	s6 =	sadd.s32 @!p0 s3, s7;
	s7 =	simm.s32 @!p0 $0x108  }
0x21: {  	s3 =	sadd.s32 s3, s9;
	s6 =	sadd.s32 @!p0 $0x88, s6;
	s7 =	simm.s32 @p2 $0x1082  }
0x22: {  	[simem:s7], [sflag:s8] =	dma.local @!p0 [hbm:s6], $0xF7A  }
0x23: {  	s9 =	sor.u32 $0xD0000000, s2;
	s6 =	simm.s32 $0x108;
	_ =	swait.ge @!p0 [sflag:s8], $0x0  }
0x24: {  	s3 =	sadd.s32 $0x88, s3;
	s6 =	simm.s32 @!p1 $0x1082;
	[sflag:s4] =	ssyncset.s32 $0xFFFFF086  }
0x25: {  	[simem:s6], [sflag:s4] =	dma.local [hbm:s3], $0xF7A  }
0x26: {  	[smem:$0x3F9A] =	sst s1;
	(tag) =	ssettag s2;
	_ =	strace s9  }
0x27: {  	s1 =	sld [smem:$0x3FAA]  }
0x28: {  	s2 =	sld [smem:$0x3FAB]  }
0x29: {  	s4 =	sld [smem:$0x3FAD]  }
0x2a: {  	p0 =	seq.s32 s5, $0x0;
	s5 =	sld [smem:$0x3FAE]  }
0x2b: {  	s6 =	sld [smem:$0x3FAF]  }
0x2c: {  	s7 =	sld [smem:$0x3FB0]  }
0x2d: {  	s3 =	simm.s32 $0x108;
	s8 =	sld [smem:$0x3FB1]  }
0x2e: {  	s3 =	simm.s32 @!p0 $0x1082;
	s9 =	sld [smem:$0x3FB2]  }
0x2f: {  	lr =	sadd.s32 s0, s3;
	s0 =	sld [smem:$0x3FA9]  }
0x30: {  	s3 =	sld [smem:$0x3FAC]  }
0x31: {  	[smem:$0x3FB5] =	sst s10  }
0x32: {  	s10 =	sld [smem:$0x3FB3];
	_ =	sdelay $0x3  }
0x33: {  	p0 =	seq.s32 s10, $0x1;
	s10 =	sld [smem:$0x3FB5];
	_ =	sdelay $0x3  }
0x34: {  	[smem:$0x3FB5] =	sst s10  }
0x35: {  	s10 =	sld [smem:$0x3FB4];
	_ =	sdelay $0x3  }
0x36: {  	p1 =	seq.s32 s10, $0x1;
	s10 =	sld [smem:$0x3FB5];
	_ =	sdelay $0x3  }
0x37: {  	[smem:$0x3FB5] =	sst s10  }
0x38: {  	s10 =	sld [smem:$0x3FB6]  }
0x39: {  	_ = 	snop;
	(pc) =	sbr.ind lr, $3  }
0x3a: {  	_ = 	snop  }
0x3b: {  	_ = 	snop  }
0x3c: {  	p2 =	seq.s32 s10, $0x1;
	s10 =	sld [smem:$0x3FB5]  }
0x3d: {  	_ =	shalt  }
0x3e: {  	_ =	shalt  }
0x3f: {  	_ =	shalt  }
0x40: {  	_ =	shalt  }
0x41: {  	_ =	shalt  }
0x42: {  	_ =	shalt  }
0x43: {  	_ =	shalt  }
0x44: {  	_ =	shalt  }
0x45: {  	_ =	shalt  }
0x46: {  	_ =	shalt  }
0x47: {  	_ =	shalt  }
0x48: {  	_ =	shalt  }
0x49: {  	_ =	shalt  }
0x4a: {  	_ =	shalt  }
0x4b: {  	_ =	shalt  }
0x4c: {  	_ =	shalt  }
0x4d: {  	_ =	shalt  }
0x4e: {  	_ =	shalt  }
0x4f: {  	_ =	shalt  }
0x50: {  	_ =	shalt  }
0x51: {  	_ =	shalt  }
0x52: {  	_ =	shalt  }
0x53: {  	_ =	shalt  }
0x54: {  	_ =	shalt  }
0x55: {  	_ =	shalt  }
0x56: {  	_ =	shalt  }
0x57: {  	_ =	shalt  }
0x58: {  	_ =	shalt  }
0x59: {  	_ =	shalt  }
0x5a: {  	_ =	shalt  }
0x5b: {  	_ =	shalt  }
0x5c: {  	_ =	shalt  }
0x5d: {  	_ =	shalt  }
0x5e: {  	_ =	shalt  }
0x5f: {  	_ =	shalt  }
0x60: {  	_ =	shalt  }
0x61: {  	_ =	shalt  }
0x62: {  	_ =	shalt  }
0x63: {  	_ =	shalt  }
0x64: {  	_ =	shalt  }
0x65: {  	_ =	shalt  }
0x66: {  	_ =	shalt  }
0x67: {  	_ =	shalt  }
0x68: {  	_ =	shalt  }
0x69: {  	_ =	shalt  }
0x6a: {  	_ =	shalt  }
0x6b: {  	_ =	shalt  }
0x6c: {  	_ =	shalt  }
0x6d: {  	_ =	shalt  }
0x6e: {  	_ =	shalt  }
0x6f: {  	_ =	shalt  }
0x70: {  	_ =	shalt  }
0x71: {  	_ =	shalt  }
0x72: {  	_ =	shalt  }
0x73: {  	_ =	shalt  }
0x74: {  	_ =	shalt  }
0x75: {  	_ =	shalt  }
0x76: {  	_ =	shalt  }
0x77: {  	_ =	shalt  }
0x78: {  	_ =	shalt  }
0x79: {  	_ =	shalt  }
0x7a: {  	_ =	shalt  }
0x7b: {  	_ =	shalt  }
0x7c: {  	_ =	shalt  }
0x7d: {  	_ =	shalt  }
0x7e: {  	_ =	shalt  }
0x7f: {  	_ =	shalt  }
0x80: {  	_ =	shalt  }
0x81: {  	_ =	shalt  }
0x82: {  	_ =	shalt  }
0x83: {  	_ =	shalt  }
0x84: {  	_ =	shalt  }
0x85: {  	_ =	shalt  }
0x86: {  	_ =	shalt  }
0x87: {  	_ =	shalt  }
.Lfunc_end0:
.L_simem_size_0:
called_computation_lowered:
.L_overlay_start_0:
0x88: {  	s2 =	sld [smem:$0x3FD9]  }
0x89: {  	s3 =	sld [smem:$0x3FFE];
	_ =	sdelay $0x1  }
0x8a: {  	s1 =	srdreg.scid  }
0x8b: {  	s0 =	sand.u32 $0x1, s1  }
0x8c: {  	s14 =	sshll.u32 s0, $0xA;
	s2 =	sadd.s32 s3, s2  }
0x8d: {  	s2 =	sadd.s32 s2, s14  }
0x8e: {  	[smem:$0x3FC1] =	sst s2  }
0x8f: {  	_ = 	snop  }
0x90: {  	s2 =	sld [smem:$0x3FD0];
	_ =	sdelay $0x2  }
0x91: {  	s15 =	simm.s32 $0xA;
	s4 =	simm.s32 $0x10  }
0x92: {  	[smem:s4], [sflag:s15] =	dma.local [hbm:s2], $0x1  }
0x93: {  	_ =	swait.eq [sflag:s15], $0x1  }
0x94: {  	s16 =	sld [smem:$0x10];
	[sflag:s15] =	ssyncset.done $0x0  }
0x95: {  	s17 =	sld [smem:$0x11];
	[sflag:s15] =	ssyncadd.s32 $0xFFFFFFFF  }
0x96: {  	s18 =	sld [smem:$0x12];
	(tm) =	ssettm $0x1  }
0x97: {  	s5 =	sld [smem:$0x3FFB];
	_ =	sdelay $0x3  }
0x98: {  	_ =	strace s5  }
0x99: {  	s5 =	sld [smem:$0x3FFC];
	_ =	sdelay $0x3  }
0x9a: {  	_ =	strace s5  }
0x9b: {  	s5 =	sld [smem:$0x3FFD];
	_ =	sdelay $0x3  }
0x9c: {  	_ =	strace s5  }
0x9d: {  	_ =	strace $0x8FFFFFFF  }
0x9e: {  	s19 =	sld [smem:$0x3FDB];
	_ =	sdelay $0x1  }
0x9f: {  	s6 =	simm.s32 $_scs_section_size  }
0xa0: {  	s7 =	simm.s32 $_size__tile_overlayer_lowered;
	s8 =	simm.s32 $_tile_overlayer_lowered  }
0xa1: {  	s22 =	simm.s32 $0x1BFF;
	s21 =	sshll.u32 s8, $0x1;
	s5 =	sadd.s32 s6, s19  }
0xa2: {  	s9 =	simm.s32 $0x0;
	s20 =	sshll.u32 s7, $0x1;
	s7 =	sadd.s32 s21, s5  }
0xa3: {  	[timem:s9], [sflag:s22] =	dma.local [hbm:s7], s20  }
0xa4: {  	_ =	swait.ge [sflag:s22], s20  }
0xa5: {  	s6 =	ssub.s32 $0x0, s20;
	[sflag:s22] =	ssyncset.done $0x0  }
0xa6: {  	[sflag:s22] =	ssyncadd.s32 s6;
	_ =	sdelay $0x1  }
0xa7: {  	s23 =	simm.s32 $0x1B8B  }
0xa8: {  	_ =	swait.ge [sflag:s23], $0x1  }
0xa9: {  	[sflag:s23] =	ssyncset.done $0x0  }
0xaa: {  	s25 =	simm.s32 $0x1B8E;
	s24 =	sld [smem:$0x3FFE];
	[sflag:s23] =	ssyncadd.s32 $0xFFFFFFFF  }
0xab: {  	s26 =	simm.s32 $execute0_lowered;
	[smem:$0x3FD2] =	sst s25  }
0xac: {  	s7 =	sshll.u32 s26, $0x1;
	_ =	strace $0x80000046;
	[dreg:$0x1] =	wrdreg $0xFFFFFFFF  }
0xad: {  	s28 =	simm.s32 $_size_execute0_lowered;
	s5 =	sadd.s32 s5, s7;
	[dreg:$0x0] =	wrdreg $0x0  }
0xae: {  	s7 =	sshll.u32 s28, $0x1;
	[dreg:$0x2] =	wrdreg s5  }
0xaf: {  	[dreg:$0x3] =	wrdreg s7  }
0xb0: {  	[dreg:$0x4] =	wrdreg $0xC0  }
0xb1: {  	_ =	task [dreg:s9], $0x5FFFF  }
0xb2: {  	[dreg:$0x1] =	wrdreg $0xFFFFFFFF  }
0xb3: {  	[dreg:$0x0] =	wrdreg $0x60  }
0xb4: {  	[dreg:$0x2] =	wrdreg s24  }
0xb5: {  	[dreg:$0x3] =	wrdreg s16  }
0xb6: {  	[dreg:$0x4] =	wrdreg s17  }
0xb7: {  	[dreg:$0x5] =	wrdreg s18  }
0xb8: {  	[dreg:$0x6] =	wrdreg $0x87000  }
0xb9: {  	[dreg:$0x7] =	wrdreg $0x7F800  }
0xba: {  	[dreg:$0x8] =	wrdreg $0x82000  }
0xbb: {  	[dreg:$0x9] =	wrdreg $0x84800  }
0xbc: {  	[dreg:$0xa] =	wrdreg $0x9  }
0xbd: {  	_ =	task.clear_ibuf [dreg:s9], $0xBFFFF;
	_ =	strace $0x90000046  }
0xbe: {  	s29 =	simm.s32 $0x9;
	_ =	strace $0x80000048  }
0xbf: {  	_ =	swait.ge [sflag:s29], $0x1  }
0xc0: {  	[sflag:s29] =	ssyncadd.s32 $0xFFFFFFFF  }
0xc1: {  	_ =	strace $0x90000048  }
0xc2: {  	_ =	sfence  }
0xc3: {  	s30 =	sld [smem:$0x0];
	_ =	sdelay $0x2  }
0xc4: {  	s31 =	sshll.u32 s1, $0xD;
	s1 =	sshrl.u32 s1, $0x2  }
0xc5: {  	s3 =	sand.u32 $0x4000, s31;
	s1 =	sadd.s32 s1, s30  }
0xc6: {  	s0 =	sor.u32 s3, s0;
	s1 =	sshll.u32 s1, $0x11  }
0xc7: {  	s0 =	sor.u32 s1, s0  }
0xc8: {  	s0 =	sadd.s32 $0x8F2B, s0  }
0xc9: {  	[sflag:s0] =	ssyncadd.remote.s32 $0x1  }
0xca: {  	_ =	sfence.sel $0xFFFF  }
0xcb: {  	[dreg:$0x0] =	wrdreg $0xFFFFFFFF;
	(pc) =	sbr.abs _section_cstart, $3  }
0xcc: {  	[dreg:$0x1] =	wrdreg $0xFFFFFFFF  }
0xcd: {  	_ =	task.clear_ibuf [dreg:s9], $0x2FFFF;
	_ =	strace $0x9FFFFFFF  }
0xce: {  	(tm) =	ssettm $0x7FFFFFFF  }
0xcf: {  	_ =	shalt  }
tec
execute0_lowered:
.L_overlay_start_1:
0x0: {  	(tag) =	ssettag $0x1  }
0x1: {  	s16 =	rddreg [dreg:$0x0]  }
0x2: {  	s0 =	rddreg [dreg:$0x1]  }
0x3: {  	s1 =	rddreg [dreg:$0x2]  }
0x4: {  	s6 =	rddreg [dreg:$0x3]  }
0x5: {  	s2 =	rddreg [dreg:$0x4]  }
0x6: {  	s3 =	rddreg [dreg:$0x5]  }
0x7: {  	s4 =	rddreg [dreg:$0x6]  }
0x8: {  	s5 =	rddreg [dreg:$0x7]  }
0x9: {  	s7 =	srdreg.scid;
	s8 =	simm.s32 $0x0;
	s14 =	stileid.u32  }
0xa: {  	s7 =	sand.u32 $0x1, s7;
	[smem:$0x7FF] =	sst s8;
	s10 =	smul.u32 $0x14000, s14  }
0xb: {  	s8 =	sadd.s32 $0x9E00, s16;
	s12 =	smul.u32 $0x280, s14;
	s21 =	sshll.u32 s14, $0x6  }
0xc: {  	s9 =	smul.u32 $0x140000, s7;
	_ =	strace $0x80000047;
	s20 =	ssub.s32 $0x2, s7  }
0xd: {  	s7 =	sshll.u32 s7, $0x4;
	s18 =	sor.u32 $0x1C0A, s21;
	s11 =	sshrl.u32 s20, $0x1  }
0xe: {  	s7 =	sor.u32 s14, s7;
	s13 =	sshrl.u32 s12, $0x3;
	s14 =	smul.u32 $0x50000, s14  }
0xf: {  	[dreg:$0xa] =	wrdreg s18;
	s9 =	sadd.s32 s10, s9;
	s0 =	sadd.s32 s0, s13  }
0x10: {  	s10 =	ssub.s32 s20, s11;
	s1 =	sadd.s32 s1, s13;
	[dreg:$0x9] =	wrdreg s0  }
0x11: {  	s22 =	smul.u32 $0xA, s7;
	s6 =	sadd.s32 s6, s13;
	[dreg:$0xb] =	wrdreg s1  }
0x12: {  	s11 =	sadd.s32 s12, s3;
	s21 =	sor.u32 $0x60, s7;
	[dreg:$0xc] =	wrdreg s6  }
0x13: {  	s0 =	sadd.s32 s12, s4;
	[dreg:$0x14] =	wrdreg s21;
	s25 =	sadd.s32 s8, s22  }
0x14: {  	s1 =	sadd.s32 s12, s5;
	s12 =	sadd.s32 s16, s22;
	[dreg:$0xe] =	wrdreg s25  }
0x15: {  	s15 =	smul.u32 $0x50, s7;
	s22 =	sor.u32 $0x80, s7;
	[dreg:$0xf] =	wrdreg s12  }
0x16: {  	s9 =	sshrl.u32 s9, $0x3;
	s7 =	sor.u32 $0xA0, s7;
	[dreg:$0x15] =	wrdreg s22  }
0x17: {  	s23 =	sshrl.u32 s14, $0x2;
	s0 =	sshrl.u32 s0, $0x3;
	[dreg:$0x16] =	wrdreg s7  }
0x18: {  	s9 =	sadd.s32 s9, s16;
	s20 =	sadd.s32 s23, s2;
	[dreg:$0x1e] =	wrdreg s0  }
0x19: {  	s13 =	sadd.s32 $0x3BC00, s9;
	[dreg:$0xd] =	wrdreg s20  }
0x1a: {  	s24 =	sshrl.u32 s15, $0x3;
	s21 =	sadd.s32 $0x5000, s20;
	[dreg:$0x1b] =	wrdreg s13  }
0x1b: {  	s26 =	sadd.s32 $0x140, s24;
	s22 =	sadd.s32 $0x7800, s20;
	[smem:$0x7F8] =	sst s21  }
0x1c: {  	s14 =	sadd.s32 s8, s26;
	[smem:$0x7F9] =	sst s22  }
0x1d: {  	s15 =	sadd.s32 $0x280, s24;
	s6 =	sadd.s32 s16, s26;
	[dreg:$0x10] =	wrdreg s14  }
0x1e: {  	s17 =	sadd.s32 s8, s15;
	[dreg:$0x11] =	wrdreg s6  }
0x1f: {  	s23 =	sadd.s32 $0x99C0, s24;
	s19 =	sadd.s32 s16, s15;
	[dreg:$0x12] =	wrdreg s17  }
0x20: {  	s24 =	sadd.s32 $0x9B00, s24;
	s25 =	sadd.s32 s8, s23;
	[dreg:$0x13] =	wrdreg s19  }
0x21: {  	s28 =	simm.s32 $0x2B00;
	s26 =	sadd.s32 s8, s24;
	[dreg:$0x17] =	wrdreg s25  }
0x22: {  	s29 =	simm.s32 $0x6;
	s12 =	sadd.s32 s16, s24;
	[dreg:$0x19] =	wrdreg s26  }
0x23: {  	s30 =	simm.s32 $0x2B80;
	s15 =	sshrl.u32 s11, $0x3;
	[dreg:$0x1a] =	wrdreg s12  }
0x24: {  	s31 =	simm.s32 $0x5;
	s24 =	sadd.s32 $0xC800, s20;
	[dreg:$0x1d] =	wrdreg s15  }
0x25: {  	s7 =	simm.s32 $0x0;
	s6 =	sadd.s32 s16, s23;
	[smem:$0x7FB] =	sst s24  }
0x26: {  	s11 =	simm.s32 $0x1;
	s14 =	smax.u32 s10, $0x1;
	[dreg:$0x18] =	wrdreg s6  }
0x27: {  	s13 =	simm.s32 $0x2;
	s17 =	sshrl.u32 s1, $0x3;
	[dreg:$0x1c] =	wrdreg s14  }
0x28: {  	s19 =	sadd.s32 $0x2800, s20;
	s23 =	sadd.s32 $0xA000, s20;
	[dreg:$0x1f] =	wrdreg s17  }
0x29: {  	s25 =	sadd.s32 $0xF000, s20;
	s26 =	sadd.s32 $0x11800, s20;
	[smem:$0x7F7] =	sst s19  }
0x2a: {  	s12 =	simm.s32 $0xA;
	s24 =	simm.s32 $0x3;
	[smem:$0x7FA] =	sst s23  }
0x2b: {  	s15 =	simm.s32 $0x9;
	s10 =	simm.s32 $0x7;
	[smem:$0x7FC] =	sst s25  }
0x2c: {  	s1 =	simm.s32 $0x8;
	s6 =	sadd.s32 $0x13C00, s16;
	[smem:$0x7FD] =	sst s26  }
0x2d: {  	v1 =	vlaneseq.u32;
	v0 =	vimm.f32 $0.0e+00;
	v2 =	vimm.s32 $0x0;
	s19 =	simm.s32 $0x100;
	s23 =	simm.s32 $0x80;
	s25 =	simm.s32 $0x50  }
0x2e: {  	v3 =	vimm.s32 $0x1;
	v4 =	vimm.s32 $0x2;
	v1 =	vmul.u32 $0x80, v1;
	s14 =	simm.s32 $0x5580;
	s16 =	simm.s32 $0x5600;
	s17 =	simm.s32 $0x4  }
.LBB2_1:
0x2f: {  	[smem:$0x7F6] =	sst s7  }
0x30: {  	s0 =	rddreg [dreg:$0x9]  }
0x31: {  	s26 =	rddreg [dreg:$0x1d]  }
0x32: {  	[spmem:s26], [sflag:s18] =	dma.local [hbm:s0], $0x50  }
0x33: {  	_ =	swait.ge [sflag:s12], $0x50  }
0x34: {  	[sflag:s12] =	ssyncset.done $0x0;
	s9 =	rddreg [dreg:$0xb]  }
0x35: {  	s21 =	rddreg [dreg:$0x1e];
	[sflag:s12] =	ssyncadd.s32 $0xFFFFFFB0  }
0x36: {  	[spmem:s21], [sflag:s18] =	dma.local [hbm:s9], $0x50  }
0x37: {  	_ =	swait.ge [sflag:s12], $0x50  }
0x38: {  	[sflag:s12] =	ssyncset.done $0x0;
	s22 =	rddreg [dreg:$0xc]  }
0x39: {  	s26 =	rddreg [dreg:$0x1f];
	[sflag:s12] =	ssyncadd.s32 $0xFFFFFFB0  }
0x3a: {  	[spmem:s26], [sflag:s18] =	dma.local [hbm:s22], $0x50  }
0x3b: {  	_ =	swait.ge [sflag:s12], $0x50  }
0x3c: {  	[sflag:s12] =	ssyncset.done $0x0  }
0x3d: {  	s7 =	simm.s32 $0x0;
	s9 =	simm.s32 $0x200;
	[sflag:s12] =	ssyncadd.s32 $0xFFFFFFB0  }
.LBB2_2:
0x3e: {  	p0 =	sne.s32 s9, $0x9E00;
	[tilespmem:s7+$0x170] =	vst v0  }
0x3f: {  	[tilespmem:s7+$0x100] =	vst v0  }
0x40: {  	[tilespmem:s7+$0x110] =	vst v0  }
.Ltmp0:
0x41: {  	[tilespmem:s7+$0x120] =	vst v0;
	(pc) =	sbr.rel @p0 .LBB2_2-.Ltmp0, $4  }
0x42: {  	[tilespmem:s7+$0x130] =	vst v0  }
0x43: {  	[tilespmem:s7+$0x140] =	vst v0  }
0x44: {  	[tilespmem:s7+$0x150] =	vst v0  }
0x45: {  	[tilespmem:s7+$0x160] =	vst v0;
	s7 =	sshra.s32 s9, $0x2;
	s9 =	sadd.s32 $0x200, s9  }
0x46: {  	[tilespmem:s7+$0x170] =	vst v0  }
0x47: {  	[tilespmem:s7+$0x100] =	vst v0  }
0x48: {  	[tilespmem:s7+$0x110] =	vst v0  }
0x49: {  	[tilespmem:s7+$0x120] =	vst v0  }
0x4a: {  	[tilespmem:s7+$0x130] =	vst v0  }
0x4b: {  	[tilespmem:s7+$0x140] =	vst v0  }
0x4c: {  	[tilespmem:s7+$0x150] =	vst v0  }
0x4d: {  	[tilespmem:s7+$0x160] =	vst v0  }
0x4e: {  	[spmem:s20] =	stream.linear.scatter [tilespmem:s19], [sflag:$0xA], $0x2800, $0x38;
	[tilespmem:$0x1C700] =	vst v63  }
0x4f: {  	_ =	swait.ge [sflag:s12], $0x2800  }
0x50: {  	s0 =	sld [smem:$0x7F7]  }
0x51: {  	[sflag:s12] =	ssyncset.done $0x0  }
0x52: {  	[sflag:s12] =	ssyncadd.s32 $0xFFFFD800  }
0x53: {  	[spmem:s0] =	stream.linear.scatter [tilespmem:s19], [sflag:$0xA], $0x2800, $0x38;
	[tilespmem:$0x1C700] =	vst v63  }
0x54: {  	_ =	swait.ge [sflag:s12], $0x2800  }
0x55: {  	s21 =	sld [smem:$0x7F8]  }
0x56: {  	[sflag:s12] =	ssyncset.done $0x0  }
0x57: {  	[sflag:s12] =	ssyncadd.s32 $0xFFFFD800  }
0x58: {  	[spmem:s21] =	stream.linear.scatter [tilespmem:s19], [sflag:$0xA], $0x2800, $0x38;
	[tilespmem:$0x1C700] =	vst v63  }
0x59: {  	_ =	swait.ge [sflag:s12], $0x2800  }
0x5a: {  	s22 =	sld [smem:$0x7F9]  }
0x5b: {  	[sflag:s12] =	ssyncset.done $0x0  }
0x5c: {  	[sflag:s12] =	ssyncadd.s32 $0xFFFFD800  }
0x5d: {  	[spmem:s22] =	stream.linear.scatter [tilespmem:s19], [sflag:$0xA], $0x2800, $0x38;
	[tilespmem:$0x1C700] =	vst v63  }
0x5e: {  	_ =	swait.ge [sflag:s12], $0x2800  }
0x5f: {  	s26 =	sld [smem:$0x7FA]  }
0x60: {  	[sflag:s12] =	ssyncset.done $0x0  }
0x61: {  	[sflag:s12] =	ssyncadd.s32 $0xFFFFD800  }
0x62: {  	[spmem:s26] =	stream.linear.scatter [tilespmem:s19], [sflag:$0xA], $0x2800, $0x38;
	[tilespmem:$0x1C700] =	vst v63  }
0x63: {  	_ =	swait.ge [sflag:s12], $0x2800  }
0x64: {  	s7 =	sld [smem:$0x7FB]  }
0x65: {  	[sflag:s12] =	ssyncset.done $0x0  }
0x66: {  	[sflag:s12] =	ssyncadd.s32 $0xFFFFD800  }
0x67: {  	[spmem:s7] =	stream.linear.scatter [tilespmem:s19], [sflag:$0xA], $0x2800, $0x38;
	[tilespmem:$0x1C700] =	vst v63  }
0x68: {  	_ =	swait.ge [sflag:s12], $0x2800  }
0x69: {  	s9 =	sld [smem:$0x7FC]  }
0x6a: {  	[sflag:s12] =	ssyncset.done $0x0  }
0x6b: {  	[sflag:s12] =	ssyncadd.s32 $0xFFFFD800  }
0x6c: {  	[spmem:s9] =	stream.linear.scatter [tilespmem:s19], [sflag:$0xA], $0x2800, $0x38;
	[tilespmem:$0x1C700] =	vst v63  }
0x6d: {  	_ =	swait.ge [sflag:s12], $0x2800  }
0x6e: {  	s18 =	sld [smem:$0x7FD]  }
0x6f: {  	[sflag:s12] =	ssyncset.done $0x0  }
0x70: {  	[sflag:s12] =	ssyncadd.s32 $0xFFFFD800  }
0x71: {  	[spmem:s18] =	stream.linear.scatter [tilespmem:s19], [sflag:$0xA], $0x2800, $0x38;
	[tilespmem:$0x1C700] =	vst v63  }
0x72: {  	_ =	swait.ge [sflag:s12], $0x2800  }
0x73: {  	[sflag:s12] =	ssyncset.done $0x0  }
0x74: {  	[sflag:s12] =	ssyncadd.s32 $0xFFFFD800  }
0x75: {  	[bflag:$0x0] =	sbarrier.arrive $0xFFFF  }
0x76: {  	s0 =	simm.s32 $0x0;
	s20 =	rddreg [dreg:$0xe]  }
0x77: {  	[tilespmem:s0], [sflag:$0x3] =	stream.linear.gather [hbm4b:s20+s0], $0x50, $0x38;
	[tilespmem:$0x1C700] =	vst v63  }
0x78: {  	s21 =	rddreg [dreg:$0xf]  }
0x79: {  	[tilespmem:s23], [sflag:$0x3] =	stream.linear.gather [hbm4b:s21+s0], $0x50, $0x38;
	[tilespmem:$0x1C700] =	vst v63  }
0x7a: {  	_ =	swait.ge [sflag:s24], $0x50  }
0x7b: {  	[sflag:s24] =	ssyncset.done $0x0  }
0x7c: {  	[sflag:s24] =	ssyncadd.s32 $0xFFFFFFB0  }
0x7d: {  	_ =	swait.ge [sflag:s24], $0x50  }
0x7e: {  	[sflag:s24] =	ssyncset.done $0x0  }
0x7f: {  	[sflag:s24] =	ssyncadd.s32 $0xFFFFFFB0  }
0x80: {  	[tilespmem:s19], [sflag:$0x1] =	stream.indirect.gather [hbm4b:s6+s25], $0x80, s0, s25, $0xb8;
	[tilespmem:$0x1C700] =	vst v63  }
0x81: {  	s9 =	simm.s32 $0x2900  }
0x82: {  	[tilespmem:s9], [sflag:$0x3] =	stream.indirect.gather [spmem:s3], $0x1, s23, s25, $0xb8;
	[tilespmem:$0x1C700] =	vst v63  }
0x83: {  	s7 =	simm.s32 $0x2980  }
0x84: {  	[tilespmem:s7], [sflag:$0x3] =	stream.indirect.gather [spmem:s4], $0x1, s23, s25, $0xb8;
	[tilespmem:$0x1C700] =	vst v63  }
0x85: {  	s12 =	simm.s32 $0x2A00  }
0x86: {  	[tilespmem:s12], [sflag:$0x3] =	stream.indirect.gather [spmem:s5], $0x1, s23, s25, $0xb8;
	[tilespmem:$0x1C700] =	vst v63  }
0x87: {  	s22 =	simm.s32 $0x2A80;
	s18 =	rddreg [dreg:$0x10]  }
0x88: {  	[tilespmem:s22], [sflag:$0x6] =	stream.linear.gather [hbm4b:s18+s0], $0x50, $0x38;
	[tilespmem:$0x1C700] =	vst v63  }
0x89: {  	s26 =	rddreg [dreg:$0x11]  }
0x8a: {  	[tilespmem:s28], [sflag:$0x6] =	stream.linear.gather [hbm4b:s26+s0], $0x50, $0x38;
	[tilespmem:$0x1C700] =	vst v63  }
0x8b: {  	_ =	swait.ge [sflag:s29], $0x50  }
0x8c: {  	[sflag:s29] =	ssyncset.done $0x0  }
0x8d: {  	[sflag:s29] =	ssyncadd.s32 $0xFFFFFFB0  }
0x8e: {  	_ =	swait.ge [sflag:s29], $0x50  }
0x8f: {  	[sflag:s29] =	ssyncset.done $0x0  }
0x90: {  	[sflag:s29] =	ssyncadd.s32 $0xFFFFFFB0  }
0x91: {  	[tilespmem:s30], [sflag:$0x4] =	stream.indirect.gather [hbm4b:s6+s25], $0x80, s22, s25, $0xb8;
	[tilespmem:$0x1C700] =	vst v63  }
0x92: {  	s20 =	simm.s32 $0x5380  }
0x93: {  	[tilespmem:s20], [sflag:$0x6] =	stream.indirect.gather [spmem:s3], $0x1, s28, s25, $0xb8;
	[tilespmem:$0x1C700] =	vst v63  }
0x94: {  	s21 =	simm.s32 $0x5400  }
0x95: {  	[tilespmem:s21], [sflag:$0x6] =	stream.indirect.gather [spmem:s4], $0x1, s28, s25, $0xb8;
	[tilespmem:$0x1C700] =	vst v63  }
0x96: {  	s22 =	simm.s32 $0x5480  }
0x97: {  	[tilespmem:s22], [sflag:$0x6] =	stream.indirect.gather [spmem:s5], $0x1, s28, s25, $0xb8;
	[tilespmem:$0x1C700] =	vst v63  }
0x98: {  	_ =	swait.ge [sflag:s11], $0x2800  }
0x99: {  	[sflag:s11] =	ssyncset.done $0x0  }
0x9a: {  	[sflag:s11] =	ssyncadd.s32 $0xFFFFD800  }
0x9b: {  	_ =	swait.ge [sflag:s24], $0x50  }
0x9c: {  	v5 =	vmov s0;
	[sflag:s24] =	ssyncset.done $0x0  }
0x9d: {  	v5 =	vshll.u32 v5, $0x7;
	[sflag:s24] =	ssyncadd.s32 $0xFFFFFFB0  }
0x9e: {  	v5 =	vor.u32 v1, v5;
	_ =	swait.ge [sflag:s24], $0x50  }
0x9f: {  	v6 =	vor.u32 $0x30, v5;
	[sflag:s24] =	ssyncset.done $0x0  }
0xa0: {  	[sflag:s24] =	ssyncadd.s32 $0xFFFFFFB0  }
0xa1: {  	_ =	swait.ge [sflag:s24], $0x50  }
0xa2: {  	[sflag:s24] =	ssyncset.done $0x0  }
0xa3: {  	[sflag:s24] =	ssyncadd.s32 $0xFFFFFFB0  }
0xa4: {  	v7 =	vld.idx.msk [tilespmem:v6+s19+$0x0], $0xffff  }
0xa5: {  	v8 =	vld [tilespmem:s9+$0x0];
	_ =	sdelay $0x4  }
0xa6: {  	v7 =	vadd.f32 v8, v7;
	_ =	sdelay $0x1  }
0xa7: {  	v8 =	vmul.f32 $2.000000030e-01, v7;
	_ =	sdelay $0x1  }
0xa8: {  	v7 =	vmax.f32 v7, v8  }
0xa9: {  	v7 =	vmul.f32 $1.442695020e+00, v7;
	_ =	sdelay $0x1  }
0xaa: {  	(erf) = vpow2.f32 v7;
	_ =	sdelay $0x5  }
0xab: {  	v7 =	vor.u32 $0x31, v5;
	_ =	sdelay $0x2  }
0xac: {  	v8 =	vpop (erf)  }
0xad: {  	[tilespmem:v6+s19+$0x0] =	vst.idx.msk $0xffff, v8  }
0xae: {  	v6 =	vld.idx.msk [tilespmem:v7+s19+$0x0], $0xffff  }
0xaf: {  	v8 =	vld [tilespmem:s7+$0x0];
	_ =	sdelay $0x4  }
0xb0: {  	v6 =	vadd.f32 v8, v6;
	_ =	sdelay $0x1  }
0xb1: {  	v8 =	vmul.f32 $2.000000030e-01, v6;
	_ =	sdelay $0x1  }
0xb2: {  	v6 =	vmax.f32 v6, v8  }
0xb3: {  	v6 =	vmul.f32 $1.442695020e+00, v6;
	_ =	sdelay $0x1  }
0xb4: {  	(erf) = vpow2.f32 v6;
	_ =	sdelay $0x5  }
0xb5: {  	v6 =	vor.u32 $0x32, v5;
	_ =	sdelay $0x2  }
0xb6: {  	v5 =	vpop (erf)  }
0xb7: {  	[tilespmem:v7+s19+$0x0] =	vst.idx.msk $0xffff, v5  }
0xb8: {  	v5 =	vld.idx.msk [tilespmem:v6+s19+$0x0], $0xffff  }
0xb9: {  	v7 =	vld [tilespmem:s12+$0x0];
	_ =	sdelay $0x4  }
0xba: {  	v5 =	vadd.f32 v7, v5;
	_ =	sdelay $0x1  }
0xbb: {  	v7 =	vmul.f32 $2.000000030e-01, v5;
	_ =	sdelay $0x1  }
0xbc: {  	v5 =	vmax.f32 v5, v7  }
0xbd: {  	v5 =	vmul.f32 $1.442695020e+00, v5;
	_ =	sdelay $0x1  }
0xbe: {  	(erf) = vpow2.f32 v5;
	_ =	sdelay $0x2  }
0xbf: {  	s26 =	simm.s32 $0x10  }
0xc0: {  	v5 =	vmov s26  }
0xc1: {  	v5 =	vshll.u32 v5, $0x7  }
0xc2: {  	v5 =	vor.u32 v1, v5  }
0xc3: {  	v7 =	vor.u32 $0x30, v5;
	_ =	sdelay $0x1  }
0xc4: {  	s18 =	simm.s32 $0x2A10;
	s21 =	simm.s32 $0x20;
	v8 =	vpop (erf)  }
.LBB2_4:
0xc5: {  	s9 =	sadd.s32 $0x10, s9  }
0xc6: {  	[tilespmem:v6+s19+$0x0] =	vst.idx.msk $0xffff, v8;
	s7 =	sadd.s32 $0x10, s7;
	s12 =	smov.u32 s21;
	s20 =	sadd.s32 $0x10, s21  }
0xc7: {  	p0 =	sne.s32 s21, $0x40;
	v6 =	vld.idx.msk [tilespmem:v7+s19+$0x0], $0xffff  }
0xc8: {  	v8 =	vld [tilespmem:s9+$0x0];
	_ =	sdelay $0x4  }
0xc9: {  	v6 =	vadd.f32 v8, v6;
	_ =	sdelay $0x1  }
0xca: {  	v8 =	vmul.f32 $2.000000030e-01, v6;
	_ =	sdelay $0x1  }
0xcb: {  	v6 =	vmax.f32 v6, v8  }
0xcc: {  	v6 =	vmul.f32 $1.442695020e+00, v6;
	_ =	sdelay $0x1  }
0xcd: {  	(erf) = vpow2.f32 v6;
	_ =	sdelay $0x5  }
0xce: {  	v8 =	vor.u32 $0x31, v5;
	_ =	sdelay $0x2  }
0xcf: {  	v6 =	vpop (erf)  }
0xd0: {  	[tilespmem:v7+s19+$0x0] =	vst.idx.msk $0xffff, v6  }
0xd1: {  	v6 =	vld.idx.msk [tilespmem:v8+s19+$0x0], $0xffff  }
0xd2: {  	v7 =	vld [tilespmem:s7+$0x0];
	_ =	sdelay $0x4  }
0xd3: {  	v6 =	vadd.f32 v7, v6;
	_ =	sdelay $0x1  }
0xd4: {  	v7 =	vmul.f32 $2.000000030e-01, v6;
	_ =	sdelay $0x1  }
0xd5: {  	v6 =	vmax.f32 v6, v7  }
0xd6: {  	v6 =	vmul.f32 $1.442695020e+00, v6;
	_ =	sdelay $0x1  }
0xd7: {  	(erf) = vpow2.f32 v6;
	_ =	sdelay $0x5  }
0xd8: {  	v6 =	vor.u32 $0x32, v5;
	_ =	sdelay $0x2  }
0xd9: {  	v5 =	vpop (erf)  }
0xda: {  	[tilespmem:v8+s19+$0x0] =	vst.idx.msk $0xffff, v5  }
0xdb: {  	v5 =	vld.idx.msk [tilespmem:v6+s19+$0x0], $0xffff  }
0xdc: {  	v7 =	vld [tilespmem:s18+$0x0];
	_ =	sdelay $0x4  }
0xdd: {  	v5 =	vadd.f32 v7, v5;
	_ =	sdelay $0x1  }
0xde: {  	v7 =	vmul.f32 $2.000000030e-01, v5;
	_ =	sdelay $0x1  }
0xdf: {  	v5 =	vmax.f32 v5, v7  }
0xe0: {  	v5 =	vmul.f32 $1.442695020e+00, v5;
	_ =	sdelay $0x1  }
0xe1: {  	(erf) = vpow2.f32 v5;
	_ =	sdelay $0x2  }
0xe2: {  	v5 =	vmov s12  }
0xe3: {  	v5 =	vshll.u32 v5, $0x7  }
.Ltmp1:
0xe4: {  	v5 =	vor.u32 v1, v5;
	(pc) =	sbr.rel @p0 .LBB2_4-.Ltmp1, $2  }
0xe5: {  	v7 =	vor.u32 $0x30, v5;
	_ =	sdelay $0x2  }
0xe6: {  	s21 =	smov.u32 s20;
	s18 =	sadd.s32 $0x10, s18;
	v8 =	vpop (erf)  }
0xe7: {  	_ =	sdelay $0x3  }
0xe8: {  	[tilespmem:v6+s19+$0x0] =	vst.idx.msk $0xffff, v8  }
0xe9: {  	s0 =	sadd.s32 $0x10, s9;
	v6 =	vld.idx.msk [tilespmem:v7+s19+$0x0], $0xffff  }
0xea: {  	v8 =	vld [tilespmem:s0+$0x0];
	_ =	sdelay $0x4  }
0xeb: {  	v6 =	vadd.f32 v8, v6;
	_ =	sdelay $0x1  }
0xec: {  	v8 =	vmul.f32 $2.000000030e-01, v6;
	_ =	sdelay $0x1  }
0xed: {  	v6 =	vmax.f32 v6, v8  }
0xee: {  	v6 =	vmul.f32 $1.442695020e+00, v6;
	_ =	sdelay $0x1  }
0xef: {  	(erf) = vpow2.f32 v6;
	_ =	sdelay $0x5  }
0xf0: {  	v6 =	vor.u32 $0x31, v5;
	_ =	sdelay $0x2  }
0xf1: {  	v8 =	vpop (erf)  }
0xf2: {  	[tilespmem:v7+s19+$0x0] =	vst.idx.msk $0xffff, v8  }
0xf3: {  	s26 =	sadd.s32 $0x10, s7;
	v7 =	vld.idx.msk [tilespmem:v6+s19+$0x0], $0xffff  }
0xf4: {  	v8 =	vld [tilespmem:s26+$0x0];
	_ =	sdelay $0x4  }
0xf5: {  	v7 =	vadd.f32 v8, v7;
	_ =	sdelay $0x1  }
0xf6: {  	v8 =	vmul.f32 $2.000000030e-01, v7;
	_ =	sdelay $0x1  }
0xf7: {  	v7 =	vmax.f32 v7, v8  }
0xf8: {  	v7 =	vmul.f32 $1.442695020e+00, v7;
	_ =	sdelay $0x1  }
0xf9: {  	(erf) = vpow2.f32 v7;
	_ =	sdelay $0x5  }
0xfa: {  	v5 =	vor.u32 $0x32, v5;
	_ =	sdelay $0x2  }
0xfb: {  	v7 =	vpop (erf)  }
0xfc: {  	[tilespmem:v6+s19+$0x0] =	vst.idx.msk $0xffff, v7  }
0xfd: {  	v6 =	vld.idx.msk [tilespmem:v5+s19+$0x0], $0xffff  }
0xfe: {  	v7 =	vld [tilespmem:s18+$0x0];
	_ =	sdelay $0x4  }
0xff: {  	v6 =	vadd.f32 v7, v6;
	_ =	sdelay $0x1  }
0x100: {  	v7 =	vmul.f32 $2.000000030e-01, v6;
	_ =	sdelay $0x1  }
0x101: {  	v6 =	vmax.f32 v6, v7  }
0x102: {  	v6 =	vmul.f32 $1.442695020e+00, v6;
	_ =	sdelay $0x1  }
0x103: {  	(erf) = vpow2.f32 v6;
	_ =	sdelay $0x8  }
0x104: {  	v6 =	vpop (erf)  }
0x105: {  	s7 =	simm.s32 $0x0;
	[tilespmem:v5+s19+$0x0] =	vst.idx.msk $0xffff, v6  }
0x106: {  	v5 =	vld [tilespmem:s7+$0x130];
	_ =	sdelay $0x1  }
0x107: {  	v6 =	vld [tilespmem:s7+$0x100]  }
0x108: {  	v7 =	vld [tilespmem:s7+$0x110]  }
0x109: {  	v8 =	vld [tilespmem:s7+$0x120]  }
0x10a: {  	v9 =	vperm.xlane v5, v2  }
0x10b: {  	v10 =	vperm.xlane v5, v3  }
0x10c: {  	s9 =	simm.s32 $0x80;
	v11 =	vperm.xlane v5, v4;
	v9 =	vmul.f32 v6, v9  }
0x10d: {  	v5 =	vld [tilespmem:s9+$0x130];
	v6 =	vmul.f32 v7, v10  }
0x10e: {  	s12 =	simm.s32 $0x400;
	v7 =	vmul.f32 v8, v11;
	[tilespmem:s7+$0x100] =	vst v9  }
.LBB2_6:
0x10f: {  	p0 =	sne.s32 s12, $0x9E00;
	v8 =	vld [tilespmem:s9+$0x100];
	[tilespmem:s7+$0x110] =	vst v6  }
0x110: {  	v6 =	vld [tilespmem:s9+$0x110];
	[tilespmem:s7+$0x120] =	vst v7;
	s7 =	smov.u32 s9  }
0x111: {  	v7 =	vld [tilespmem:s7+$0x120]  }
.Ltmp2:
0x112: {  	v9 =	vperm.xlane v5, v2;
	(pc) =	sbr.rel @p0 .LBB2_6-.Ltmp2, $4  }
0x113: {  	v10 =	vperm.xlane v5, v3  }
0x114: {  	s9 =	sshra.s32 s12, $0x2;
	v8 =	vmul.f32 v8, v9;
	v9 =	vperm.xlane v5, v4  }
0x115: {  	v5 =	vld [tilespmem:s9+$0x130];
	v6 =	vmul.f32 v6, v10  }
0x116: {  	s12 =	sadd.s32 $0x200, s12;
	[tilespmem:s7+$0x100] =	vst v8;
	v7 =	vmul.f32 v7, v9  }
0x117: {  	v8 =	vld [tilespmem:s9+$0x100];
	[tilespmem:s7+$0x110] =	vst v6  }
0x118: {  	v6 =	vld [tilespmem:s9+$0x110];
	[tilespmem:s7+$0x120] =	vst v7  }
0x119: {  	v7 =	vld [tilespmem:s9+$0x120]  }
0x11a: {  	v9 =	vperm.xlane v5, v2  }
0x11b: {  	v10 =	vperm.xlane v5, v3  }
0x11c: {  	v5 =	vperm.xlane v5, v4;
	v8 =	vmul.f32 v8, v9  }
0x11d: {  	v6 =	vmul.f32 v6, v10  }
0x11e: {  	[tilespmem:s9+$0x100] =	vst v8;
	v5 =	vmul.f32 v7, v5  }
0x11f: {  	[tilespmem:s9+$0x110] =	vst v6  }
0x120: {  	[tilespmem:s9+$0x120] =	vst v5  }
0x121: {  	[spmem:s2] =	stream.indirect.scatter.add.f32 [tilespmem:s19], [sflag:$0x2], $0x80, s23, s25, $0xb8;
	[tilespmem:$0x1C700] =	vst v63  }
0x122: {  	s0 =	rddreg [dreg:$0x12];
	s18 =	simm.s32 $0x5500;
	s9 =	simm.s32 $0x0  }
0x123: {  	[tilespmem:s18], [sflag:$0x9] =	stream.linear.gather [hbm4b:s0+s9], $0x50, $0x38;
	[tilespmem:$0x1C700] =	vst v63  }
0x124: {  	s20 =	rddreg [dreg:$0x13]  }
0x125: {  	[tilespmem:s14], [sflag:$0x9] =	stream.linear.gather [hbm4b:s20+s9], $0x50, $0x38;
	[tilespmem:$0x1C700] =	vst v63  }
0x126: {  	_ =	swait.ge [sflag:s15], $0x50  }
0x127: {  	[sflag:s15] =	ssyncset.done $0x0  }
0x128: {  	[sflag:s15] =	ssyncadd.s32 $0xFFFFFFB0  }
0x129: {  	_ =	swait.ge [sflag:s15], $0x50  }
0x12a: {  	[sflag:s15] =	ssyncset.done $0x0  }
0x12b: {  	[sflag:s15] =	ssyncadd.s32 $0xFFFFFFB0  }
0x12c: {  	[tilespmem:s16], [sflag:$0x7] =	stream.indirect.gather [hbm4b:s6+s25], $0x80, s18, s25, $0xb8;
	[tilespmem:$0x1C700] =	vst v63  }
0x12d: {  	s21 =	simm.s32 $0x7E00  }
0x12e: {  	[tilespmem:s21], [sflag:$0x9] =	stream.indirect.gather [spmem:s3], $0x1, s14, s25, $0xb8;
	[tilespmem:$0x1C700] =	vst v63  }
0x12f: {  	s22 =	simm.s32 $0x7E80  }
0x130: {  	[tilespmem:s22], [sflag:$0x9] =	stream.indirect.gather [spmem:s4], $0x1, s14, s25, $0xb8;
	[tilespmem:$0x1C700] =	vst v63  }
0x131: {  	s26 =	simm.s32 $0x7F00;
	s18 =	simm.s32 $0x0  }
0x132: {  	[tilespmem:s26], [sflag:$0x9] =	stream.indirect.gather [spmem:s5], $0x1, s14, s25, $0xb8;
	[tilespmem:$0x1C700] =	vst v63  }
.LBB2_8:
0x133: {  	_ =	swait.ge [sflag:s17], $0x2800  }
0x134: {  	[sflag:s17] =	ssyncset.done $0x0  }
0x135: {  	[sflag:s17] =	ssyncadd.s32 $0xFFFFD800  }
0x136: {  	_ =	swait.ge [sflag:s29], $0x50  }
0x137: {  	v5 =	vmov s9;
	[sflag:s29] =	ssyncset.done $0x0  }
0x138: {  	v5 =	vshll.u32 v5, $0x7;
	[sflag:s29] =	ssyncadd.s32 $0xFFFFFFB0  }
0x139: {  	v5 =	vor.u32 v1, v5;
	_ =	swait.ge [sflag:s29], $0x50  }
0x13a: {  	v6 =	vor.u32 $0x30, v5;
	[sflag:s29] =	ssyncset.done $0x0  }
0x13b: {  	[sflag:s29] =	ssyncadd.s32 $0xFFFFFFB0  }
0x13c: {  	_ =	swait.ge [sflag:s29], $0x50  }
0x13d: {  	[sflag:s29] =	ssyncset.done $0x0  }
0x13e: {  	[sflag:s29] =	ssyncadd.s32 $0xFFFFFFB0  }
0x13f: {  	s7 =	simm.s32 $0x5380;
	v7 =	vld.idx.msk [tilespmem:v6+s30+$0x0], $0xffff  }
0x140: {  	v8 =	vld [tilespmem:s7+$0x0];
	_ =	sdelay $0x4  }
0x141: {  	v7 =	vadd.f32 v8, v7;
	_ =	sdelay $0x1  }
0x142: {  	v8 =	vmul.f32 $2.000000030e-01, v7;
	_ =	sdelay $0x1  }
0x143: {  	v7 =	vmax.f32 v7, v8  }
0x144: {  	v7 =	vmul.f32 $1.442695020e+00, v7;
	_ =	sdelay $0x1  }
0x145: {  	(erf) = vpow2.f32 v7;
	_ =	sdelay $0x5  }
0x146: {  	v7 =	vor.u32 $0x31, v5;
	_ =	sdelay $0x2  }
0x147: {  	v8 =	vpop (erf)  }
0x148: {  	[tilespmem:v6+s30+$0x0] =	vst.idx.msk $0xffff, v8  }
0x149: {  	s20 =	simm.s32 $0x5400;
	v6 =	vld.idx.msk [tilespmem:v7+s30+$0x0], $0xffff  }
0x14a: {  	v8 =	vld [tilespmem:s20+$0x0];
	_ =	sdelay $0x4  }
0x14b: {  	v6 =	vadd.f32 v8, v6;
	_ =	sdelay $0x1  }
0x14c: {  	v8 =	vmul.f32 $2.000000030e-01, v6;
	_ =	sdelay $0x1  }
0x14d: {  	v6 =	vmax.f32 v6, v8  }
0x14e: {  	v6 =	vmul.f32 $1.442695020e+00, v6;
	_ =	sdelay $0x1  }
0x14f: {  	(erf) = vpow2.f32 v6;
	_ =	sdelay $0x5  }
0x150: {  	v6 =	vor.u32 $0x32, v5;
	_ =	sdelay $0x2  }
0x151: {  	v5 =	vpop (erf)  }
0x152: {  	[tilespmem:v7+s30+$0x0] =	vst.idx.msk $0xffff, v5  }
0x153: {  	s0 =	simm.s32 $0x5480;
	v5 =	vld.idx.msk [tilespmem:v6+s30+$0x0], $0xffff  }
0x154: {  	v7 =	vld [tilespmem:s0+$0x0];
	_ =	sdelay $0x4  }
0x155: {  	v5 =	vadd.f32 v7, v5;
	_ =	sdelay $0x1  }
0x156: {  	v7 =	vmul.f32 $2.000000030e-01, v5;
	_ =	sdelay $0x1  }
0x157: {  	v5 =	vmax.f32 v5, v7  }
0x158: {  	v5 =	vmul.f32 $1.442695020e+00, v5;
	_ =	sdelay $0x1  }
0x159: {  	(erf) = vpow2.f32 v5;
	_ =	sdelay $0x2  }
0x15a: {  	s26 =	simm.s32 $0x10  }
0x15b: {  	v5 =	vmov s26  }
0x15c: {  	v5 =	vshll.u32 v5, $0x7  }
0x15d: {  	v5 =	vor.u32 v1, v5  }
0x15e: {  	v7 =	vor.u32 $0x30, v5;
	_ =	sdelay $0x1  }
0x15f: {  	s21 =	simm.s32 $0x5490;
	s0 =	simm.s32 $0x20;
	v8 =	vpop (erf)  }
.LBB2_9:
0x160: {  	s7 =	sadd.s32 $0x10, s7  }
0x161: {  	[tilespmem:v6+s30+$0x0] =	vst.idx.msk $0xffff, v8;
	s20 =	sadd.s32 $0x10, s20;
	s12 =	smov.u32 s0;
	s22 =	sadd.s32 $0x10, s0  }
0x162: {  	p0 =	sne.s32 s0, $0x40;
	v6 =	vld.idx.msk [tilespmem:v7+s30+$0x0], $0xffff  }
0x163: {  	v8 =	vld [tilespmem:s7+$0x0];
	_ =	sdelay $0x4  }
0x164: {  	v6 =	vadd.f32 v8, v6;
	_ =	sdelay $0x1  }
0x165: {  	v8 =	vmul.f32 $2.000000030e-01, v6;
	_ =	sdelay $0x1  }
0x166: {  	v6 =	vmax.f32 v6, v8  }
0x167: {  	v6 =	vmul.f32 $1.442695020e+00, v6;
	_ =	sdelay $0x1  }
0x168: {  	(erf) = vpow2.f32 v6;
	_ =	sdelay $0x5  }
0x169: {  	v8 =	vor.u32 $0x31, v5;
	_ =	sdelay $0x2  }
0x16a: {  	v6 =	vpop (erf)  }
0x16b: {  	[tilespmem:v7+s30+$0x0] =	vst.idx.msk $0xffff, v6  }
0x16c: {  	v6 =	vld.idx.msk [tilespmem:v8+s30+$0x0], $0xffff  }
0x16d: {  	v7 =	vld [tilespmem:s20+$0x0];
	_ =	sdelay $0x4  }
0x16e: {  	v6 =	vadd.f32 v7, v6;
	_ =	sdelay $0x1  }
0x16f: {  	v7 =	vmul.f32 $2.000000030e-01, v6;
	_ =	sdelay $0x1  }
0x170: {  	v6 =	vmax.f32 v6, v7  }
0x171: {  	v6 =	vmul.f32 $1.442695020e+00, v6;
	_ =	sdelay $0x1  }
0x172: {  	(erf) = vpow2.f32 v6;
	_ =	sdelay $0x5  }
0x173: {  	v6 =	vor.u32 $0x32, v5;
	_ =	sdelay $0x2  }
0x174: {  	v5 =	vpop (erf)  }
0x175: {  	[tilespmem:v8+s30+$0x0] =	vst.idx.msk $0xffff, v5  }
0x176: {  	v5 =	vld.idx.msk [tilespmem:v6+s30+$0x0], $0xffff  }
0x177: {  	v7 =	vld [tilespmem:s21+$0x0];
	_ =	sdelay $0x4  }
0x178: {  	v5 =	vadd.f32 v7, v5;
	_ =	sdelay $0x1  }
0x179: {  	v7 =	vmul.f32 $2.000000030e-01, v5;
	_ =	sdelay $0x1  }
0x17a: {  	v5 =	vmax.f32 v5, v7  }
0x17b: {  	v5 =	vmul.f32 $1.442695020e+00, v5;
	_ =	sdelay $0x1  }
0x17c: {  	(erf) = vpow2.f32 v5;
	_ =	sdelay $0x2  }
0x17d: {  	v5 =	vmov s12  }
0x17e: {  	v5 =	vshll.u32 v5, $0x7  }
.Ltmp3:
0x17f: {  	v5 =	vor.u32 v1, v5;
	(pc) =	sbr.rel @p0 .LBB2_9-.Ltmp3, $2  }
0x180: {  	v7 =	vor.u32 $0x30, v5;
	_ =	sdelay $0x2  }
0x181: {  	s0 =	smov.u32 s22;
	s21 =	sadd.s32 $0x10, s21;
	v8 =	vpop (erf)  }
0x182: {  	_ =	sdelay $0x3  }
0x183: {  	[tilespmem:v6+s30+$0x0] =	vst.idx.msk $0xffff, v8  }
0x184: {  	s0 =	sadd.s32 $0x10, s7;
	v6 =	vld.idx.msk [tilespmem:v7+s30+$0x0], $0xffff  }
0x185: {  	v8 =	vld [tilespmem:s0+$0x0];
	_ =	sdelay $0x4  }
0x186: {  	v6 =	vadd.f32 v8, v6;
	_ =	sdelay $0x1  }
0x187: {  	v8 =	vmul.f32 $2.000000030e-01, v6;
	_ =	sdelay $0x1  }
0x188: {  	v6 =	vmax.f32 v6, v8  }
0x189: {  	v6 =	vmul.f32 $1.442695020e+00, v6;
	_ =	sdelay $0x1  }
0x18a: {  	(erf) = vpow2.f32 v6;
	_ =	sdelay $0x5  }
0x18b: {  	v6 =	vor.u32 $0x31, v5;
	_ =	sdelay $0x2  }
0x18c: {  	v8 =	vpop (erf)  }
0x18d: {  	[tilespmem:v7+s30+$0x0] =	vst.idx.msk $0xffff, v8  }
0x18e: {  	s26 =	sadd.s32 $0x10, s20;
	v7 =	vld.idx.msk [tilespmem:v6+s30+$0x0], $0xffff  }
0x18f: {  	v8 =	vld [tilespmem:s26+$0x0];
	_ =	sdelay $0x4  }
0x190: {  	v7 =	vadd.f32 v8, v7;
	_ =	sdelay $0x1  }
0x191: {  	v8 =	vmul.f32 $2.000000030e-01, v7;
	_ =	sdelay $0x1  }
0x192: {  	v7 =	vmax.f32 v7, v8  }
0x193: {  	v7 =	vmul.f32 $1.442695020e+00, v7;
	_ =	sdelay $0x1  }
0x194: {  	(erf) = vpow2.f32 v7;
	_ =	sdelay $0x5  }
0x195: {  	v5 =	vor.u32 $0x32, v5;
	_ =	sdelay $0x2  }
0x196: {  	v7 =	vpop (erf)  }
0x197: {  	[tilespmem:v6+s30+$0x0] =	vst.idx.msk $0xffff, v7  }
0x198: {  	v6 =	vld.idx.msk [tilespmem:v5+s30+$0x0], $0xffff  }
0x199: {  	v7 =	vld [tilespmem:s21+$0x0];
	_ =	sdelay $0x4  }
0x19a: {  	v6 =	vadd.f32 v7, v6;
	_ =	sdelay $0x1  }
0x19b: {  	v7 =	vmul.f32 $2.000000030e-01, v6;
	_ =	sdelay $0x1  }
0x19c: {  	v6 =	vmax.f32 v6, v7  }
0x19d: {  	v6 =	vmul.f32 $1.442695020e+00, v6;
	_ =	sdelay $0x1  }
0x19e: {  	(erf) = vpow2.f32 v6;
	_ =	sdelay $0x8  }
0x19f: {  	v6 =	vpop (erf)  }
0x1a0: {  	s7 =	simm.s32 $0x0;
	[tilespmem:v5+s30+$0x0] =	vst.idx.msk $0xffff, v6  }
0x1a1: {  	v5 =	vld [tilespmem:s7+$0x2BB0];
	_ =	sdelay $0x1  }
0x1a2: {  	v6 =	vld [tilespmem:s7+$0x2B80]  }
0x1a3: {  	v7 =	vld [tilespmem:s7+$0x2B90]  }
0x1a4: {  	v8 =	vld [tilespmem:s7+$0x2BA0]  }
0x1a5: {  	v9 =	vperm.xlane v5, v2  }
0x1a6: {  	v10 =	vperm.xlane v5, v3  }
0x1a7: {  	s12 =	simm.s32 $0x80;
	v11 =	vperm.xlane v5, v4;
	v9 =	vmul.f32 v6, v9  }
0x1a8: {  	v5 =	vld [tilespmem:s12+$0x2BB0];
	v6 =	vmul.f32 v7, v10  }
0x1a9: {  	s20 =	simm.s32 $0x400;
	v7 =	vmul.f32 v8, v11;
	[tilespmem:s7+$0x2B80] =	vst v9  }
.LBB2_11:
0x1aa: {  	p0 =	sne.s32 s20, $0x9E00;
	v8 =	vld [tilespmem:s12+$0x2B80];
	[tilespmem:s7+$0x2B90] =	vst v6  }
0x1ab: {  	v6 =	vld [tilespmem:s12+$0x2B90];
	[tilespmem:s7+$0x2BA0] =	vst v7;
	s7 =	smov.u32 s12  }
0x1ac: {  	v7 =	vld [tilespmem:s7+$0x2BA0]  }
.Ltmp4:
0x1ad: {  	v9 =	vperm.xlane v5, v2;
	(pc) =	sbr.rel @p0 .LBB2_11-.Ltmp4, $4  }
0x1ae: {  	v10 =	vperm.xlane v5, v3  }
0x1af: {  	s12 =	sshra.s32 s20, $0x2;
	v8 =	vmul.f32 v8, v9;
	v9 =	vperm.xlane v5, v4  }
0x1b0: {  	v5 =	vld [tilespmem:s12+$0x2BB0];
	v6 =	vmul.f32 v6, v10  }
0x1b1: {  	s20 =	sadd.s32 $0x200, s20;
	[tilespmem:s7+$0x2B80] =	vst v8;
	v7 =	vmul.f32 v7, v9  }
0x1b2: {  	v8 =	vld [tilespmem:s12+$0x2B80];
	[tilespmem:s7+$0x2B90] =	vst v6  }
0x1b3: {  	v6 =	vld [tilespmem:s12+$0x2B90];
	[tilespmem:s7+$0x2BA0] =	vst v7  }
0x1b4: {  	v7 =	vld [tilespmem:s12+$0x2BA0]  }
0x1b5: {  	v9 =	vperm.xlane v5, v2  }
0x1b6: {  	v10 =	vperm.xlane v5, v3  }
0x1b7: {  	v5 =	vperm.xlane v5, v4;
	v8 =	vmul.f32 v8, v9  }
0x1b8: {  	v6 =	vmul.f32 v6, v10  }
0x1b9: {  	s7 =	smul.u32 $0x60, s18;
	[tilespmem:s12+$0x2B80] =	vst v8;
	v5 =	vmul.f32 v7, v5  }
0x1ba: {  	s0 =	rddreg [dreg:$0x14];
	[tilespmem:s12+$0x2B90] =	vst v6  }
0x1bb: {  	s0 =	sadd.s32 s0, s7;
	[tilespmem:s12+$0x2BA0] =	vst v5  }
0x1bc: {  	[spmem:s2] =	stream.indirect.scatter.add.f32 [tilespmem:s30], [sflag:$0x5], $0x80, s28, s25, $0xb8;
	[tilespmem:$0x1C700] =	vst v63  }
0x1bd: {  	s0 =	smul.u32 $0xA, s0;
	_ =	swait.ge [sflag:s13], $0x2800  }
0x1be: {  	[sflag:s13] =	ssyncset.done $0x0  }
0x1bf: {  	s20 =	simm.s32 $0x0;
	s21 =	sadd.s32 s8, s0;
	[sflag:s13] =	ssyncadd.s32 $0xFFFFD800  }
0x1c0: {  	[tilespmem:s20], [sflag:$0x3] =	stream.linear.gather [hbm4b:s21+s20], $0x50, $0x38;
	[tilespmem:$0x1C700] =	vst v63  }
0x1c1: {  	s22 =	rddreg [dreg:$0x0]  }
0x1c2: {  	s0 =	sadd.s32 s22, s0  }
0x1c3: {  	[tilespmem:s23], [sflag:$0x3] =	stream.linear.gather [hbm4b:s0+s20], $0x50, $0x38;
	[tilespmem:$0x1C700] =	vst v63  }
0x1c4: {  	_ =	swait.ge [sflag:s24], $0x50  }
0x1c5: {  	[sflag:s24] =	ssyncset.done $0x0  }
0x1c6: {  	[sflag:s24] =	ssyncadd.s32 $0xFFFFFFB0  }
0x1c7: {  	_ =	swait.ge [sflag:s24], $0x50  }
0x1c8: {  	[sflag:s24] =	ssyncset.done $0x0  }
0x1c9: {  	[sflag:s24] =	ssyncadd.s32 $0xFFFFFFB0  }
0x1ca: {  	[tilespmem:s19], [sflag:$0x1] =	stream.indirect.gather [hbm4b:s6+s25], $0x80, s20, s25, $0xb8;
	[tilespmem:$0x1C700] =	vst v63  }
0x1cb: {  	s26 =	simm.s32 $0x2900  }
0x1cc: {  	[tilespmem:s26], [sflag:$0x3] =	stream.indirect.gather [spmem:s3], $0x1, s23, s25, $0xb8;
	[tilespmem:$0x1C700] =	vst v63  }
0x1cd: {  	s12 =	simm.s32 $0x2980  }
0x1ce: {  	[tilespmem:s12], [sflag:$0x3] =	stream.indirect.gather [spmem:s4], $0x1, s23, s25, $0xb8;
	[tilespmem:$0x1C700] =	vst v63  }
0x1cf: {  	s21 =	simm.s32 $0x2A00  }
0x1d0: {  	[tilespmem:s21], [sflag:$0x3] =	stream.indirect.gather [spmem:s5], $0x1, s23, s25, $0xb8;
	[tilespmem:$0x1C700] =	vst v63  }
0x1d1: {  	_ =	swait.ge [sflag:s10], $0x2800  }
0x1d2: {  	[sflag:s10] =	ssyncset.done $0x0  }
0x1d3: {  	[sflag:s10] =	ssyncadd.s32 $0xFFFFD800  }
0x1d4: {  	_ =	swait.ge [sflag:s15], $0x50  }
0x1d5: {  	v5 =	vmov s20;
	[sflag:s15] =	ssyncset.done $0x0  }
0x1d6: {  	v5 =	vshll.u32 v5, $0x7;
	[sflag:s15] =	ssyncadd.s32 $0xFFFFFFB0  }
0x1d7: {  	v5 =	vor.u32 v1, v5;
	_ =	swait.ge [sflag:s15], $0x50  }
0x1d8: {  	v6 =	vor.u32 $0x30, v5;
	[sflag:s15] =	ssyncset.done $0x0  }
0x1d9: {  	[sflag:s15] =	ssyncadd.s32 $0xFFFFFFB0  }
0x1da: {  	_ =	swait.ge [sflag:s15], $0x50  }
0x1db: {  	[sflag:s15] =	ssyncset.done $0x0  }
0x1dc: {  	[sflag:s15] =	ssyncadd.s32 $0xFFFFFFB0  }
0x1dd: {  	s20 =	simm.s32 $0x7E00;
	v7 =	vld.idx.msk [tilespmem:v6+s16+$0x0], $0xffff  }
0x1de: {  	v8 =	vld [tilespmem:s20+$0x0];
	_ =	sdelay $0x4  }
0x1df: {  	v7 =	vadd.f32 v8, v7;
	_ =	sdelay $0x1  }
0x1e0: {  	v8 =	vmul.f32 $2.000000030e-01, v7;
	_ =	sdelay $0x1  }
0x1e1: {  	v7 =	vmax.f32 v7, v8  }
0x1e2: {  	v7 =	vmul.f32 $1.442695020e+00, v7;
	_ =	sdelay $0x1  }
0x1e3: {  	(erf) = vpow2.f32 v7;
	_ =	sdelay $0x5  }
0x1e4: {  	v7 =	vor.u32 $0x31, v5;
	_ =	sdelay $0x2  }
0x1e5: {  	v8 =	vpop (erf)  }
0x1e6: {  	[tilespmem:v6+s16+$0x0] =	vst.idx.msk $0xffff, v8  }
0x1e7: {  	s21 =	simm.s32 $0x7E80;
	v6 =	vld.idx.msk [tilespmem:v7+s16+$0x0], $0xffff  }
0x1e8: {  	v8 =	vld [tilespmem:s21+$0x0];
	_ =	sdelay $0x4  }
0x1e9: {  	v6 =	vadd.f32 v8, v6;
	_ =	sdelay $0x1  }
0x1ea: {  	v8 =	vmul.f32 $2.000000030e-01, v6;
	_ =	sdelay $0x1  }
0x1eb: {  	v6 =	vmax.f32 v6, v8  }
0x1ec: {  	v6 =	vmul.f32 $1.442695020e+00, v6;
	_ =	sdelay $0x1  }
0x1ed: {  	(erf) = vpow2.f32 v6;
	_ =	sdelay $0x5  }
0x1ee: {  	v6 =	vor.u32 $0x32, v5;
	_ =	sdelay $0x2  }
0x1ef: {  	v5 =	vpop (erf)  }
0x1f0: {  	[tilespmem:v7+s16+$0x0] =	vst.idx.msk $0xffff, v5  }
0x1f1: {  	s22 =	simm.s32 $0x7F00;
	v5 =	vld.idx.msk [tilespmem:v6+s16+$0x0], $0xffff  }
0x1f2: {  	v7 =	vld [tilespmem:s22+$0x0];
	_ =	sdelay $0x4  }
0x1f3: {  	v5 =	vadd.f32 v7, v5;
	_ =	sdelay $0x1  }
0x1f4: {  	v7 =	vmul.f32 $2.000000030e-01, v5;
	_ =	sdelay $0x1  }
0x1f5: {  	v5 =	vmax.f32 v5, v7  }
0x1f6: {  	v5 =	vmul.f32 $1.442695020e+00, v5;
	_ =	sdelay $0x1  }
0x1f7: {  	(erf) = vpow2.f32 v5;
	_ =	sdelay $0x2  }
0x1f8: {  	s26 =	simm.s32 $0x10  }
0x1f9: {  	v5 =	vmov s26  }
0x1fa: {  	v5 =	vshll.u32 v5, $0x7  }
0x1fb: {  	v5 =	vor.u32 v1, v5  }
0x1fc: {  	v7 =	vor.u32 $0x30, v5;
	_ =	sdelay $0x1  }
0x1fd: {  	s12 =	simm.s32 $0x20;
	s22 =	simm.s32 $0x7F10;
	v8 =	vpop (erf)  }
.LBB2_13:
0x1fe: {  	s20 =	sadd.s32 $0x10, s20  }
0x1ff: {  	[tilespmem:v6+s16+$0x0] =	vst.idx.msk $0xffff, v8;
	s21 =	sadd.s32 $0x10, s21;
	s26 =	smov.u32 s12;
	s0 =	sadd.s32 $0x10, s12  }
0x200: {  	p0 =	sne.s32 s12, $0x40;
	v6 =	vld.idx.msk [tilespmem:v7+s16+$0x0], $0xffff  }
0x201: {  	v8 =	vld [tilespmem:s20+$0x0];
	_ =	sdelay $0x4  }
0x202: {  	v6 =	vadd.f32 v8, v6;
	_ =	sdelay $0x1  }
0x203: {  	v8 =	vmul.f32 $2.000000030e-01, v6;
	_ =	sdelay $0x1  }
0x204: {  	v6 =	vmax.f32 v6, v8  }
0x205: {  	v6 =	vmul.f32 $1.442695020e+00, v6;
	_ =	sdelay $0x1  }
0x206: {  	(erf) = vpow2.f32 v6;
	_ =	sdelay $0x5  }
0x207: {  	v8 =	vor.u32 $0x31, v5;
	_ =	sdelay $0x2  }
0x208: {  	v6 =	vpop (erf)  }
0x209: {  	[tilespmem:v7+s16+$0x0] =	vst.idx.msk $0xffff, v6  }
0x20a: {  	v6 =	vld.idx.msk [tilespmem:v8+s16+$0x0], $0xffff  }
0x20b: {  	v7 =	vld [tilespmem:s21+$0x0];
	_ =	sdelay $0x4  }
0x20c: {  	v6 =	vadd.f32 v7, v6;
	_ =	sdelay $0x1  }
0x20d: {  	v7 =	vmul.f32 $2.000000030e-01, v6;
	_ =	sdelay $0x1  }
0x20e: {  	v6 =	vmax.f32 v6, v7  }
0x20f: {  	v6 =	vmul.f32 $1.442695020e+00, v6;
	_ =	sdelay $0x1  }
0x210: {  	(erf) = vpow2.f32 v6;
	_ =	sdelay $0x5  }
0x211: {  	v6 =	vor.u32 $0x32, v5;
	_ =	sdelay $0x2  }
0x212: {  	v5 =	vpop (erf)  }
0x213: {  	[tilespmem:v8+s16+$0x0] =	vst.idx.msk $0xffff, v5  }
0x214: {  	v5 =	vld.idx.msk [tilespmem:v6+s16+$0x0], $0xffff  }
0x215: {  	v7 =	vld [tilespmem:s22+$0x0];
	_ =	sdelay $0x4  }
0x216: {  	v5 =	vadd.f32 v7, v5;
	_ =	sdelay $0x1  }
0x217: {  	v7 =	vmul.f32 $2.000000030e-01, v5;
	_ =	sdelay $0x1  }
0x218: {  	v5 =	vmax.f32 v5, v7  }
0x219: {  	v5 =	vmul.f32 $1.442695020e+00, v5;
	_ =	sdelay $0x1  }
0x21a: {  	(erf) = vpow2.f32 v5;
	_ =	sdelay $0x2  }
0x21b: {  	v5 =	vmov s26  }
0x21c: {  	v5 =	vshll.u32 v5, $0x7  }
.Ltmp5:
0x21d: {  	v5 =	vor.u32 v1, v5;
	(pc) =	sbr.rel @p0 .LBB2_13-.Ltmp5, $2  }
0x21e: {  	v7 =	vor.u32 $0x30, v5;
	_ =	sdelay $0x2  }
0x21f: {  	s12 =	smov.u32 s0;
	s22 =	sadd.s32 $0x10, s22;
	v8 =	vpop (erf)  }
0x220: {  	_ =	sdelay $0x3  }
0x221: {  	[tilespmem:v6+s16+$0x0] =	vst.idx.msk $0xffff, v8  }
0x222: {  	s0 =	sadd.s32 $0x10, s20;
	v6 =	vld.idx.msk [tilespmem:v7+s16+$0x0], $0xffff  }
0x223: {  	v8 =	vld [tilespmem:s0+$0x0];
	_ =	sdelay $0x4  }
0x224: {  	v6 =	vadd.f32 v8, v6;
	_ =	sdelay $0x1  }
0x225: {  	v8 =	vmul.f32 $2.000000030e-01, v6;
	_ =	sdelay $0x1  }
0x226: {  	v6 =	vmax.f32 v6, v8  }
0x227: {  	v6 =	vmul.f32 $1.442695020e+00, v6;
	_ =	sdelay $0x1  }
0x228: {  	(erf) = vpow2.f32 v6;
	_ =	sdelay $0x5  }
0x229: {  	v6 =	vor.u32 $0x31, v5;
	_ =	sdelay $0x2  }
0x22a: {  	v8 =	vpop (erf)  }
0x22b: {  	[tilespmem:v7+s16+$0x0] =	vst.idx.msk $0xffff, v8  }
0x22c: {  	s26 =	sadd.s32 $0x10, s21;
	v7 =	vld.idx.msk [tilespmem:v6+s16+$0x0], $0xffff  }
0x22d: {  	v8 =	vld [tilespmem:s26+$0x0];
	_ =	sdelay $0x4  }
0x22e: {  	v7 =	vadd.f32 v8, v7;
	_ =	sdelay $0x1  }
0x22f: {  	v8 =	vmul.f32 $2.000000030e-01, v7;
	_ =	sdelay $0x1  }
0x230: {  	v7 =	vmax.f32 v7, v8  }
0x231: {  	v7 =	vmul.f32 $1.442695020e+00, v7;
	_ =	sdelay $0x1  }
0x232: {  	(erf) = vpow2.f32 v7;
	_ =	sdelay $0x5  }
0x233: {  	v5 =	vor.u32 $0x32, v5;
	_ =	sdelay $0x2  }
0x234: {  	v7 =	vpop (erf)  }
0x235: {  	[tilespmem:v6+s16+$0x0] =	vst.idx.msk $0xffff, v7  }
0x236: {  	v6 =	vld.idx.msk [tilespmem:v5+s16+$0x0], $0xffff  }
0x237: {  	v7 =	vld [tilespmem:s22+$0x0];
	_ =	sdelay $0x4  }
0x238: {  	v6 =	vadd.f32 v7, v6;
	_ =	sdelay $0x1  }
0x239: {  	v7 =	vmul.f32 $2.000000030e-01, v6;
	_ =	sdelay $0x1  }
0x23a: {  	v6 =	vmax.f32 v6, v7  }
0x23b: {  	v6 =	vmul.f32 $1.442695020e+00, v6;
	_ =	sdelay $0x1  }
0x23c: {  	(erf) = vpow2.f32 v6;
	_ =	sdelay $0x8  }
0x23d: {  	v6 =	vpop (erf)  }
0x23e: {  	s12 =	simm.s32 $0x0;
	[tilespmem:v5+s16+$0x0] =	vst.idx.msk $0xffff, v6  }
0x23f: {  	v5 =	vld [tilespmem:s12+$0x5630];
	_ =	sdelay $0x1  }
0x240: {  	v6 =	vld [tilespmem:s12+$0x5600]  }
0x241: {  	v7 =	vld [tilespmem:s12+$0x5610]  }
0x242: {  	v8 =	vld [tilespmem:s12+$0x5620]  }
0x243: {  	v9 =	vperm.xlane v5, v2  }
0x244: {  	v10 =	vperm.xlane v5, v3  }
0x245: {  	s20 =	simm.s32 $0x80;
	v11 =	vperm.xlane v5, v4;
	v9 =	vmul.f32 v6, v9  }
0x246: {  	v5 =	vld [tilespmem:s20+$0x5630];
	v6 =	vmul.f32 v7, v10  }
0x247: {  	s21 =	simm.s32 $0x400;
	v7 =	vmul.f32 v8, v11;
	[tilespmem:s12+$0x5600] =	vst v9  }
.LBB2_15:
0x248: {  	p0 =	sne.s32 s21, $0x9E00;
	v8 =	vld [tilespmem:s20+$0x5600];
	[tilespmem:s12+$0x5610] =	vst v6  }
0x249: {  	v6 =	vld [tilespmem:s20+$0x5610];
	[tilespmem:s12+$0x5620] =	vst v7;
	s12 =	smov.u32 s20  }
0x24a: {  	v7 =	vld [tilespmem:s12+$0x5620]  }
.Ltmp6:
0x24b: {  	v9 =	vperm.xlane v5, v2;
	(pc) =	sbr.rel @p0 .LBB2_15-.Ltmp6, $4  }
0x24c: {  	v10 =	vperm.xlane v5, v3  }
0x24d: {  	s20 =	sshra.s32 s21, $0x2;
	v8 =	vmul.f32 v8, v9;
	v9 =	vperm.xlane v5, v4  }
0x24e: {  	v5 =	vld [tilespmem:s20+$0x5630];
	v6 =	vmul.f32 v6, v10  }
0x24f: {  	s21 =	sadd.s32 $0x200, s21;
	[tilespmem:s12+$0x5600] =	vst v8;
	v7 =	vmul.f32 v7, v9  }
0x250: {  	v8 =	vld [tilespmem:s20+$0x5600];
	[tilespmem:s12+$0x5610] =	vst v6  }
0x251: {  	v6 =	vld [tilespmem:s20+$0x5610];
	[tilespmem:s12+$0x5620] =	vst v7  }
0x252: {  	v7 =	vld [tilespmem:s20+$0x5620]  }
0x253: {  	v9 =	vperm.xlane v5, v2  }
0x254: {  	v10 =	vperm.xlane v5, v3  }
0x255: {  	v5 =	vperm.xlane v5, v4;
	v8 =	vmul.f32 v8, v9  }
0x256: {  	v6 =	vmul.f32 v6, v10  }
0x257: {  	[tilespmem:s20+$0x5600] =	vst v8;
	v5 =	vmul.f32 v7, v5  }
0x258: {  	s0 =	rddreg [dreg:$0x15];
	[tilespmem:s20+$0x5610] =	vst v6  }
0x259: {  	s0 =	sadd.s32 s0, s7;
	[tilespmem:s20+$0x5620] =	vst v5  }
0x25a: {  	[spmem:s2] =	stream.indirect.scatter.add.f32 [tilespmem:s16], [sflag:$0x8], $0x80, s14, s25, $0xb8;
	[tilespmem:$0x1C700] =	vst v63  }
0x25b: {  	s0 =	smul.u32 $0xA, s0;
	_ =	swait.ge [sflag:s31], $0x2800  }
0x25c: {  	s21 =	simm.s32 $0x2A80;
	[sflag:s31] =	ssyncset.done $0x0  }
0x25d: {  	s26 =	sadd.s32 s8, s0;
	s20 =	simm.s32 $0x0;
	[sflag:s31] =	ssyncadd.s32 $0xFFFFD800  }
0x25e: {  	[tilespmem:s21], [sflag:$0x6] =	stream.linear.gather [hbm4b:s26+s20], $0x50, $0x38;
	[tilespmem:$0x1C700] =	vst v63  }
0x25f: {  	s22 =	rddreg [dreg:$0x0]  }
0x260: {  	s0 =	sadd.s32 s22, s0  }
0x261: {  	[tilespmem:s28], [sflag:$0x6] =	stream.linear.gather [hbm4b:s0+s20], $0x50, $0x38;
	[tilespmem:$0x1C700] =	vst v63  }
0x262: {  	_ =	swait.ge [sflag:s29], $0x50  }
0x263: {  	[sflag:s29] =	ssyncset.done $0x0  }
0x264: {  	[sflag:s29] =	ssyncadd.s32 $0xFFFFFFB0  }
0x265: {  	_ =	swait.ge [sflag:s29], $0x50  }
0x266: {  	[sflag:s29] =	ssyncset.done $0x0  }
0x267: {  	[sflag:s29] =	ssyncadd.s32 $0xFFFFFFB0  }
0x268: {  	[tilespmem:s30], [sflag:$0x4] =	stream.indirect.gather [hbm4b:s6+s25], $0x80, s21, s25, $0xb8;
	[tilespmem:$0x1C700] =	vst v63  }
0x269: {  	s26 =	simm.s32 $0x5380  }
0x26a: {  	[tilespmem:s26], [sflag:$0x6] =	stream.indirect.gather [spmem:s3], $0x1, s28, s25, $0xb8;
	[tilespmem:$0x1C700] =	vst v63  }
0x26b: {  	s12 =	simm.s32 $0x5400  }
0x26c: {  	[tilespmem:s12], [sflag:$0x6] =	stream.indirect.gather [spmem:s4], $0x1, s28, s25, $0xb8;
	[tilespmem:$0x1C700] =	vst v63  }
0x26d: {  	s21 =	simm.s32 $0x5480  }
0x26e: {  	[tilespmem:s21], [sflag:$0x6] =	stream.indirect.gather [spmem:s5], $0x1, s28, s25, $0xb8;
	[tilespmem:$0x1C700] =	vst v63  }
0x26f: {  	_ =	swait.ge [sflag:s11], $0x2800  }
0x270: {  	[sflag:s11] =	ssyncset.done $0x0  }
0x271: {  	[sflag:s11] =	ssyncadd.s32 $0xFFFFD800  }
0x272: {  	_ =	swait.ge [sflag:s24], $0x50  }
0x273: {  	v5 =	vmov s20;
	[sflag:s24] =	ssyncset.done $0x0  }
0x274: {  	v5 =	vshll.u32 v5, $0x7;
	[sflag:s24] =	ssyncadd.s32 $0xFFFFFFB0  }
0x275: {  	v5 =	vor.u32 v1, v5;
	_ =	swait.ge [sflag:s24], $0x50  }
0x276: {  	v6 =	vor.u32 $0x30, v5;
	[sflag:s24] =	ssyncset.done $0x0  }
0x277: {  	[sflag:s24] =	ssyncadd.s32 $0xFFFFFFB0  }
0x278: {  	_ =	swait.ge [sflag:s24], $0x50  }
0x279: {  	[sflag:s24] =	ssyncset.done $0x0  }
0x27a: {  	[sflag:s24] =	ssyncadd.s32 $0xFFFFFFB0  }
0x27b: {  	s20 =	simm.s32 $0x2900;
	v7 =	vld.idx.msk [tilespmem:v6+s19+$0x0], $0xffff  }
0x27c: {  	v8 =	vld [tilespmem:s20+$0x0];
	_ =	sdelay $0x4  }
0x27d: {  	v7 =	vadd.f32 v8, v7;
	_ =	sdelay $0x1  }
0x27e: {  	v8 =	vmul.f32 $2.000000030e-01, v7;
	_ =	sdelay $0x1  }
0x27f: {  	v7 =	vmax.f32 v7, v8  }
0x280: {  	v7 =	vmul.f32 $1.442695020e+00, v7;
	_ =	sdelay $0x1  }
0x281: {  	(erf) = vpow2.f32 v7;
	_ =	sdelay $0x5  }
0x282: {  	v7 =	vor.u32 $0x31, v5;
	_ =	sdelay $0x2  }
0x283: {  	v8 =	vpop (erf)  }
0x284: {  	[tilespmem:v6+s19+$0x0] =	vst.idx.msk $0xffff, v8  }
0x285: {  	s21 =	simm.s32 $0x2980;
	v6 =	vld.idx.msk [tilespmem:v7+s19+$0x0], $0xffff  }
0x286: {  	v8 =	vld [tilespmem:s21+$0x0];
	_ =	sdelay $0x4  }
0x287: {  	v6 =	vadd.f32 v8, v6;
	_ =	sdelay $0x1  }
0x288: {  	v8 =	vmul.f32 $2.000000030e-01, v6;
	_ =	sdelay $0x1  }
0x289: {  	v6 =	vmax.f32 v6, v8  }
0x28a: {  	v6 =	vmul.f32 $1.442695020e+00, v6;
	_ =	sdelay $0x1  }
0x28b: {  	(erf) = vpow2.f32 v6;
	_ =	sdelay $0x5  }
0x28c: {  	v6 =	vor.u32 $0x32, v5;
	_ =	sdelay $0x2  }
0x28d: {  	v5 =	vpop (erf)  }
0x28e: {  	[tilespmem:v7+s19+$0x0] =	vst.idx.msk $0xffff, v5  }
0x28f: {  	s22 =	simm.s32 $0x2A00;
	v5 =	vld.idx.msk [tilespmem:v6+s19+$0x0], $0xffff  }
0x290: {  	v7 =	vld [tilespmem:s22+$0x0];
	_ =	sdelay $0x4  }
0x291: {  	v5 =	vadd.f32 v7, v5;
	_ =	sdelay $0x1  }
0x292: {  	v7 =	vmul.f32 $2.000000030e-01, v5;
	_ =	sdelay $0x1  }
0x293: {  	v5 =	vmax.f32 v5, v7  }
0x294: {  	v5 =	vmul.f32 $1.442695020e+00, v5;
	_ =	sdelay $0x1  }
0x295: {  	(erf) = vpow2.f32 v5;
	_ =	sdelay $0x2  }
0x296: {  	s26 =	simm.s32 $0x10  }
0x297: {  	v5 =	vmov s26  }
0x298: {  	v5 =	vshll.u32 v5, $0x7  }
0x299: {  	v5 =	vor.u32 v1, v5  }
0x29a: {  	v7 =	vor.u32 $0x30, v5;
	_ =	sdelay $0x1  }
0x29b: {  	s0 =	simm.s32 $0x20;
	s22 =	simm.s32 $0x2A10;
	v8 =	vpop (erf)  }
.LBB2_17:
0x29c: {  	s20 =	sadd.s32 $0x10, s20  }
0x29d: {  	[tilespmem:v6+s19+$0x0] =	vst.idx.msk $0xffff, v8;
	s21 =	sadd.s32 $0x10, s21;
	s26 =	smov.u32 s0;
	s12 =	sadd.s32 $0x10, s0  }
0x29e: {  	p0 =	sne.s32 s0, $0x40;
	v6 =	vld.idx.msk [tilespmem:v7+s19+$0x0], $0xffff  }
0x29f: {  	v8 =	vld [tilespmem:s20+$0x0];
	_ =	sdelay $0x4  }
0x2a0: {  	v6 =	vadd.f32 v8, v6;
	_ =	sdelay $0x1  }
0x2a1: {  	v8 =	vmul.f32 $2.000000030e-01, v6;
	_ =	sdelay $0x1  }
0x2a2: {  	v6 =	vmax.f32 v6, v8  }
0x2a3: {  	v6 =	vmul.f32 $1.442695020e+00, v6;
	_ =	sdelay $0x1  }
0x2a4: {  	(erf) = vpow2.f32 v6;
	_ =	sdelay $0x5  }
0x2a5: {  	v8 =	vor.u32 $0x31, v5;
	_ =	sdelay $0x2  }
0x2a6: {  	v6 =	vpop (erf)  }
0x2a7: {  	[tilespmem:v7+s19+$0x0] =	vst.idx.msk $0xffff, v6  }
0x2a8: {  	v6 =	vld.idx.msk [tilespmem:v8+s19+$0x0], $0xffff  }
0x2a9: {  	v7 =	vld [tilespmem:s21+$0x0];
	_ =	sdelay $0x4  }
0x2aa: {  	v6 =	vadd.f32 v7, v6;
	_ =	sdelay $0x1  }
0x2ab: {  	v7 =	vmul.f32 $2.000000030e-01, v6;
	_ =	sdelay $0x1  }
0x2ac: {  	v6 =	vmax.f32 v6, v7  }
0x2ad: {  	v6 =	vmul.f32 $1.442695020e+00, v6;
	_ =	sdelay $0x1  }
0x2ae: {  	(erf) = vpow2.f32 v6;
	_ =	sdelay $0x5  }
0x2af: {  	v6 =	vor.u32 $0x32, v5;
	_ =	sdelay $0x2  }
0x2b0: {  	v5 =	vpop (erf)  }
0x2b1: {  	[tilespmem:v8+s19+$0x0] =	vst.idx.msk $0xffff, v5  }
0x2b2: {  	v5 =	vld.idx.msk [tilespmem:v6+s19+$0x0], $0xffff  }
0x2b3: {  	v7 =	vld [tilespmem:s22+$0x0];
	_ =	sdelay $0x4  }
0x2b4: {  	v5 =	vadd.f32 v7, v5;
	_ =	sdelay $0x1  }
0x2b5: {  	v7 =	vmul.f32 $2.000000030e-01, v5;
	_ =	sdelay $0x1  }
0x2b6: {  	v5 =	vmax.f32 v5, v7  }
0x2b7: {  	v5 =	vmul.f32 $1.442695020e+00, v5;
	_ =	sdelay $0x1  }
0x2b8: {  	(erf) = vpow2.f32 v5;
	_ =	sdelay $0x2  }
0x2b9: {  	v5 =	vmov s26  }
0x2ba: {  	v5 =	vshll.u32 v5, $0x7  }
.Ltmp7:
0x2bb: {  	v5 =	vor.u32 v1, v5;
	(pc) =	sbr.rel @p0 .LBB2_17-.Ltmp7, $2  }
0x2bc: {  	v7 =	vor.u32 $0x30, v5;
	_ =	sdelay $0x2  }
0x2bd: {  	s0 =	smov.u32 s12;
	s22 =	sadd.s32 $0x10, s22;
	v8 =	vpop (erf)  }
0x2be: {  	_ =	sdelay $0x3  }
0x2bf: {  	[tilespmem:v6+s19+$0x0] =	vst.idx.msk $0xffff, v8  }
0x2c0: {  	s0 =	sadd.s32 $0x10, s20;
	v6 =	vld.idx.msk [tilespmem:v7+s19+$0x0], $0xffff  }
0x2c1: {  	v8 =	vld [tilespmem:s0+$0x0];
	_ =	sdelay $0x4  }
0x2c2: {  	v6 =	vadd.f32 v8, v6;
	_ =	sdelay $0x1  }
0x2c3: {  	v8 =	vmul.f32 $2.000000030e-01, v6;
	_ =	sdelay $0x1  }
0x2c4: {  	v6 =	vmax.f32 v6, v8  }
0x2c5: {  	v6 =	vmul.f32 $1.442695020e+00, v6;
	_ =	sdelay $0x1  }
0x2c6: {  	(erf) = vpow2.f32 v6;
	_ =	sdelay $0x5  }
0x2c7: {  	v6 =	vor.u32 $0x31, v5;
	_ =	sdelay $0x2  }
0x2c8: {  	v8 =	vpop (erf)  }
0x2c9: {  	[tilespmem:v7+s19+$0x0] =	vst.idx.msk $0xffff, v8  }
0x2ca: {  	s26 =	sadd.s32 $0x10, s21;
	v7 =	vld.idx.msk [tilespmem:v6+s19+$0x0], $0xffff  }
0x2cb: {  	v8 =	vld [tilespmem:s26+$0x0];
	_ =	sdelay $0x4  }
0x2cc: {  	v7 =	vadd.f32 v8, v7;
	_ =	sdelay $0x1  }
0x2cd: {  	v8 =	vmul.f32 $2.000000030e-01, v7;
	_ =	sdelay $0x1  }
0x2ce: {  	v7 =	vmax.f32 v7, v8  }
0x2cf: {  	v7 =	vmul.f32 $1.442695020e+00, v7;
	_ =	sdelay $0x1  }
0x2d0: {  	(erf) = vpow2.f32 v7;
	_ =	sdelay $0x5  }
0x2d1: {  	v5 =	vor.u32 $0x32, v5;
	_ =	sdelay $0x2  }
0x2d2: {  	v7 =	vpop (erf)  }
0x2d3: {  	[tilespmem:v6+s19+$0x0] =	vst.idx.msk $0xffff, v7  }
0x2d4: {  	v6 =	vld.idx.msk [tilespmem:v5+s19+$0x0], $0xffff  }
0x2d5: {  	v7 =	vld [tilespmem:s22+$0x0];
	_ =	sdelay $0x4  }
0x2d6: {  	v6 =	vadd.f32 v7, v6;
	_ =	sdelay $0x1  }
0x2d7: {  	v7 =	vmul.f32 $2.000000030e-01, v6;
	_ =	sdelay $0x1  }
0x2d8: {  	v6 =	vmax.f32 v6, v7  }
0x2d9: {  	v6 =	vmul.f32 $1.442695020e+00, v6;
	_ =	sdelay $0x1  }
0x2da: {  	(erf) = vpow2.f32 v6;
	_ =	sdelay $0x8  }
0x2db: {  	v6 =	vpop (erf)  }
0x2dc: {  	s12 =	simm.s32 $0x0;
	[tilespmem:v5+s19+$0x0] =	vst.idx.msk $0xffff, v6  }
0x2dd: {  	v5 =	vld [tilespmem:s12+$0x130];
	_ =	sdelay $0x1  }
0x2de: {  	v6 =	vld [tilespmem:s12+$0x100]  }
0x2df: {  	v7 =	vld [tilespmem:s12+$0x110]  }
0x2e0: {  	v8 =	vld [tilespmem:s12+$0x120]  }
0x2e1: {  	v9 =	vperm.xlane v5, v2  }
0x2e2: {  	v10 =	vperm.xlane v5, v3  }
0x2e3: {  	s20 =	simm.s32 $0x80;
	v11 =	vperm.xlane v5, v4;
	v9 =	vmul.f32 v6, v9  }
0x2e4: {  	v5 =	vld [tilespmem:s20+$0x130];
	v6 =	vmul.f32 v7, v10  }
0x2e5: {  	s21 =	simm.s32 $0x400;
	v7 =	vmul.f32 v8, v11;
	[tilespmem:s12+$0x100] =	vst v9  }
.LBB2_19:
0x2e6: {  	p0 =	sne.s32 s21, $0x9E00;
	v8 =	vld [tilespmem:s20+$0x100];
	[tilespmem:s12+$0x110] =	vst v6  }
0x2e7: {  	v6 =	vld [tilespmem:s20+$0x110];
	[tilespmem:s12+$0x120] =	vst v7;
	s12 =	smov.u32 s20  }
0x2e8: {  	v7 =	vld [tilespmem:s12+$0x120]  }
.Ltmp8:
0x2e9: {  	v9 =	vperm.xlane v5, v2;
	(pc) =	sbr.rel @p0 .LBB2_19-.Ltmp8, $4  }
0x2ea: {  	v10 =	vperm.xlane v5, v3  }
0x2eb: {  	s20 =	sshra.s32 s21, $0x2;
	v8 =	vmul.f32 v8, v9;
	v9 =	vperm.xlane v5, v4  }
0x2ec: {  	v5 =	vld [tilespmem:s20+$0x130];
	v6 =	vmul.f32 v6, v10  }
0x2ed: {  	s21 =	sadd.s32 $0x200, s21;
	[tilespmem:s12+$0x100] =	vst v8;
	v7 =	vmul.f32 v7, v9  }
0x2ee: {  	v8 =	vld [tilespmem:s20+$0x100];
	[tilespmem:s12+$0x110] =	vst v6  }
0x2ef: {  	v6 =	vld [tilespmem:s20+$0x110];
	[tilespmem:s12+$0x120] =	vst v7  }
0x2f0: {  	v7 =	vld [tilespmem:s20+$0x120]  }
0x2f1: {  	v9 =	vperm.xlane v5, v2  }
0x2f2: {  	v10 =	vperm.xlane v5, v3  }
0x2f3: {  	v5 =	vperm.xlane v5, v4;
	v8 =	vmul.f32 v8, v9  }
0x2f4: {  	v6 =	vmul.f32 v6, v10  }
0x2f5: {  	[tilespmem:s20+$0x100] =	vst v8;
	v5 =	vmul.f32 v7, v5  }
0x2f6: {  	s0 =	rddreg [dreg:$0x16];
	[tilespmem:s20+$0x110] =	vst v6  }
0x2f7: {  	s0 =	sadd.s32 s0, s7;
	[tilespmem:s20+$0x120] =	vst v5  }
0x2f8: {  	[spmem:s2] =	stream.indirect.scatter.add.f32 [tilespmem:s19], [sflag:$0x2], $0x80, s23, s25, $0xb8;
	[tilespmem:$0x1C700] =	vst v63  }
0x2f9: {  	s0 =	smul.u32 $0xA, s0;
	_ =	swait.ge [sflag:s1], $0x2800  }
0x2fa: {  	s21 =	simm.s32 $0x0;
	[sflag:s1] =	ssyncset.done $0x0  }
0x2fb: {  	s22 =	simm.s32 $0x5500;
	s20 =	sadd.s32 s8, s0;
	[sflag:s1] =	ssyncadd.s32 $0xFFFFD800  }
0x2fc: {  	[tilespmem:s22], [sflag:$0x9] =	stream.linear.gather [hbm4b:s20+s21], $0x50, $0x38;
	[tilespmem:$0x1C700] =	vst v63  }
0x2fd: {  	s26 =	rddreg [dreg:$0x0]  }
0x2fe: {  	s0 =	sadd.s32 s26, s0  }
0x2ff: {  	[tilespmem:s14], [sflag:$0x9] =	stream.linear.gather [hbm4b:s0+s21], $0x50, $0x38;
	[tilespmem:$0x1C700] =	vst v63  }
0x300: {  	_ =	swait.ge [sflag:s15], $0x50  }
0x301: {  	[sflag:s15] =	ssyncset.done $0x0  }
0x302: {  	[sflag:s15] =	ssyncadd.s32 $0xFFFFFFB0  }
0x303: {  	_ =	swait.ge [sflag:s15], $0x50  }
0x304: {  	[sflag:s15] =	ssyncset.done $0x0  }
0x305: {  	s18 =	sadd.s32 $0x1, s18;
	[sflag:s15] =	ssyncadd.s32 $0xFFFFFFB0  }
0x306: {  	[tilespmem:s16], [sflag:$0x7] =	stream.indirect.gather [hbm4b:s6+s25], $0x80, s22, s25, $0xb8;
	[tilespmem:$0x1C700] =	vst v63  }
0x307: {  	p0 =	sne.s32 s18, $0x28;
	s21 =	simm.s32 $0x7E00  }
0x308: {  	[tilespmem:s21], [sflag:$0x9] =	stream.indirect.gather [spmem:s3], $0x1, s14, s25, $0xb8;
	[tilespmem:$0x1C700] =	vst v63  }
.Ltmp9:
0x309: {  	_ = 	snop;
	(pc) =	sbr.rel @p0 .LBB2_8-.Ltmp9, $4  }
0x30a: {  	s22 =	simm.s32 $0x7E80  }
0x30b: {  	[tilespmem:s22], [sflag:$0x9] =	stream.indirect.gather [spmem:s4], $0x1, s14, s25, $0xb8;
	[tilespmem:$0x1C700] =	vst v63  }
0x30c: {  	s26 =	simm.s32 $0x7F00  }
0x30d: {  	[tilespmem:s26], [sflag:$0x9] =	stream.indirect.gather [spmem:s5], $0x1, s14, s25, $0xb8;
	[tilespmem:$0x1C700] =	vst v63  }
0x30e: {  	_ =	swait.ge [sflag:s17], $0x2800  }
0x30f: {  	[sflag:s17] =	ssyncset.done $0x0  }
0x310: {  	[sflag:s17] =	ssyncadd.s32 $0xFFFFD800  }
0x311: {  	s0 =	simm.s32 $0x0;
	_ =	swait.ge [sflag:s29], $0x50  }
0x312: {  	v5 =	vmov s0;
	[sflag:s29] =	ssyncset.done $0x0  }
0x313: {  	v5 =	vshll.u32 v5, $0x7;
	[sflag:s29] =	ssyncadd.s32 $0xFFFFFFB0  }
0x314: {  	v5 =	vor.u32 v1, v5;
	_ =	swait.ge [sflag:s29], $0x50  }
0x315: {  	v6 =	vor.u32 $0x30, v5;
	[sflag:s29] =	ssyncset.done $0x0  }
0x316: {  	[sflag:s29] =	ssyncadd.s32 $0xFFFFFFB0  }
0x317: {  	_ =	swait.ge [sflag:s29], $0x50  }
0x318: {  	[sflag:s29] =	ssyncset.done $0x0  }
0x319: {  	[sflag:s29] =	ssyncadd.s32 $0xFFFFFFB0  }
0x31a: {  	s7 =	simm.s32 $0x5380;
	v7 =	vld.idx.msk [tilespmem:v6+s30+$0x0], $0xffff  }
0x31b: {  	v8 =	vld [tilespmem:s7+$0x0];
	_ =	sdelay $0x4  }
0x31c: {  	v7 =	vadd.f32 v8, v7;
	_ =	sdelay $0x1  }
0x31d: {  	v8 =	vmul.f32 $2.000000030e-01, v7;
	_ =	sdelay $0x1  }
0x31e: {  	v7 =	vmax.f32 v7, v8  }
0x31f: {  	v7 =	vmul.f32 $1.442695020e+00, v7;
	_ =	sdelay $0x1  }
0x320: {  	(erf) = vpow2.f32 v7;
	_ =	sdelay $0x5  }
0x321: {  	v7 =	vor.u32 $0x31, v5;
	_ =	sdelay $0x2  }
0x322: {  	v8 =	vpop (erf)  }
0x323: {  	[tilespmem:v6+s30+$0x0] =	vst.idx.msk $0xffff, v8  }
0x324: {  	s9 =	simm.s32 $0x5400;
	v6 =	vld.idx.msk [tilespmem:v7+s30+$0x0], $0xffff  }
0x325: {  	v8 =	vld [tilespmem:s9+$0x0];
	_ =	sdelay $0x4  }
0x326: {  	v6 =	vadd.f32 v8, v6;
	_ =	sdelay $0x1  }
0x327: {  	v8 =	vmul.f32 $2.000000030e-01, v6;
	_ =	sdelay $0x1  }
0x328: {  	v6 =	vmax.f32 v6, v8  }
0x329: {  	v6 =	vmul.f32 $1.442695020e+00, v6;
	_ =	sdelay $0x1  }
0x32a: {  	(erf) = vpow2.f32 v6;
	_ =	sdelay $0x5  }
0x32b: {  	v6 =	vor.u32 $0x32, v5;
	_ =	sdelay $0x2  }
0x32c: {  	v5 =	vpop (erf)  }
0x32d: {  	[tilespmem:v7+s30+$0x0] =	vst.idx.msk $0xffff, v5  }
0x32e: {  	s22 =	simm.s32 $0x5480;
	v5 =	vld.idx.msk [tilespmem:v6+s30+$0x0], $0xffff  }
0x32f: {  	v7 =	vld [tilespmem:s22+$0x0];
	_ =	sdelay $0x4  }
0x330: {  	v5 =	vadd.f32 v7, v5;
	_ =	sdelay $0x1  }
0x331: {  	v7 =	vmul.f32 $2.000000030e-01, v5;
	_ =	sdelay $0x1  }
0x332: {  	v5 =	vmax.f32 v5, v7  }
0x333: {  	v5 =	vmul.f32 $1.442695020e+00, v5;
	_ =	sdelay $0x1  }
0x334: {  	(erf) = vpow2.f32 v5;
	_ =	sdelay $0x2  }
0x335: {  	s26 =	simm.s32 $0x10  }
0x336: {  	v5 =	vmov s26  }
0x337: {  	v5 =	vshll.u32 v5, $0x7  }
0x338: {  	v5 =	vor.u32 v1, v5  }
0x339: {  	v7 =	vor.u32 $0x30, v5;
	_ =	sdelay $0x1  }
0x33a: {  	s18 =	simm.s32 $0x5490;
	s0 =	simm.s32 $0x20;
	v8 =	vpop (erf)  }
.LBB2_22:
0x33b: {  	s7 =	sadd.s32 $0x10, s7  }
0x33c: {  	[tilespmem:v6+s30+$0x0] =	vst.idx.msk $0xffff, v8;
	s9 =	sadd.s32 $0x10, s9;
	s20 =	smov.u32 s0;
	s12 =	sadd.s32 $0x10, s0  }
0x33d: {  	p0 =	sne.s32 s0, $0x40;
	v6 =	vld.idx.msk [tilespmem:v7+s30+$0x0], $0xffff  }
0x33e: {  	v8 =	vld [tilespmem:s7+$0x0];
	_ =	sdelay $0x4  }
0x33f: {  	v6 =	vadd.f32 v8, v6;
	_ =	sdelay $0x1  }
0x340: {  	v8 =	vmul.f32 $2.000000030e-01, v6;
	_ =	sdelay $0x1  }
0x341: {  	v6 =	vmax.f32 v6, v8  }
0x342: {  	v6 =	vmul.f32 $1.442695020e+00, v6;
	_ =	sdelay $0x1  }
0x343: {  	(erf) = vpow2.f32 v6;
	_ =	sdelay $0x5  }
0x344: {  	v8 =	vor.u32 $0x31, v5;
	_ =	sdelay $0x2  }
0x345: {  	v6 =	vpop (erf)  }
0x346: {  	[tilespmem:v7+s30+$0x0] =	vst.idx.msk $0xffff, v6  }
0x347: {  	v6 =	vld.idx.msk [tilespmem:v8+s30+$0x0], $0xffff  }
0x348: {  	v7 =	vld [tilespmem:s9+$0x0];
	_ =	sdelay $0x4  }
0x349: {  	v6 =	vadd.f32 v7, v6;
	_ =	sdelay $0x1  }
0x34a: {  	v7 =	vmul.f32 $2.000000030e-01, v6;
	_ =	sdelay $0x1  }
0x34b: {  	v6 =	vmax.f32 v6, v7  }
0x34c: {  	v6 =	vmul.f32 $1.442695020e+00, v6;
	_ =	sdelay $0x1  }
0x34d: {  	(erf) = vpow2.f32 v6;
	_ =	sdelay $0x5  }
0x34e: {  	v6 =	vor.u32 $0x32, v5;
	_ =	sdelay $0x2  }
0x34f: {  	v5 =	vpop (erf)  }
0x350: {  	[tilespmem:v8+s30+$0x0] =	vst.idx.msk $0xffff, v5  }
0x351: {  	v5 =	vld.idx.msk [tilespmem:v6+s30+$0x0], $0xffff  }
0x352: {  	v7 =	vld [tilespmem:s18+$0x0];
	_ =	sdelay $0x4  }
0x353: {  	v5 =	vadd.f32 v7, v5;
	_ =	sdelay $0x1  }
0x354: {  	v7 =	vmul.f32 $2.000000030e-01, v5;
	_ =	sdelay $0x1  }
0x355: {  	v5 =	vmax.f32 v5, v7  }
0x356: {  	v5 =	vmul.f32 $1.442695020e+00, v5;
	_ =	sdelay $0x1  }
0x357: {  	(erf) = vpow2.f32 v5;
	_ =	sdelay $0x2  }
0x358: {  	v5 =	vmov s20  }
0x359: {  	v5 =	vshll.u32 v5, $0x7  }
.Ltmp10:
0x35a: {  	v5 =	vor.u32 v1, v5;
	(pc) =	sbr.rel @p0 .LBB2_22-.Ltmp10, $2  }
0x35b: {  	v7 =	vor.u32 $0x30, v5;
	_ =	sdelay $0x2  }
0x35c: {  	s0 =	smov.u32 s12;
	s18 =	sadd.s32 $0x10, s18;
	v8 =	vpop (erf)  }
0x35d: {  	_ =	sdelay $0x3  }
0x35e: {  	[tilespmem:v6+s30+$0x0] =	vst.idx.msk $0xffff, v8  }
0x35f: {  	s0 =	sadd.s32 $0x10, s7;
	v6 =	vld.idx.msk [tilespmem:v7+s30+$0x0], $0xffff  }
0x360: {  	v8 =	vld [tilespmem:s0+$0x0];
	_ =	sdelay $0x4  }
0x361: {  	v6 =	vadd.f32 v8, v6;
	_ =	sdelay $0x1  }
0x362: {  	v8 =	vmul.f32 $2.000000030e-01, v6;
	_ =	sdelay $0x1  }
0x363: {  	v6 =	vmax.f32 v6, v8  }
0x364: {  	v6 =	vmul.f32 $1.442695020e+00, v6;
	_ =	sdelay $0x1  }
0x365: {  	(erf) = vpow2.f32 v6;
	_ =	sdelay $0x5  }
0x366: {  	v6 =	vor.u32 $0x31, v5;
	_ =	sdelay $0x2  }
0x367: {  	v8 =	vpop (erf)  }
0x368: {  	[tilespmem:v7+s30+$0x0] =	vst.idx.msk $0xffff, v8  }
0x369: {  	s26 =	sadd.s32 $0x10, s9;
	v7 =	vld.idx.msk [tilespmem:v6+s30+$0x0], $0xffff  }
0x36a: {  	v8 =	vld [tilespmem:s26+$0x0];
	_ =	sdelay $0x4  }
0x36b: {  	v7 =	vadd.f32 v8, v7;
	_ =	sdelay $0x1  }
0x36c: {  	v8 =	vmul.f32 $2.000000030e-01, v7;
	_ =	sdelay $0x1  }
0x36d: {  	v7 =	vmax.f32 v7, v8  }
0x36e: {  	v7 =	vmul.f32 $1.442695020e+00, v7;
	_ =	sdelay $0x1  }
0x36f: {  	(erf) = vpow2.f32 v7;
	_ =	sdelay $0x5  }
0x370: {  	v5 =	vor.u32 $0x32, v5;
	_ =	sdelay $0x2  }
0x371: {  	v7 =	vpop (erf)  }
0x372: {  	[tilespmem:v6+s30+$0x0] =	vst.idx.msk $0xffff, v7  }
0x373: {  	v6 =	vld.idx.msk [tilespmem:v5+s30+$0x0], $0xffff  }
0x374: {  	v7 =	vld [tilespmem:s18+$0x0];
	_ =	sdelay $0x4  }
0x375: {  	v6 =	vadd.f32 v7, v6;
	_ =	sdelay $0x1  }
0x376: {  	v7 =	vmul.f32 $2.000000030e-01, v6;
	_ =	sdelay $0x1  }
0x377: {  	v6 =	vmax.f32 v6, v7  }
0x378: {  	v6 =	vmul.f32 $1.442695020e+00, v6;
	_ =	sdelay $0x1  }
0x379: {  	(erf) = vpow2.f32 v6;
	_ =	sdelay $0x8  }
0x37a: {  	v6 =	vpop (erf)  }
0x37b: {  	s7 =	simm.s32 $0x0;
	[tilespmem:v5+s30+$0x0] =	vst.idx.msk $0xffff, v6  }
0x37c: {  	v5 =	vld [tilespmem:s7+$0x2BB0];
	_ =	sdelay $0x1  }
0x37d: {  	v6 =	vld [tilespmem:s7+$0x2B80]  }
0x37e: {  	v7 =	vld [tilespmem:s7+$0x2B90]  }
0x37f: {  	v8 =	vld [tilespmem:s7+$0x2BA0]  }
0x380: {  	v9 =	vperm.xlane v5, v2  }
0x381: {  	v10 =	vperm.xlane v5, v3  }
0x382: {  	s9 =	simm.s32 $0x80;
	v11 =	vperm.xlane v5, v4;
	v9 =	vmul.f32 v6, v9  }
0x383: {  	v5 =	vld [tilespmem:s9+$0x2BB0];
	v6 =	vmul.f32 v7, v10  }
0x384: {  	s12 =	simm.s32 $0x400;
	v7 =	vmul.f32 v8, v11;
	[tilespmem:s7+$0x2B80] =	vst v9  }
.LBB2_24:
0x385: {  	p0 =	sne.s32 s12, $0x9E00;
	v8 =	vld [tilespmem:s9+$0x2B80];
	[tilespmem:s7+$0x2B90] =	vst v6  }
0x386: {  	v6 =	vld [tilespmem:s9+$0x2B90];
	[tilespmem:s7+$0x2BA0] =	vst v7;
	s7 =	smov.u32 s9  }
0x387: {  	v7 =	vld [tilespmem:s7+$0x2BA0]  }
.Ltmp11:
0x388: {  	v9 =	vperm.xlane v5, v2;
	(pc) =	sbr.rel @p0 .LBB2_24-.Ltmp11, $4  }
0x389: {  	v10 =	vperm.xlane v5, v3  }
0x38a: {  	s9 =	sshra.s32 s12, $0x2;
	v8 =	vmul.f32 v8, v9;
	v9 =	vperm.xlane v5, v4  }
0x38b: {  	v5 =	vld [tilespmem:s9+$0x2BB0];
	v6 =	vmul.f32 v6, v10  }
0x38c: {  	s12 =	sadd.s32 $0x200, s12;
	[tilespmem:s7+$0x2B80] =	vst v8;
	v7 =	vmul.f32 v7, v9  }
0x38d: {  	v8 =	vld [tilespmem:s9+$0x2B80];
	[tilespmem:s7+$0x2B90] =	vst v6  }
0x38e: {  	v6 =	vld [tilespmem:s9+$0x2B90];
	[tilespmem:s7+$0x2BA0] =	vst v7  }
0x38f: {  	v7 =	vld [tilespmem:s9+$0x2BA0]  }
0x390: {  	v9 =	vperm.xlane v5, v2  }
0x391: {  	v10 =	vperm.xlane v5, v3  }
0x392: {  	v5 =	vperm.xlane v5, v4;
	v8 =	vmul.f32 v8, v9  }
0x393: {  	v6 =	vmul.f32 v6, v10  }
0x394: {  	[tilespmem:s9+$0x2B80] =	vst v8;
	v5 =	vmul.f32 v7, v5  }
0x395: {  	[tilespmem:s9+$0x2B90] =	vst v6  }
0x396: {  	[tilespmem:s9+$0x2BA0] =	vst v5  }
0x397: {  	[spmem:s2] =	stream.indirect.scatter.add.f32 [tilespmem:s30], [sflag:$0x5], $0x80, s28, s25, $0xb8;
	[tilespmem:$0x1C700] =	vst v63  }
0x398: {  	_ =	swait.ge [sflag:s13], $0x2800  }
0x399: {  	[sflag:s13] =	ssyncset.done $0x0  }
0x39a: {  	s0 =	simm.s32 $0x0;
	s9 =	rddreg [dreg:$0x17];
	[sflag:s13] =	ssyncadd.s32 $0xFFFFD800  }
0x39b: {  	[tilespmem:s0], [sflag:$0x3] =	stream.linear.gather [hbm4b:s9+s0], $0x50, $0x38;
	[tilespmem:$0x1C700] =	vst v63  }
0x39c: {  	s12 =	rddreg [dreg:$0x18]  }
0x39d: {  	[tilespmem:s23], [sflag:$0x3] =	stream.linear.gather [hbm4b:s12+s0], $0x50, $0x38;
	[tilespmem:$0x1C700] =	vst v63  }
0x39e: {  	_ =	swait.ge [sflag:s24], $0x50  }
0x39f: {  	[sflag:s24] =	ssyncset.done $0x0  }
0x3a0: {  	[sflag:s24] =	ssyncadd.s32 $0xFFFFFFB0  }
0x3a1: {  	_ =	swait.ge [sflag:s24], $0x50  }
0x3a2: {  	[sflag:s24] =	ssyncset.done $0x0  }
0x3a3: {  	[sflag:s24] =	ssyncadd.s32 $0xFFFFFFB0  }
0x3a4: {  	[tilespmem:s19], [sflag:$0x1] =	stream.indirect.gather [hbm4b:s6+s25], $0x80, s0, s25, $0xb8;
	[tilespmem:$0x1C700] =	vst v63  }
0x3a5: {  	s18 =	simm.s32 $0x2900  }
0x3a6: {  	[tilespmem:s18], [sflag:$0x3] =	stream.indirect.gather [spmem:s3], $0x1, s23, s25, $0xb8;
	[tilespmem:$0x1C700] =	vst v63  }
0x3a7: {  	s20 =	simm.s32 $0x2980  }
0x3a8: {  	[tilespmem:s20], [sflag:$0x3] =	stream.indirect.gather [spmem:s4], $0x1, s23, s25, $0xb8;
	[tilespmem:$0x1C700] =	vst v63  }
0x3a9: {  	s21 =	simm.s32 $0x2A00  }
0x3aa: {  	[tilespmem:s21], [sflag:$0x3] =	stream.indirect.gather [spmem:s5], $0x1, s23, s25, $0xb8;
	[tilespmem:$0x1C700] =	vst v63  }
0x3ab: {  	_ =	swait.ge [sflag:s10], $0x2800  }
0x3ac: {  	[sflag:s10] =	ssyncset.done $0x0  }
0x3ad: {  	[sflag:s10] =	ssyncadd.s32 $0xFFFFD800  }
0x3ae: {  	_ =	swait.ge [sflag:s15], $0x50  }
0x3af: {  	v5 =	vmov s0;
	[sflag:s15] =	ssyncset.done $0x0  }
0x3b0: {  	v5 =	vshll.u32 v5, $0x7;
	[sflag:s15] =	ssyncadd.s32 $0xFFFFFFB0  }
0x3b1: {  	v5 =	vor.u32 v1, v5;
	_ =	swait.ge [sflag:s15], $0x50  }
0x3b2: {  	v6 =	vor.u32 $0x30, v5;
	[sflag:s15] =	ssyncset.done $0x0  }
0x3b3: {  	[sflag:s15] =	ssyncadd.s32 $0xFFFFFFB0  }
0x3b4: {  	_ =	swait.ge [sflag:s15], $0x50  }
0x3b5: {  	[sflag:s15] =	ssyncset.done $0x0  }
0x3b6: {  	[sflag:s15] =	ssyncadd.s32 $0xFFFFFFB0  }
0x3b7: {  	s7 =	simm.s32 $0x7E00;
	v7 =	vld.idx.msk [tilespmem:v6+s16+$0x0], $0xffff  }
0x3b8: {  	v8 =	vld [tilespmem:s7+$0x0];
	_ =	sdelay $0x4  }
0x3b9: {  	v7 =	vadd.f32 v8, v7;
	_ =	sdelay $0x1  }
0x3ba: {  	v8 =	vmul.f32 $2.000000030e-01, v7;
	_ =	sdelay $0x1  }
0x3bb: {  	v7 =	vmax.f32 v7, v8  }
0x3bc: {  	v7 =	vmul.f32 $1.442695020e+00, v7;
	_ =	sdelay $0x1  }
0x3bd: {  	(erf) = vpow2.f32 v7;
	_ =	sdelay $0x5  }
0x3be: {  	v7 =	vor.u32 $0x31, v5;
	_ =	sdelay $0x2  }
0x3bf: {  	v8 =	vpop (erf)  }
0x3c0: {  	[tilespmem:v6+s16+$0x0] =	vst.idx.msk $0xffff, v8  }
0x3c1: {  	s9 =	simm.s32 $0x7E80;
	v6 =	vld.idx.msk [tilespmem:v7+s16+$0x0], $0xffff  }
0x3c2: {  	v8 =	vld [tilespmem:s9+$0x0];
	_ =	sdelay $0x4  }
0x3c3: {  	v6 =	vadd.f32 v8, v6;
	_ =	sdelay $0x1  }
0x3c4: {  	v8 =	vmul.f32 $2.000000030e-01, v6;
	_ =	sdelay $0x1  }
0x3c5: {  	v6 =	vmax.f32 v6, v8  }
0x3c6: {  	v6 =	vmul.f32 $1.442695020e+00, v6;
	_ =	sdelay $0x1  }
0x3c7: {  	(erf) = vpow2.f32 v6;
	_ =	sdelay $0x5  }
0x3c8: {  	v6 =	vor.u32 $0x32, v5;
	_ =	sdelay $0x2  }
0x3c9: {  	v5 =	vpop (erf)  }
0x3ca: {  	[tilespmem:v7+s16+$0x0] =	vst.idx.msk $0xffff, v5  }
0x3cb: {  	s22 =	simm.s32 $0x7F00;
	v5 =	vld.idx.msk [tilespmem:v6+s16+$0x0], $0xffff  }
0x3cc: {  	v7 =	vld [tilespmem:s22+$0x0];
	_ =	sdelay $0x4  }
0x3cd: {  	v5 =	vadd.f32 v7, v5;
	_ =	sdelay $0x1  }
0x3ce: {  	v7 =	vmul.f32 $2.000000030e-01, v5;
	_ =	sdelay $0x1  }
0x3cf: {  	v5 =	vmax.f32 v5, v7  }
0x3d0: {  	v5 =	vmul.f32 $1.442695020e+00, v5;
	_ =	sdelay $0x1  }
0x3d1: {  	(erf) = vpow2.f32 v5;
	_ =	sdelay $0x2  }
0x3d2: {  	s26 =	simm.s32 $0x10  }
0x3d3: {  	v5 =	vmov s26  }
0x3d4: {  	v5 =	vshll.u32 v5, $0x7  }
0x3d5: {  	v5 =	vor.u32 v1, v5  }
0x3d6: {  	v7 =	vor.u32 $0x30, v5;
	_ =	sdelay $0x1  }
0x3d7: {  	s0 =	simm.s32 $0x20;
	s18 =	simm.s32 $0x7F10;
	v8 =	vpop (erf)  }
.LBB2_26:
0x3d8: {  	s7 =	sadd.s32 $0x10, s7  }
0x3d9: {  	[tilespmem:v6+s16+$0x0] =	vst.idx.msk $0xffff, v8;
	s9 =	sadd.s32 $0x10, s9;
	s20 =	smov.u32 s0;
	s12 =	sadd.s32 $0x10, s0  }
0x3da: {  	p0 =	sne.s32 s0, $0x40;
	v6 =	vld.idx.msk [tilespmem:v7+s16+$0x0], $0xffff  }
0x3db: {  	v8 =	vld [tilespmem:s7+$0x0];
	_ =	sdelay $0x4  }
0x3dc: {  	v6 =	vadd.f32 v8, v6;
	_ =	sdelay $0x1  }
0x3dd: {  	v8 =	vmul.f32 $2.000000030e-01, v6;
	_ =	sdelay $0x1  }
0x3de: {  	v6 =	vmax.f32 v6, v8  }
0x3df: {  	v6 =	vmul.f32 $1.442695020e+00, v6;
	_ =	sdelay $0x1  }
0x3e0: {  	(erf) = vpow2.f32 v6;
	_ =	sdelay $0x5  }
0x3e1: {  	v8 =	vor.u32 $0x31, v5;
	_ =	sdelay $0x2  }
0x3e2: {  	v6 =	vpop (erf)  }
0x3e3: {  	[tilespmem:v7+s16+$0x0] =	vst.idx.msk $0xffff, v6  }
0x3e4: {  	v6 =	vld.idx.msk [tilespmem:v8+s16+$0x0], $0xffff  }
0x3e5: {  	v7 =	vld [tilespmem:s9+$0x0];
	_ =	sdelay $0x4  }
0x3e6: {  	v6 =	vadd.f32 v7, v6;
	_ =	sdelay $0x1  }
0x3e7: {  	v7 =	vmul.f32 $2.000000030e-01, v6;
	_ =	sdelay $0x1  }
0x3e8: {  	v6 =	vmax.f32 v6, v7  }
0x3e9: {  	v6 =	vmul.f32 $1.442695020e+00, v6;
	_ =	sdelay $0x1  }
0x3ea: {  	(erf) = vpow2.f32 v6;
	_ =	sdelay $0x5  }
0x3eb: {  	v6 =	vor.u32 $0x32, v5;
	_ =	sdelay $0x2  }
0x3ec: {  	v5 =	vpop (erf)  }
0x3ed: {  	[tilespmem:v8+s16+$0x0] =	vst.idx.msk $0xffff, v5  }
0x3ee: {  	v5 =	vld.idx.msk [tilespmem:v6+s16+$0x0], $0xffff  }
0x3ef: {  	v7 =	vld [tilespmem:s18+$0x0];
	_ =	sdelay $0x4  }
0x3f0: {  	v5 =	vadd.f32 v7, v5;
	_ =	sdelay $0x1  }
0x3f1: {  	v7 =	vmul.f32 $2.000000030e-01, v5;
	_ =	sdelay $0x1  }
0x3f2: {  	v5 =	vmax.f32 v5, v7  }
0x3f3: {  	v5 =	vmul.f32 $1.442695020e+00, v5;
	_ =	sdelay $0x1  }
0x3f4: {  	(erf) = vpow2.f32 v5;
	_ =	sdelay $0x2  }
0x3f5: {  	v5 =	vmov s20  }
0x3f6: {  	v5 =	vshll.u32 v5, $0x7  }
.Ltmp12:
0x3f7: {  	v5 =	vor.u32 v1, v5;
	(pc) =	sbr.rel @p0 .LBB2_26-.Ltmp12, $2  }
0x3f8: {  	v7 =	vor.u32 $0x30, v5;
	_ =	sdelay $0x2  }
0x3f9: {  	s0 =	smov.u32 s12;
	s18 =	sadd.s32 $0x10, s18;
	v8 =	vpop (erf)  }
0x3fa: {  	_ =	sdelay $0x3  }
0x3fb: {  	[tilespmem:v6+s16+$0x0] =	vst.idx.msk $0xffff, v8  }
0x3fc: {  	s0 =	sadd.s32 $0x10, s7;
	v6 =	vld.idx.msk [tilespmem:v7+s16+$0x0], $0xffff  }
0x3fd: {  	v8 =	vld [tilespmem:s0+$0x0];
	_ =	sdelay $0x4  }
0x3fe: {  	v6 =	vadd.f32 v8, v6;
	_ =	sdelay $0x1  }
0x3ff: {  	v8 =	vmul.f32 $2.000000030e-01, v6;
	_ =	sdelay $0x1  }
0x400: {  	v6 =	vmax.f32 v6, v8  }
0x401: {  	v6 =	vmul.f32 $1.442695020e+00, v6;
	_ =	sdelay $0x1  }
0x402: {  	(erf) = vpow2.f32 v6;
	_ =	sdelay $0x5  }
0x403: {  	v6 =	vor.u32 $0x31, v5;
	_ =	sdelay $0x2  }
0x404: {  	v8 =	vpop (erf)  }
0x405: {  	[tilespmem:v7+s16+$0x0] =	vst.idx.msk $0xffff, v8  }
0x406: {  	s26 =	sadd.s32 $0x10, s9;
	v7 =	vld.idx.msk [tilespmem:v6+s16+$0x0], $0xffff  }
0x407: {  	v8 =	vld [tilespmem:s26+$0x0];
	_ =	sdelay $0x4  }
0x408: {  	v7 =	vadd.f32 v8, v7;
	_ =	sdelay $0x1  }
0x409: {  	v8 =	vmul.f32 $2.000000030e-01, v7;
	_ =	sdelay $0x1  }
0x40a: {  	v7 =	vmax.f32 v7, v8  }
0x40b: {  	v7 =	vmul.f32 $1.442695020e+00, v7;
	_ =	sdelay $0x1  }
0x40c: {  	(erf) = vpow2.f32 v7;
	_ =	sdelay $0x5  }
0x40d: {  	v5 =	vor.u32 $0x32, v5;
	_ =	sdelay $0x2  }
0x40e: {  	v7 =	vpop (erf)  }
0x40f: {  	[tilespmem:v6+s16+$0x0] =	vst.idx.msk $0xffff, v7  }
0x410: {  	v6 =	vld.idx.msk [tilespmem:v5+s16+$0x0], $0xffff  }
0x411: {  	v7 =	vld [tilespmem:s18+$0x0];
	_ =	sdelay $0x4  }
0x412: {  	v6 =	vadd.f32 v7, v6;
	_ =	sdelay $0x1  }
0x413: {  	v7 =	vmul.f32 $2.000000030e-01, v6;
	_ =	sdelay $0x1  }
0x414: {  	v6 =	vmax.f32 v6, v7  }
0x415: {  	v6 =	vmul.f32 $1.442695020e+00, v6;
	_ =	sdelay $0x1  }
0x416: {  	(erf) = vpow2.f32 v6;
	_ =	sdelay $0x8  }
0x417: {  	v6 =	vpop (erf)  }
0x418: {  	s7 =	simm.s32 $0x0;
	[tilespmem:v5+s16+$0x0] =	vst.idx.msk $0xffff, v6  }
0x419: {  	v5 =	vld [tilespmem:s7+$0x5630];
	_ =	sdelay $0x1  }
0x41a: {  	v6 =	vld [tilespmem:s7+$0x5600]  }
0x41b: {  	v7 =	vld [tilespmem:s7+$0x5610]  }
0x41c: {  	v8 =	vld [tilespmem:s7+$0x5620]  }
0x41d: {  	v9 =	vperm.xlane v5, v2  }
0x41e: {  	v10 =	vperm.xlane v5, v3  }
0x41f: {  	s9 =	simm.s32 $0x80;
	v11 =	vperm.xlane v5, v4;
	v9 =	vmul.f32 v6, v9  }
0x420: {  	v5 =	vld [tilespmem:s9+$0x5630];
	v6 =	vmul.f32 v7, v10  }
0x421: {  	s12 =	simm.s32 $0x400;
	v7 =	vmul.f32 v8, v11;
	[tilespmem:s7+$0x5600] =	vst v9  }
.LBB2_28:
0x422: {  	p0 =	sne.s32 s12, $0x9E00;
	v8 =	vld [tilespmem:s9+$0x5600];
	[tilespmem:s7+$0x5610] =	vst v6  }
0x423: {  	v6 =	vld [tilespmem:s9+$0x5610];
	[tilespmem:s7+$0x5620] =	vst v7;
	s7 =	smov.u32 s9  }
0x424: {  	v7 =	vld [tilespmem:s7+$0x5620]  }
.Ltmp13:
0x425: {  	v9 =	vperm.xlane v5, v2;
	(pc) =	sbr.rel @p0 .LBB2_28-.Ltmp13, $4  }
0x426: {  	v10 =	vperm.xlane v5, v3  }
0x427: {  	s9 =	sshra.s32 s12, $0x2;
	v8 =	vmul.f32 v8, v9;
	v9 =	vperm.xlane v5, v4  }
0x428: {  	v5 =	vld [tilespmem:s9+$0x5630];
	v6 =	vmul.f32 v6, v10  }
0x429: {  	s12 =	sadd.s32 $0x200, s12;
	[tilespmem:s7+$0x5600] =	vst v8;
	v7 =	vmul.f32 v7, v9  }
0x42a: {  	v8 =	vld [tilespmem:s9+$0x5600];
	[tilespmem:s7+$0x5610] =	vst v6  }
0x42b: {  	v6 =	vld [tilespmem:s9+$0x5610];
	[tilespmem:s7+$0x5620] =	vst v7  }
0x42c: {  	v7 =	vld [tilespmem:s9+$0x5620]  }
0x42d: {  	v9 =	vperm.xlane v5, v2  }
0x42e: {  	v10 =	vperm.xlane v5, v3  }
0x42f: {  	v5 =	vperm.xlane v5, v4;
	v8 =	vmul.f32 v8, v9  }
0x430: {  	v6 =	vmul.f32 v6, v10  }
0x431: {  	[tilespmem:s9+$0x5600] =	vst v8;
	v5 =	vmul.f32 v7, v5  }
0x432: {  	[tilespmem:s9+$0x5610] =	vst v6  }
0x433: {  	[tilespmem:s9+$0x5620] =	vst v5  }
0x434: {  	[spmem:s2] =	stream.indirect.scatter.add.f32 [tilespmem:s16], [sflag:$0x8], $0x80, s14, s25, $0xb8;
	[tilespmem:$0x1C700] =	vst v63  }
0x435: {  	_ =	swait.ge [sflag:s31], $0x2800  }
0x436: {  	s0 =	simm.s32 $0x0;
	[sflag:s31] =	ssyncset.done $0x0  }
0x437: {  	s26 =	simm.s32 $0x2A80;
	s22 =	rddreg [dreg:$0x19];
	[sflag:s31] =	ssyncadd.s32 $0xFFFFD800  }
0x438: {  	[tilespmem:s26], [sflag:$0x6] =	stream.linear.gather [hbm4b:s22+s0], $0x50, $0x38;
	[tilespmem:$0x1C700] =	vst v63  }
0x439: {  	s12 =	rddreg [dreg:$0x1a]  }
0x43a: {  	[tilespmem:s28], [sflag:$0x6] =	stream.linear.gather [hbm4b:s12+s0], $0x50, $0x38;
	[tilespmem:$0x1C700] =	vst v63  }
0x43b: {  	_ =	swait.ge [sflag:s29], $0x50  }
0x43c: {  	[sflag:s29] =	ssyncset.done $0x0  }
0x43d: {  	[sflag:s29] =	ssyncadd.s32 $0xFFFFFFB0  }
0x43e: {  	_ =	swait.ge [sflag:s29], $0x50  }
0x43f: {  	[sflag:s29] =	ssyncset.done $0x0  }
0x440: {  	[sflag:s29] =	ssyncadd.s32 $0xFFFFFFB0  }
0x441: {  	[tilespmem:s30], [sflag:$0x4] =	stream.indirect.gather [hbm4b:s6+s25], $0x80, s26, s25, $0xb8;
	[tilespmem:$0x1C700] =	vst v63  }
0x442: {  	s18 =	simm.s32 $0x5380  }
0x443: {  	[tilespmem:s18], [sflag:$0x6] =	stream.indirect.gather [spmem:s3], $0x1, s28, s25, $0xb8;
	[tilespmem:$0x1C700] =	vst v63  }
0x444: {  	s20 =	simm.s32 $0x5400  }
0x445: {  	[tilespmem:s20], [sflag:$0x6] =	stream.indirect.gather [spmem:s4], $0x1, s28, s25, $0xb8;
	[tilespmem:$0x1C700] =	vst v63  }
0x446: {  	s21 =	simm.s32 $0x5480  }
0x447: {  	[tilespmem:s21], [sflag:$0x6] =	stream.indirect.gather [spmem:s5], $0x1, s28, s25, $0xb8;
	[tilespmem:$0x1C700] =	vst v63  }
0x448: {  	_ =	swait.ge [sflag:s11], $0x2800  }
0x449: {  	[sflag:s11] =	ssyncset.done $0x0  }
0x44a: {  	[sflag:s11] =	ssyncadd.s32 $0xFFFFD800  }
0x44b: {  	_ =	swait.ge [sflag:s24], $0x50  }
0x44c: {  	v5 =	vmov s0;
	[sflag:s24] =	ssyncset.done $0x0  }
0x44d: {  	v5 =	vshll.u32 v5, $0x7;
	[sflag:s24] =	ssyncadd.s32 $0xFFFFFFB0  }
0x44e: {  	v5 =	vor.u32 v1, v5;
	_ =	swait.ge [sflag:s24], $0x50  }
0x44f: {  	v6 =	vor.u32 $0x30, v5;
	[sflag:s24] =	ssyncset.done $0x0  }
0x450: {  	[sflag:s24] =	ssyncadd.s32 $0xFFFFFFB0  }
0x451: {  	_ =	swait.ge [sflag:s24], $0x50  }
0x452: {  	[sflag:s24] =	ssyncset.done $0x0  }
0x453: {  	[sflag:s24] =	ssyncadd.s32 $0xFFFFFFB0  }
0x454: {  	s7 =	simm.s32 $0x2900;
	v7 =	vld.idx.msk [tilespmem:v6+s19+$0x0], $0xffff  }
0x455: {  	v8 =	vld [tilespmem:s7+$0x0];
	_ =	sdelay $0x4  }
0x456: {  	v7 =	vadd.f32 v8, v7;
	_ =	sdelay $0x1  }
0x457: {  	v8 =	vmul.f32 $2.000000030e-01, v7;
	_ =	sdelay $0x1  }
0x458: {  	v7 =	vmax.f32 v7, v8  }
0x459: {  	v7 =	vmul.f32 $1.442695020e+00, v7;
	_ =	sdelay $0x1  }
0x45a: {  	(erf) = vpow2.f32 v7;
	_ =	sdelay $0x5  }
0x45b: {  	v7 =	vor.u32 $0x31, v5;
	_ =	sdelay $0x2  }
0x45c: {  	v8 =	vpop (erf)  }
0x45d: {  	[tilespmem:v6+s19+$0x0] =	vst.idx.msk $0xffff, v8  }
0x45e: {  	s9 =	simm.s32 $0x2980;
	v6 =	vld.idx.msk [tilespmem:v7+s19+$0x0], $0xffff  }
0x45f: {  	v8 =	vld [tilespmem:s9+$0x0];
	_ =	sdelay $0x4  }
0x460: {  	v6 =	vadd.f32 v8, v6;
	_ =	sdelay $0x1  }
0x461: {  	v8 =	vmul.f32 $2.000000030e-01, v6;
	_ =	sdelay $0x1  }
0x462: {  	v6 =	vmax.f32 v6, v8  }
0x463: {  	v6 =	vmul.f32 $1.442695020e+00, v6;
	_ =	sdelay $0x1  }
0x464: {  	(erf) = vpow2.f32 v6;
	_ =	sdelay $0x5  }
0x465: {  	v6 =	vor.u32 $0x32, v5;
	_ =	sdelay $0x2  }
0x466: {  	v5 =	vpop (erf)  }
0x467: {  	[tilespmem:v7+s19+$0x0] =	vst.idx.msk $0xffff, v5  }
0x468: {  	s22 =	simm.s32 $0x2A00;
	v5 =	vld.idx.msk [tilespmem:v6+s19+$0x0], $0xffff  }
0x469: {  	v7 =	vld [tilespmem:s22+$0x0];
	_ =	sdelay $0x4  }
0x46a: {  	v5 =	vadd.f32 v7, v5;
	_ =	sdelay $0x1  }
0x46b: {  	v7 =	vmul.f32 $2.000000030e-01, v5;
	_ =	sdelay $0x1  }
0x46c: {  	v5 =	vmax.f32 v5, v7  }
0x46d: {  	v5 =	vmul.f32 $1.442695020e+00, v5;
	_ =	sdelay $0x1  }
0x46e: {  	(erf) = vpow2.f32 v5;
	_ =	sdelay $0x2  }
0x46f: {  	s26 =	simm.s32 $0x10  }
0x470: {  	v5 =	vmov s26  }
0x471: {  	v5 =	vshll.u32 v5, $0x7  }
0x472: {  	v5 =	vor.u32 v1, v5  }
0x473: {  	v7 =	vor.u32 $0x30, v5;
	_ =	sdelay $0x1  }
0x474: {  	s0 =	simm.s32 $0x20;
	s18 =	simm.s32 $0x2A10;
	v8 =	vpop (erf)  }
.LBB2_30:
0x475: {  	s7 =	sadd.s32 $0x10, s7  }
0x476: {  	[tilespmem:v6+s19+$0x0] =	vst.idx.msk $0xffff, v8;
	s9 =	sadd.s32 $0x10, s9;
	s20 =	smov.u32 s0;
	s12 =	sadd.s32 $0x10, s0  }
0x477: {  	p0 =	sne.s32 s0, $0x40;
	v6 =	vld.idx.msk [tilespmem:v7+s19+$0x0], $0xffff  }
0x478: {  	v8 =	vld [tilespmem:s7+$0x0];
	_ =	sdelay $0x4  }
0x479: {  	v6 =	vadd.f32 v8, v6;
	_ =	sdelay $0x1  }
0x47a: {  	v8 =	vmul.f32 $2.000000030e-01, v6;
	_ =	sdelay $0x1  }
0x47b: {  	v6 =	vmax.f32 v6, v8  }
0x47c: {  	v6 =	vmul.f32 $1.442695020e+00, v6;
	_ =	sdelay $0x1  }
0x47d: {  	(erf) = vpow2.f32 v6;
	_ =	sdelay $0x5  }
0x47e: {  	v8 =	vor.u32 $0x31, v5;
	_ =	sdelay $0x2  }
0x47f: {  	v6 =	vpop (erf)  }
0x480: {  	[tilespmem:v7+s19+$0x0] =	vst.idx.msk $0xffff, v6  }
0x481: {  	v6 =	vld.idx.msk [tilespmem:v8+s19+$0x0], $0xffff  }
0x482: {  	v7 =	vld [tilespmem:s9+$0x0];
	_ =	sdelay $0x4  }
0x483: {  	v6 =	vadd.f32 v7, v6;
	_ =	sdelay $0x1  }
0x484: {  	v7 =	vmul.f32 $2.000000030e-01, v6;
	_ =	sdelay $0x1  }
0x485: {  	v6 =	vmax.f32 v6, v7  }
0x486: {  	v6 =	vmul.f32 $1.442695020e+00, v6;
	_ =	sdelay $0x1  }
0x487: {  	(erf) = vpow2.f32 v6;
	_ =	sdelay $0x5  }
0x488: {  	v6 =	vor.u32 $0x32, v5;
	_ =	sdelay $0x2  }
0x489: {  	v5 =	vpop (erf)  }
0x48a: {  	[tilespmem:v8+s19+$0x0] =	vst.idx.msk $0xffff, v5  }
0x48b: {  	v5 =	vld.idx.msk [tilespmem:v6+s19+$0x0], $0xffff  }
0x48c: {  	v7 =	vld [tilespmem:s18+$0x0];
	_ =	sdelay $0x4  }
0x48d: {  	v5 =	vadd.f32 v7, v5;
	_ =	sdelay $0x1  }
0x48e: {  	v7 =	vmul.f32 $2.000000030e-01, v5;
	_ =	sdelay $0x1  }
0x48f: {  	v5 =	vmax.f32 v5, v7  }
0x490: {  	v5 =	vmul.f32 $1.442695020e+00, v5;
	_ =	sdelay $0x1  }
0x491: {  	(erf) = vpow2.f32 v5;
	_ =	sdelay $0x2  }
0x492: {  	v5 =	vmov s20  }
0x493: {  	v5 =	vshll.u32 v5, $0x7  }
.Ltmp14:
0x494: {  	v5 =	vor.u32 v1, v5;
	(pc) =	sbr.rel @p0 .LBB2_30-.Ltmp14, $2  }
0x495: {  	v7 =	vor.u32 $0x30, v5;
	_ =	sdelay $0x2  }
0x496: {  	s0 =	smov.u32 s12;
	s18 =	sadd.s32 $0x10, s18;
	v8 =	vpop (erf)  }
0x497: {  	_ =	sdelay $0x3  }
0x498: {  	[tilespmem:v6+s19+$0x0] =	vst.idx.msk $0xffff, v8  }
0x499: {  	s0 =	sadd.s32 $0x10, s7;
	v6 =	vld.idx.msk [tilespmem:v7+s19+$0x0], $0xffff  }
0x49a: {  	v8 =	vld [tilespmem:s0+$0x0];
	_ =	sdelay $0x4  }
0x49b: {  	v6 =	vadd.f32 v8, v6;
	_ =	sdelay $0x1  }
0x49c: {  	v8 =	vmul.f32 $2.000000030e-01, v6;
	_ =	sdelay $0x1  }
0x49d: {  	v6 =	vmax.f32 v6, v8  }
0x49e: {  	v6 =	vmul.f32 $1.442695020e+00, v6;
	_ =	sdelay $0x1  }
0x49f: {  	(erf) = vpow2.f32 v6;
	_ =	sdelay $0x5  }
0x4a0: {  	v6 =	vor.u32 $0x31, v5;
	_ =	sdelay $0x2  }
0x4a1: {  	v8 =	vpop (erf)  }
0x4a2: {  	[tilespmem:v7+s19+$0x0] =	vst.idx.msk $0xffff, v8  }
0x4a3: {  	s26 =	sadd.s32 $0x10, s9;
	v7 =	vld.idx.msk [tilespmem:v6+s19+$0x0], $0xffff  }
0x4a4: {  	v8 =	vld [tilespmem:s26+$0x0];
	_ =	sdelay $0x4  }
0x4a5: {  	v7 =	vadd.f32 v8, v7;
	_ =	sdelay $0x1  }
0x4a6: {  	v8 =	vmul.f32 $2.000000030e-01, v7;
	_ =	sdelay $0x1  }
0x4a7: {  	v7 =	vmax.f32 v7, v8  }
0x4a8: {  	v7 =	vmul.f32 $1.442695020e+00, v7;
	_ =	sdelay $0x1  }
0x4a9: {  	(erf) = vpow2.f32 v7;
	_ =	sdelay $0x5  }
0x4aa: {  	v5 =	vor.u32 $0x32, v5;
	_ =	sdelay $0x2  }
0x4ab: {  	v7 =	vpop (erf)  }
0x4ac: {  	[tilespmem:v6+s19+$0x0] =	vst.idx.msk $0xffff, v7  }
0x4ad: {  	v6 =	vld.idx.msk [tilespmem:v5+s19+$0x0], $0xffff  }
0x4ae: {  	v7 =	vld [tilespmem:s18+$0x0];
	_ =	sdelay $0x4  }
0x4af: {  	v6 =	vadd.f32 v7, v6;
	_ =	sdelay $0x1  }
0x4b0: {  	v7 =	vmul.f32 $2.000000030e-01, v6;
	_ =	sdelay $0x1  }
0x4b1: {  	v6 =	vmax.f32 v6, v7  }
0x4b2: {  	v6 =	vmul.f32 $1.442695020e+00, v6;
	_ =	sdelay $0x1  }
0x4b3: {  	(erf) = vpow2.f32 v6;
	_ =	sdelay $0x8  }
0x4b4: {  	v6 =	vpop (erf)  }
0x4b5: {  	s7 =	simm.s32 $0x0;
	[tilespmem:v5+s19+$0x0] =	vst.idx.msk $0xffff, v6  }
0x4b6: {  	v5 =	vld [tilespmem:s7+$0x130];
	_ =	sdelay $0x1  }
0x4b7: {  	v6 =	vld [tilespmem:s7+$0x100]  }
0x4b8: {  	v7 =	vld [tilespmem:s7+$0x110]  }
0x4b9: {  	v8 =	vld [tilespmem:s7+$0x120]  }
0x4ba: {  	v9 =	vperm.xlane v5, v2  }
0x4bb: {  	v10 =	vperm.xlane v5, v3  }
0x4bc: {  	s9 =	simm.s32 $0x80;
	v11 =	vperm.xlane v5, v4;
	v9 =	vmul.f32 v6, v9  }
0x4bd: {  	v5 =	vld [tilespmem:s9+$0x130];
	v6 =	vmul.f32 v7, v10  }
0x4be: {  	s12 =	simm.s32 $0x400;
	v7 =	vmul.f32 v8, v11;
	[tilespmem:s7+$0x100] =	vst v9  }
.LBB2_32:
0x4bf: {  	p0 =	sne.s32 s12, $0x9E00;
	v8 =	vld [tilespmem:s9+$0x100];
	[tilespmem:s7+$0x110] =	vst v6  }
0x4c0: {  	v6 =	vld [tilespmem:s9+$0x110];
	[tilespmem:s7+$0x120] =	vst v7;
	s7 =	smov.u32 s9  }
0x4c1: {  	v7 =	vld [tilespmem:s7+$0x120]  }
.Ltmp15:
0x4c2: {  	v9 =	vperm.xlane v5, v2;
	(pc) =	sbr.rel @p0 .LBB2_32-.Ltmp15, $4  }
0x4c3: {  	v10 =	vperm.xlane v5, v3  }
0x4c4: {  	s9 =	sshra.s32 s12, $0x2;
	v8 =	vmul.f32 v8, v9;
	v9 =	vperm.xlane v5, v4  }
0x4c5: {  	v5 =	vld [tilespmem:s9+$0x130];
	v6 =	vmul.f32 v6, v10  }
0x4c6: {  	s12 =	sadd.s32 $0x200, s12;
	[tilespmem:s7+$0x100] =	vst v8;
	v7 =	vmul.f32 v7, v9  }
0x4c7: {  	v8 =	vld [tilespmem:s9+$0x100];
	[tilespmem:s7+$0x110] =	vst v6  }
0x4c8: {  	v6 =	vld [tilespmem:s9+$0x110];
	[tilespmem:s7+$0x120] =	vst v7  }
0x4c9: {  	v7 =	vld [tilespmem:s9+$0x120]  }
0x4ca: {  	v9 =	vperm.xlane v5, v2  }
0x4cb: {  	v10 =	vperm.xlane v5, v3  }
0x4cc: {  	v5 =	vperm.xlane v5, v4;
	v8 =	vmul.f32 v8, v9  }
0x4cd: {  	v6 =	vmul.f32 v6, v10  }
0x4ce: {  	[tilespmem:s9+$0x100] =	vst v8;
	v5 =	vmul.f32 v7, v5  }
0x4cf: {  	[tilespmem:s9+$0x110] =	vst v6  }
0x4d0: {  	[tilespmem:s9+$0x120] =	vst v5  }
0x4d1: {  	[spmem:s2] =	stream.indirect.scatter.add.f32 [tilespmem:s19], [sflag:$0x2], $0x80, s23, s25, $0xb8;
	[tilespmem:$0x1C700] =	vst v63  }
0x4d2: {  	_ =	swait.ge [sflag:s17], $0x2800  }
0x4d3: {  	[sflag:s17] =	ssyncset.done $0x0  }
0x4d4: {  	[sflag:s17] =	ssyncadd.s32 $0xFFFFD800  }
0x4d5: {  	s0 =	simm.s32 $0x0;
	_ =	swait.ge [sflag:s29], $0x50  }
0x4d6: {  	v5 =	vmov s0;
	[sflag:s29] =	ssyncset.done $0x0  }
0x4d7: {  	v5 =	vshll.u32 v5, $0x7;
	[sflag:s29] =	ssyncadd.s32 $0xFFFFFFB0  }
0x4d8: {  	v5 =	vor.u32 v1, v5;
	_ =	swait.ge [sflag:s29], $0x50  }
0x4d9: {  	v6 =	vor.u32 $0x30, v5;
	[sflag:s29] =	ssyncset.done $0x0  }
0x4da: {  	[sflag:s29] =	ssyncadd.s32 $0xFFFFFFB0  }
0x4db: {  	_ =	swait.ge [sflag:s29], $0x50  }
0x4dc: {  	[sflag:s29] =	ssyncset.done $0x0  }
0x4dd: {  	[sflag:s29] =	ssyncadd.s32 $0xFFFFFFB0  }
0x4de: {  	s7 =	simm.s32 $0x5380;
	v7 =	vld.idx.msk [tilespmem:v6+s30+$0x0], $0xffff  }
0x4df: {  	v8 =	vld [tilespmem:s7+$0x0];
	_ =	sdelay $0x4  }
0x4e0: {  	v7 =	vadd.f32 v8, v7;
	_ =	sdelay $0x1  }
0x4e1: {  	v8 =	vmul.f32 $2.000000030e-01, v7;
	_ =	sdelay $0x1  }
0x4e2: {  	v7 =	vmax.f32 v7, v8  }
0x4e3: {  	v7 =	vmul.f32 $1.442695020e+00, v7;
	_ =	sdelay $0x1  }
0x4e4: {  	(erf) = vpow2.f32 v7;
	_ =	sdelay $0x5  }
0x4e5: {  	v7 =	vor.u32 $0x31, v5;
	_ =	sdelay $0x2  }
0x4e6: {  	v8 =	vpop (erf)  }
0x4e7: {  	[tilespmem:v6+s30+$0x0] =	vst.idx.msk $0xffff, v8  }
0x4e8: {  	s9 =	simm.s32 $0x5400;
	v6 =	vld.idx.msk [tilespmem:v7+s30+$0x0], $0xffff  }
0x4e9: {  	v8 =	vld [tilespmem:s9+$0x0];
	_ =	sdelay $0x4  }
0x4ea: {  	v6 =	vadd.f32 v8, v6;
	_ =	sdelay $0x1  }
0x4eb: {  	v8 =	vmul.f32 $2.000000030e-01, v6;
	_ =	sdelay $0x1  }
0x4ec: {  	v6 =	vmax.f32 v6, v8  }
0x4ed: {  	v6 =	vmul.f32 $1.442695020e+00, v6;
	_ =	sdelay $0x1  }
0x4ee: {  	(erf) = vpow2.f32 v6;
	_ =	sdelay $0x5  }
0x4ef: {  	v6 =	vor.u32 $0x32, v5;
	_ =	sdelay $0x2  }
0x4f0: {  	v5 =	vpop (erf)  }
0x4f1: {  	[tilespmem:v7+s30+$0x0] =	vst.idx.msk $0xffff, v5  }
0x4f2: {  	s22 =	simm.s32 $0x5480;
	v5 =	vld.idx.msk [tilespmem:v6+s30+$0x0], $0xffff  }
0x4f3: {  	v7 =	vld [tilespmem:s22+$0x0];
	_ =	sdelay $0x4  }
0x4f4: {  	v5 =	vadd.f32 v7, v5;
	_ =	sdelay $0x1  }
0x4f5: {  	v7 =	vmul.f32 $2.000000030e-01, v5;
	_ =	sdelay $0x1  }
0x4f6: {  	v5 =	vmax.f32 v5, v7  }
0x4f7: {  	v5 =	vmul.f32 $1.442695020e+00, v5;
	_ =	sdelay $0x1  }
0x4f8: {  	(erf) = vpow2.f32 v5;
	_ =	sdelay $0x2  }
0x4f9: {  	s26 =	simm.s32 $0x10  }
0x4fa: {  	v5 =	vmov s26  }
0x4fb: {  	v5 =	vshll.u32 v5, $0x7  }
0x4fc: {  	v5 =	vor.u32 v1, v5  }
0x4fd: {  	v7 =	vor.u32 $0x30, v5;
	_ =	sdelay $0x1  }
0x4fe: {  	s18 =	simm.s32 $0x5490;
	s0 =	simm.s32 $0x20;
	v8 =	vpop (erf)  }
.LBB2_34:
0x4ff: {  	s7 =	sadd.s32 $0x10, s7  }
0x500: {  	[tilespmem:v6+s30+$0x0] =	vst.idx.msk $0xffff, v8;
	s9 =	sadd.s32 $0x10, s9;
	s20 =	smov.u32 s0;
	s12 =	sadd.s32 $0x10, s0  }
0x501: {  	p0 =	sne.s32 s0, $0x40;
	v6 =	vld.idx.msk [tilespmem:v7+s30+$0x0], $0xffff  }
0x502: {  	v8 =	vld [tilespmem:s7+$0x0];
	_ =	sdelay $0x4  }
0x503: {  	v6 =	vadd.f32 v8, v6;
	_ =	sdelay $0x1  }
0x504: {  	v8 =	vmul.f32 $2.000000030e-01, v6;
	_ =	sdelay $0x1  }
0x505: {  	v6 =	vmax.f32 v6, v8  }
0x506: {  	v6 =	vmul.f32 $1.442695020e+00, v6;
	_ =	sdelay $0x1  }
0x507: {  	(erf) = vpow2.f32 v6;
	_ =	sdelay $0x5  }
0x508: {  	v8 =	vor.u32 $0x31, v5;
	_ =	sdelay $0x2  }
0x509: {  	v6 =	vpop (erf)  }
0x50a: {  	[tilespmem:v7+s30+$0x0] =	vst.idx.msk $0xffff, v6  }
0x50b: {  	v6 =	vld.idx.msk [tilespmem:v8+s30+$0x0], $0xffff  }
0x50c: {  	v7 =	vld [tilespmem:s9+$0x0];
	_ =	sdelay $0x4  }
0x50d: {  	v6 =	vadd.f32 v7, v6;
	_ =	sdelay $0x1  }
0x50e: {  	v7 =	vmul.f32 $2.000000030e-01, v6;
	_ =	sdelay $0x1  }
0x50f: {  	v6 =	vmax.f32 v6, v7  }
0x510: {  	v6 =	vmul.f32 $1.442695020e+00, v6;
	_ =	sdelay $0x1  }
0x511: {  	(erf) = vpow2.f32 v6;
	_ =	sdelay $0x5  }
0x512: {  	v6 =	vor.u32 $0x32, v5;
	_ =	sdelay $0x2  }
0x513: {  	v5 =	vpop (erf)  }
0x514: {  	[tilespmem:v8+s30+$0x0] =	vst.idx.msk $0xffff, v5  }
0x515: {  	v5 =	vld.idx.msk [tilespmem:v6+s30+$0x0], $0xffff  }
0x516: {  	v7 =	vld [tilespmem:s18+$0x0];
	_ =	sdelay $0x4  }
0x517: {  	v5 =	vadd.f32 v7, v5;
	_ =	sdelay $0x1  }
0x518: {  	v7 =	vmul.f32 $2.000000030e-01, v5;
	_ =	sdelay $0x1  }
0x519: {  	v5 =	vmax.f32 v5, v7  }
0x51a: {  	v5 =	vmul.f32 $1.442695020e+00, v5;
	_ =	sdelay $0x1  }
0x51b: {  	(erf) = vpow2.f32 v5;
	_ =	sdelay $0x2  }
0x51c: {  	v5 =	vmov s20  }
0x51d: {  	v5 =	vshll.u32 v5, $0x7  }
.Ltmp16:
0x51e: {  	v5 =	vor.u32 v1, v5;
	(pc) =	sbr.rel @p0 .LBB2_34-.Ltmp16, $2  }
0x51f: {  	v7 =	vor.u32 $0x30, v5;
	_ =	sdelay $0x2  }
0x520: {  	s0 =	smov.u32 s12;
	s18 =	sadd.s32 $0x10, s18;
	v8 =	vpop (erf)  }
0x521: {  	_ =	sdelay $0x3  }
0x522: {  	[tilespmem:v6+s30+$0x0] =	vst.idx.msk $0xffff, v8  }
0x523: {  	s0 =	sadd.s32 $0x10, s7;
	v6 =	vld.idx.msk [tilespmem:v7+s30+$0x0], $0xffff  }
0x524: {  	v8 =	vld [tilespmem:s0+$0x0];
	_ =	sdelay $0x4  }
0x525: {  	v6 =	vadd.f32 v8, v6;
	_ =	sdelay $0x1  }
0x526: {  	v8 =	vmul.f32 $2.000000030e-01, v6;
	_ =	sdelay $0x1  }
0x527: {  	v6 =	vmax.f32 v6, v8  }
0x528: {  	v6 =	vmul.f32 $1.442695020e+00, v6;
	_ =	sdelay $0x1  }
0x529: {  	(erf) = vpow2.f32 v6;
	_ =	sdelay $0x5  }
0x52a: {  	v6 =	vor.u32 $0x31, v5;
	_ =	sdelay $0x2  }
0x52b: {  	v8 =	vpop (erf)  }
0x52c: {  	[tilespmem:v7+s30+$0x0] =	vst.idx.msk $0xffff, v8  }
0x52d: {  	s26 =	sadd.s32 $0x10, s9;
	v7 =	vld.idx.msk [tilespmem:v6+s30+$0x0], $0xffff  }
0x52e: {  	v8 =	vld [tilespmem:s26+$0x0];
	_ =	sdelay $0x4  }
0x52f: {  	v7 =	vadd.f32 v8, v7;
	_ =	sdelay $0x1  }
0x530: {  	v8 =	vmul.f32 $2.000000030e-01, v7;
	_ =	sdelay $0x1  }
0x531: {  	v7 =	vmax.f32 v7, v8  }
0x532: {  	v7 =	vmul.f32 $1.442695020e+00, v7;
	_ =	sdelay $0x1  }
0x533: {  	(erf) = vpow2.f32 v7;
	_ =	sdelay $0x5  }
0x534: {  	v5 =	vor.u32 $0x32, v5;
	_ =	sdelay $0x2  }
0x535: {  	v7 =	vpop (erf)  }
0x536: {  	[tilespmem:v6+s30+$0x0] =	vst.idx.msk $0xffff, v7  }
0x537: {  	v6 =	vld.idx.msk [tilespmem:v5+s30+$0x0], $0xffff  }
0x538: {  	v7 =	vld [tilespmem:s18+$0x0];
	_ =	sdelay $0x4  }
0x539: {  	v6 =	vadd.f32 v7, v6;
	_ =	sdelay $0x1  }
0x53a: {  	v7 =	vmul.f32 $2.000000030e-01, v6;
	_ =	sdelay $0x1  }
0x53b: {  	v6 =	vmax.f32 v6, v7  }
0x53c: {  	v6 =	vmul.f32 $1.442695020e+00, v6;
	_ =	sdelay $0x1  }
0x53d: {  	(erf) = vpow2.f32 v6;
	_ =	sdelay $0x8  }
0x53e: {  	v6 =	vpop (erf)  }
0x53f: {  	s7 =	simm.s32 $0x0;
	[tilespmem:v5+s30+$0x0] =	vst.idx.msk $0xffff, v6  }
0x540: {  	v5 =	vld [tilespmem:s7+$0x2BB0];
	_ =	sdelay $0x1  }
0x541: {  	v6 =	vld [tilespmem:s7+$0x2B80]  }
0x542: {  	v7 =	vld [tilespmem:s7+$0x2B90]  }
0x543: {  	v8 =	vld [tilespmem:s7+$0x2BA0]  }
0x544: {  	v9 =	vperm.xlane v5, v2  }
0x545: {  	v10 =	vperm.xlane v5, v3  }
0x546: {  	s9 =	simm.s32 $0x80;
	v11 =	vperm.xlane v5, v4;
	v9 =	vmul.f32 v6, v9  }
0x547: {  	v5 =	vld [tilespmem:s9+$0x2BB0];
	v6 =	vmul.f32 v7, v10  }
0x548: {  	s12 =	simm.s32 $0x400;
	v7 =	vmul.f32 v8, v11;
	[tilespmem:s7+$0x2B80] =	vst v9  }
.LBB2_36:
0x549: {  	p0 =	sne.s32 s12, $0x9E00;
	v8 =	vld [tilespmem:s9+$0x2B80];
	[tilespmem:s7+$0x2B90] =	vst v6  }
0x54a: {  	v6 =	vld [tilespmem:s9+$0x2B90];
	[tilespmem:s7+$0x2BA0] =	vst v7;
	s7 =	smov.u32 s9  }
0x54b: {  	v7 =	vld [tilespmem:s7+$0x2BA0]  }
.Ltmp17:
0x54c: {  	v9 =	vperm.xlane v5, v2;
	(pc) =	sbr.rel @p0 .LBB2_36-.Ltmp17, $4  }
0x54d: {  	v10 =	vperm.xlane v5, v3  }
0x54e: {  	s9 =	sshra.s32 s12, $0x2;
	v8 =	vmul.f32 v8, v9;
	v9 =	vperm.xlane v5, v4  }
0x54f: {  	v5 =	vld [tilespmem:s9+$0x2BB0];
	v6 =	vmul.f32 v6, v10  }
0x550: {  	s12 =	sadd.s32 $0x200, s12;
	[tilespmem:s7+$0x2B80] =	vst v8;
	v7 =	vmul.f32 v7, v9  }
0x551: {  	v8 =	vld [tilespmem:s9+$0x2B80];
	[tilespmem:s7+$0x2B90] =	vst v6  }
0x552: {  	v6 =	vld [tilespmem:s9+$0x2B90];
	[tilespmem:s7+$0x2BA0] =	vst v7  }
0x553: {  	v7 =	vld [tilespmem:s9+$0x2BA0]  }
0x554: {  	v9 =	vperm.xlane v5, v2  }
0x555: {  	v10 =	vperm.xlane v5, v3  }
0x556: {  	v5 =	vperm.xlane v5, v4;
	v8 =	vmul.f32 v8, v9  }
0x557: {  	v6 =	vmul.f32 v6, v10  }
0x558: {  	[tilespmem:s9+$0x2B80] =	vst v8;
	v5 =	vmul.f32 v7, v5  }
0x559: {  	[tilespmem:s9+$0x2B90] =	vst v6  }
0x55a: {  	[tilespmem:s9+$0x2BA0] =	vst v5  }
0x55b: {  	[spmem:s2] =	stream.indirect.scatter.add.f32 [tilespmem:s30], [sflag:$0x5], $0x80, s28, s25, $0xb8;
	[tilespmem:$0x1C700] =	vst v63  }
0x55c: {  	_ =	swait.ge [sflag:s1], $0x2800  }
0x55d: {  	[sflag:s1] =	ssyncset.done $0x0  }
0x55e: {  	[sflag:s1] =	ssyncadd.s32 $0xFFFFD800  }
0x55f: {  	_ =	swait.ge [sflag:s13], $0x2800  }
0x560: {  	[sflag:s13] =	ssyncset.done $0x0  }
0x561: {  	[sflag:s13] =	ssyncadd.s32 $0xFFFFD800  }
0x562: {  	_ =	swait.ge [sflag:s31], $0x2800  }
0x563: {  	[sflag:s31] =	ssyncset.done $0x0  }
0x564: {  	[sflag:s31] =	ssyncadd.s32 $0xFFFFD800  }
0x565: {  	[bflag:$0x0] =	sbarrier.arrive $0xFFFF  }
0x566: {  	s20 =	rddreg [dreg:$0xd]  }
0x567: {  	s18 =	rddreg [dreg:$0xa]  }
0x568: {  	s12 =	simm.s32 $0xA;
	s21 =	rddreg [dreg:$0x1b];
	s0 =	sshrl.u32 s20, $0x3  }
0x569: {  	[hbm:s21], [sflag:s18] =	dma.local [spmem:s0], $0x2800  }
0x56a: {  	_ =	swait.ge [sflag:s12], $0x2800  }
0x56b: {  	s22 =	sld [smem:$0x7F6];
	_ =	sdelay $0x2  }
0x56c: {  	s26 =	rddreg [dreg:$0x1c];
	s7 =	sadd.s32 $0x1, s22  }
0x56d: {  	p0 =	sne.s32 s7, s26  }
.Ltmp18:
0x56e: {  	_ = 	snop;
	(pc) =	sbr.rel @p0 .LBB2_1-.Ltmp18, $3  }
0x56f: {  	_ =	sdelay $0x1  }
0x570: {  	[sflag:s12] =	ssyncset.done $0x0  }
0x571: {  	[sflag:s12] =	ssyncadd.s32 $0xFFFFD800  }
0x572: {  	_ =	sfence.sel $0x180000  }
0x573: {  	[bflag:$0x0] =	sbarrier.arrive $0xFFFF  }
0x574: {  	_ =	strace $0x90000047  }
0x575: {  	s0 =	stileid.u32;
	[bflag:$0x2] =	sbarrier.arrive $0xFFFF  }
0x576: {  	p0 =	sne.s32 s0, $0x0;
	s0 =	rddreg [dreg:$0x8]  }
0x577: {  	s0 =	sadd.s32 @!p0 $0x100000, s0  }
0x578: {  	[sflag:s0] =	ssyncadd.tile.s32 @!p0 $0x1;
	_ =	shalt  }
.Lfunc_end2:
_tile_overlayer_lowered:
.L_overlay_start_2:
0x579: {  	(tag) =	ssettag $0x2  }
0x57a: {  	s0 =	rddreg [dreg:$0x0];
	s2 =	stileid.u32  }
0x57b: {  	s1 =	rddreg [dreg:$0x1];
	p0 =	sne.s32 s2, $0x0  }
0x57c: {  	s3 =	rddreg [dreg:$0x2];
	[bflag:$0x3] =	sbarrier.arrive $0xFFFF;
	s2 =	simm.s32 @!p0 $0x1C0A  }
0x57d: {  	[timem:s3], [sflag:s2] =	dma.local @!p0 [hbm:s0], s1  }
0x57e: {  	s0 =	simm.s32 @!p0 $0xA  }
0x57f: {  	_ =	swait.ge @!p0 [sflag:s0], s1  }
0x580: {  	s1 =	ssub.s32 @!p0 $0x0, s1;
	[sflag:s0] =	ssyncset.done @!p0 $0x0  }
0x581: {  	[sflag:s0] =	ssyncadd.s32 @!p0 s1  }
0x582: {  	[bflag:$0x3] =	sbarrier.arrive $0xFFFF  }
0x583: {  	_ =	shalt  }

</sc_bundles>
